<compile_context>
chip_gen: v7x
topology: tpu7x:2x2x1
jax: 0.10.2.dev20260603
libtpu: 0.0.44.dev20260713+nightly
codegen_flags: <defaults>
</compile_context>

<pallas_src>
import functools

import jax
import jax.numpy as jnp
from jax import lax
from jax.experimental import pallas as pl
from jax.experimental.pallas import tpu as pltpu
from jax.experimental.pallas import tpu_sc as plsc

BATCH = 1024
SEQ = 77
VOCAB = 49408
DIM = 768

NC = 2
NS = 16
NW = NC * NS

B = BATCH * SEQ
B_PER_W = B // NW
CHUNK = 8
NCHUNK = B_PER_W // CHUNK
K = 14
L = 7
MAIN = (NCHUNK - 2 * L) // K

_mesh = plsc.VectorSubcoreMesh(
    core_axis_name="c", subcore_axis_name="s", num_cores=NC, num_subcores=NS
)


@functools.partial(
    pl.kernel,
    mesh=_mesh,
    out_type=jax.ShapeDtypeStruct((B, DIM), jnp.float32),
    scratch_types=[
        pltpu.VMEM((B_PER_W,), jnp.int32),
        pltpu.VMEM((K, CHUNK, DIM), jnp.float32),
        pltpu.SemaphoreType.DMA((K,)),
        pltpu.SemaphoreType.DMA((K,)),
    ],
)
def _sc_gather(idx_hbm, table_hbm, out_hbm, idx_v, bufs, gsem, ssem):
    wid = lax.axis_index("s") * NC + lax.axis_index("c")
    base = wid * B_PER_W

    pltpu.sync_copy(idx_hbm.at[pl.ds(base, B_PER_W)], idx_v)

    def gather_start(c, slot):
        pltpu.async_copy(
            table_hbm.at[idx_v.at[pl.ds(c * CHUNK, CHUNK)]],
            bufs.at[slot],
            gsem.at[slot],
        )

    def gather_wait(slot):
        pltpu.make_async_copy(
            table_hbm.at[idx_v.at[pl.ds(0, CHUNK)]], bufs.at[slot], gsem.at[slot]
        ).wait()

    def store_start(c, slot):
        pltpu.async_copy(
            bufs.at[slot], out_hbm.at[pl.ds(base + c * CHUNK, CHUNK)], ssem.at[slot]
        )

    def store_wait(slot):
        pltpu.make_async_copy(
            bufs.at[slot], out_hbm.at[pl.ds(base, CHUNK)], ssem.at[slot]
        ).wait()

    for j in range(L):
        gather_start(j, j)
    for c in range(L):
        gather_start(c + L, c + L)
        gather_wait(c)
        store_start(c, c)

    def body(i, _):
        for b in range(K):
            c = L + K * i + b
            slot = (L + b) % K
            store_wait(b)
            gather_start(c + L, (2 * L + b) % K)
            gather_wait(slot)
            store_start(c, slot)
        return ()

    lax.fori_loop(0, MAIN, body, (), unroll=False)

    for k in range(L):
        c = NCHUNK - L + k
        slot = c % K
        gather_wait(slot)
        store_start(c, slot)
    for j in range(2 * L):
        store_wait((NCHUNK - 2 * L + j) % K)


def kernel(input_ids, table):
    idx = jnp.transpose(input_ids).reshape(-1)
    out = _sc_gather(idx, table)
    return out.reshape(SEQ, BATCH, DIM).transpose(1, 0, 2)

# --- scband reference (transcript-rebuilt; emitter-appended) ---
"""Pipeline reference for scband-embeddings-with-fixes-18640158064987 (READ-ONLY COPY).

The authoritative reference and input builder live on the scoring server;
editing this copy changes nothing except your own understanding.
"""

import jax, jax.numpy as jnp
import numpy as np

BATCH = 1024
SEQ = 77
VOCAB = 49408
DIM = 768


def setup_inputs(seed: int = 0) -> dict:
    key = jax.random.key(seed)
    k1, k2 = jax.random.split(key)
    input_ids = jax.random.randint(k1, (BATCH, SEQ), 0, VOCAB, dtype=jnp.int32)
    table = jax.random.normal(k2, (VOCAB, DIM), dtype=jnp.float32) * 0.02
    return {"input_ids": input_ids, "table": table}


def reference(input_ids, table):
    # EmbeddingsWithFixes.forward: batch_fixes = self.embeddings.fixes (None in the
    # steady state after being consumed); inputs_embeds = self.wrapped(input_ids).
    # With batch_fixes None/empty the module returns the plain embedding lookup.
    batch_fixes = None
    inputs_embeds = jnp.take(table, input_ids, axis=0)
    if batch_fixes is None or len(batch_fixes) == 0:
        return inputs_embeds
    # (textual-inversion fix path: splice embedding.vec rows into per-sample
    # sequences at given offsets; not exercised when no custom embeddings hit)
    return inputs_embeds

if __name__ == "__main__":
    import jax
    _d = setup_inputs()
    print(jax.jit(kernel)(*tuple(_d.values())))

</pallas_src>

<mosaic_0001>
#map = affine_map<(d0, d1) -> (0)>
#map1 = affine_map<(d0, d1) -> (0, 0)>
module attributes {stable_mosaic.version = 14 : i64} {
  func.func @_sc_gather(%arg0: i32, %arg1: i32, %arg2: memref<78848xi32, #tpu.memory_space<hbm>>, %arg3: memref<49408x768xf32, #tpu.memory_space<hbm>>, %arg4: memref<78848x768xf32, #tpu.memory_space<hbm>>, %arg5: memref<2464xi32, #tpu.memory_space<vmem>>, %arg6: memref<14x8x768xf32, #tpu.memory_space<vmem>>, %arg7: memref<14x!tpu.dma_semaphore, #tpu.memory_space<semaphore_mem>>, %arg8: memref<14x!tpu.dma_semaphore, #tpu.memory_space<semaphore_mem>>) attributes {dimension_semantics = [#tpu.dimension_semantics<core_parallel>, #tpu.dimension_semantics<subcore_parallel>], iteration_bounds = array<i64: 2, 16>, scalar_prefetch = 0 : i64, scratch_operands = 4 : i64, tpu.core_type = #tpu.core_type<sc_vector_subcore>, window_params = [{transform_indices = #map}, {transform_indices = #map1}, {transform_indices = #map1}]} {
    %mul3A = arith.constant 2 : i32
    %mul3A_0 = arith.muli %arg1, %mul3A : i32
    %add3A = arith.addi %mul3A_0, %arg0 : i32
    %mul3A_1 = arith.constant 2464 : i32
    %mul3A_2 = arith.muli %add3A, %mul3A_1 : i32
    "tpu.region"() ({
      %run_scoped3A = tpu.sem_alloc : memref<!tpu.dma_semaphore, #tpu.memory_space<semaphore_mem>>
      %dma_start3A_845 = tpu.memref_slice %arg2[%mul3A_2] : memref<78848xi32, #tpu.memory_space<hbm>> -> memref<2464xi32, #tpu.memory_space<hbm>>
      %dma_start3A_846 = tpu.memref_slice %arg2[%mul3A_2] : memref<78848xi32, #tpu.memory_space<hbm>> -> memref<2464xi32, #tpu.memory_space<hbm>>
      tpu.enqueue_dma source(%dma_start3A_846 : memref<2464xi32, #tpu.memory_space<hbm>>) target(%arg5 : memref<2464xi32, #tpu.memory_space<vmem>>) target_semaphore(%run_scoped3A : memref<!tpu.dma_semaphore, #tpu.memory_space<semaphore_mem>>)
      %dma_wait3A_847 = tpu.memref_slice %arg2[%mul3A_2] : memref<78848xi32, #tpu.memory_space<hbm>> -> memref<2464xi32, #tpu.memory_space<hbm>>
      %dma_wait3A_848 = tpu.memref_slice %arg2[%mul3A_2] : memref<78848xi32, #tpu.memory_space<hbm>> -> memref<2464xi32, #tpu.memory_space<hbm>>
      tpu.wait_dma2 semaphore(%run_scoped3A : memref<!tpu.dma_semaphore, #tpu.memory_space<semaphore_mem>>) src(%dma_wait3A_848 : memref<2464xi32, #tpu.memory_space<hbm>>) dst(%arg5 : memref<2464xi32, #tpu.memory_space<vmem>>)
      tpu.yield
    }) : () -> ()
    %dma_start3A = arith.constant 0 : i32
    %dma_start3A_3 = arith.constant 0 : i32
    %dma_start3A_4 = arith.constant 0 : i32
    %dma_start3A_5 = arith.constant 0 : i32
    %dma_start3A_6 = tpu.memref_slice %arg6[%dma_start3A, %dma_start3A_4, %dma_start3A_5] : memref<14x8x768xf32, #tpu.memory_space<vmem>> -> memref<1x8x768xf32, #tpu.memory_space<vmem>>
    %dma_start3A_7 = tpu.memref_squeeze %dma_start3A_6 : memref<1x8x768xf32, #tpu.memory_space<vmem>> -> memref<8x768xf32, #tpu.memory_space<vmem>>
    %dma_start3A_8 = arith.constant 0 : i32
    %dma_start3A_9 = tpu.memref_slice %arg5[%dma_start3A_8] : memref<2464xi32, #tpu.memory_space<vmem>> -> memref<8xi32, #tpu.memory_space<vmem>>
    %dma_start3A_10 = arith.constant 0 : i32
    %dma_start3A_11 = arith.constant 0 : i32
    %dma_start3A_12 = tpu.memref_slice %arg3[%dma_start3A_10, %dma_start3A_11] : memref<49408x768xf32, #tpu.memory_space<hbm>> -> memref<49408x768xf32, #tpu.memory_space<hbm>>
    %dma_start3A_13 = tpu.memref_slice %arg7[%dma_start3A_3] : memref<14x!tpu.dma_semaphore, #tpu.memory_space<semaphore_mem>> -> memref<1x!tpu.dma_semaphore, #tpu.memory_space<semaphore_mem>>
    %dma_start3A_14 = tpu.memref_squeeze %dma_start3A_13 : memref<1x!tpu.dma_semaphore, #tpu.memory_space<semaphore_mem>> -> memref<!tpu.dma_semaphore, #tpu.memory_space<semaphore_mem>>
    tpu.enqueue_indirect_dma source(%dma_start3A_12 : memref<49408x768xf32, #tpu.memory_space<hbm>>) target(%dma_start3A_7 : memref<8x768xf32, #tpu.memory_space<vmem>>) offsets(%dma_start3A_9 : memref<8xi32, #tpu.memory_space<vmem>>) semaphore(%dma_start3A_14 : memref<!tpu.dma_semaphore, #tpu.memory_space<semaphore_mem>>)
    %dma_start3A_15 = arith.constant 1 : i32
    %dma_start3A_16 = arith.constant 1 : i32
    %dma_start3A_17 = arith.constant 0 : i32
    %dma_start3A_18 = arith.constant 0 : i32
    %dma_start3A_19 = tpu.memref_slice %arg6[%dma_start3A_15, %dma_start3A_17, %dma_start3A_18] : memref<14x8x768xf32, #tpu.memory_space<vmem>> -> memref<1x8x768xf32, #tpu.memory_space<vmem>>
    %dma_start3A_20 = tpu.memref_squeeze %dma_start3A_19 : memref<1x8x768xf32, #tpu.memory_space<vmem>> -> memref<8x768xf32, #tpu.memory_space<vmem>>
    %dma_start3A_21 = arith.constant 8 : i32
    %dma_start3A_22 = tpu.memref_slice %arg5[%dma_start3A_21] : memref<2464xi32, #tpu.memory_space<vmem>> -> memref<8xi32, #tpu.memory_space<vmem>>
    %dma_start3A_23 = arith.constant 0 : i32
    %dma_start3A_24 = arith.constant 0 : i32
    %dma_start3A_25 = tpu.memref_slice %arg3[%dma_start3A_23, %dma_start3A_24] : memref<49408x768xf32, #tpu.memory_space<hbm>> -> memref<49408x768xf32, #tpu.memory_space<hbm>>
    %dma_start3A_26 = tpu.memref_slice %arg7[%dma_start3A_16] : memref<14x!tpu.dma_semaphore, #tpu.memory_space<semaphore_mem>> -> memref<1x!tpu.dma_semaphore, #tpu.memory_space<semaphore_mem>>
    %dma_start3A_27 = tpu.memref_squeeze %dma_start3A_26 : memref<1x!tpu.dma_semaphore, #tpu.memory_space<semaphore_mem>> -> memref<!tpu.dma_semaphore, #tpu.memory_space<semaphore_mem>>
    tpu.enqueue_indirect_dma source(%dma_start3A_25 : memref<49408x768xf32, #tpu.memory_space<hbm>>) target(%dma_start3A_20 : memref<8x768xf32, #tpu.memory_space<vmem>>) offsets(%dma_start3A_22 : memref<8xi32, #tpu.memory_space<vmem>>) semaphore(%dma_start3A_27 : memref<!tpu.dma_semaphore, #tpu.memory_space<semaphore_mem>>)
    %dma_start3A_28 = arith.constant 2 : i32
    %dma_start3A_29 = arith.constant 2 : i32
    %dma_start3A_30 = arith.constant 0 : i32
    %dma_start3A_31 = arith.constant 0 : i32
    %dma_start3A_32 = tpu.memref_slice %arg6[%dma_start3A_28, %dma_start3A_30, %dma_start3A_31] : memref<14x8x768xf32, #tpu.memory_space<vmem>> -> memref<1x8x768xf32, #tpu.memory_space<vmem>>
    %dma_start3A_33 = tpu.memref_squeeze %dma_start3A_32 : memref<1x8x768xf32, #tpu.memory_space<vmem>> -> memref<8x768xf32, #tpu.memory_space<vmem>>
    %dma_start3A_34 = arith.constant 16 : i32
    %dma_start3A_35 = tpu.memref_slice %arg5[%dma_start3A_34] : memref<2464xi32, #tpu.memory_space<vmem>> -> memref<8xi32, #tpu.memory_space<vmem>>
    %dma_start3A_36 = arith.constant 0 : i32
    %dma_start3A_37 = arith.constant 0 : i32
    %dma_start3A_38 = tpu.memref_slice %arg3[%dma_start3A_36, %dma_start3A_37] : memref<49408x768xf32, #tpu.memory_space<hbm>> -> memref<49408x768xf32, #tpu.memory_space<hbm>>
    %dma_start3A_39 = tpu.memref_slice %arg7[%dma_start3A_29] : memref<14x!tpu.dma_semaphore, #tpu.memory_space<semaphore_mem>> -> memref<1x!tpu.dma_semaphore, #tpu.memory_space<semaphore_mem>>
    %dma_start3A_40 = tpu.memref_squeeze %dma_start3A_39 : memref<1x!tpu.dma_semaphore, #tpu.memory_space<semaphore_mem>> -> memref<!tpu.dma_semaphore, #tpu.memory_space<semaphore_mem>>
    tpu.enqueue_indirect_dma source(%dma_start3A_38 : memref<49408x768xf32, #tpu.memory_space<hbm>>) target(%dma_start3A_33 : memref<8x768xf32, #tpu.memory_space<vmem>>) offsets(%dma_start3A_35 : memref<8xi32, #tpu.memory_space<vmem>>) semaphore(%dma_start3A_40 : memref<!tpu.dma_semaphore, #tpu.memory_space<semaphore_mem>>)
    %dma_start3A_41 = arith.constant 3 : i32
    %dma_start3A_42 = arith.constant 3 : i32
    %dma_start3A_43 = arith.constant 0 : i32
    %dma_start3A_44 = arith.constant 0 : i32
    %dma_start3A_45 = tpu.memref_slice %arg6[%dma_start3A_41, %dma_start3A_43, %dma_start3A_44] : memref<14x8x768xf32, #tpu.memory_space<vmem>> -> memref<1x8x768xf32, #tpu.memory_space<vmem>>
    %dma_start3A_46 = tpu.memref_squeeze %dma_start3A_45 : memref<1x8x768xf32, #tpu.memory_space<vmem>> -> memref<8x768xf32, #tpu.memory_space<vmem>>
    %dma_start3A_47 = arith.constant 24 : i32
    %dma_start3A_48 = tpu.memref_slice %arg5[%dma_start3A_47] : memref<2464xi32, #tpu.memory_space<vmem>> -> memref<8xi32, #tpu.memory_space<vmem>>
    %dma_start3A_49 = arith.constant 0 : i32
    %dma_start3A_50 = arith.constant 0 : i32
    %dma_start3A_51 = tpu.memref_slice %arg3[%dma_start3A_49, %dma_start3A_50] : memref<49408x768xf32, #tpu.memory_space<hbm>> -> memref<49408x768xf32, #tpu.memory_space<hbm>>
    %dma_start3A_52 = tpu.memref_slice %arg7[%dma_start3A_42] : memref<14x!tpu.dma_semaphore, #tpu.memory_space<semaphore_mem>> -> memref<1x!tpu.dma_semaphore, #tpu.memory_space<semaphore_mem>>
    %dma_start3A_53 = tpu.memref_squeeze %dma_start3A_52 : memref<1x!tpu.dma_semaphore, #tpu.memory_space<semaphore_mem>> -> memref<!tpu.dma_semaphore, #tpu.memory_space<semaphore_mem>>
    tpu.enqueue_indirect_dma source(%dma_start3A_51 : memref<49408x768xf32, #tpu.memory_space<hbm>>) target(%dma_start3A_46 : memref<8x768xf32, #tpu.memory_space<vmem>>) offsets(%dma_start3A_48 : memref<8xi32, #tpu.memory_space<vmem>>) semaphore(%dma_start3A_53 : memref<!tpu.dma_semaphore, #tpu.memory_space<semaphore_mem>>)
    %dma_start3A_54 = arith.constant 4 : i32
    %dma_start3A_55 = arith.constant 4 : i32
    %dma_start3A_56 = arith.constant 0 : i32
    %dma_start3A_57 = arith.constant 0 : i32
    %dma_start3A_58 = tpu.memref_slice %arg6[%dma_start3A_54, %dma_start3A_56, %dma_start3A_57] : memref<14x8x768xf32, #tpu.memory_space<vmem>> -> memref<1x8x768xf32, #tpu.memory_space<vmem>>
    %dma_start3A_59 = tpu.memref_squeeze %dma_start3A_58 : memref<1x8x768xf32, #tpu.memory_space<vmem>> -> memref<8x768xf32, #tpu.memory_space<vmem>>
    %dma_start3A_60 = arith.constant 32 : i32
    %dma_start3A_61 = tpu.memref_slice %arg5[%dma_start3A_60] : memref<2464xi32, #tpu.memory_space<vmem>> -> memref<8xi32, #tpu.memory_space<vmem>>
    %dma_start3A_62 = arith.constant 0 : i32
    %dma_start3A_63 = arith.constant 0 : i32
    %dma_start3A_64 = tpu.memref_slice %arg3[%dma_start3A_62, %dma_start3A_63] : memref<49408x768xf32, #tpu.memory_space<hbm>> -> memref<49408x768xf32, #tpu.memory_space<hbm>>
    %dma_start3A_65 = tpu.memref_slice %arg7[%dma_start3A_55] : memref<14x!tpu.dma_semaphore, #tpu.memory_space<semaphore_mem>> -> memref<1x!tpu.dma_semaphore, #tpu.memory_space<semaphore_mem>>
    %dma_start3A_66 = tpu.memref_squeeze %dma_start3A_65 : memref<1x!tpu.dma_semaphore, #tpu.memory_space<semaphore_mem>> -> memref<!tpu.dma_semaphore, #tpu.memory_space<semaphore_mem>>
    tpu.enqueue_indirect_dma source(%dma_start3A_64 : memref<49408x768xf32, #tpu.memory_space<hbm>>) target(%dma_start3A_59 : memref<8x768xf32, #tpu.memory_space<vmem>>) offsets(%dma_start3A_61 : memref<8xi32, #tpu.memory_space<vmem>>) semaphore(%dma_start3A_66 : memref<!tpu.dma_semaphore, #tpu.memory_space<semaphore_mem>>)
    %dma_start3A_67 = arith.constant 5 : i32
    %dma_start3A_68 = arith.constant 5 : i32
    %dma_start3A_69 = arith.constant 0 : i32
    %dma_start3A_70 = arith.constant 0 : i32
    %dma_start3A_71 = tpu.memref_slice %arg6[%dma_start3A_67, %dma_start3A_69, %dma_start3A_70] : memref<14x8x768xf32, #tpu.memory_space<vmem>> -> memref<1x8x768xf32, #tpu.memory_space<vmem>>
    %dma_start3A_72 = tpu.memref_squeeze %dma_start3A_71 : memref<1x8x768xf32, #tpu.memory_space<vmem>> -> memref<8x768xf32, #tpu.memory_space<vmem>>
    %dma_start3A_73 = arith.constant 40 : i32
    %dma_start3A_74 = tpu.memref_slice %arg5[%dma_start3A_73] : memref<2464xi32, #tpu.memory_space<vmem>> -> memref<8xi32, #tpu.memory_space<vmem>>
    %dma_start3A_75 = arith.constant 0 : i32
    %dma_start3A_76 = arith.constant 0 : i32
    %dma_start3A_77 = tpu.memref_slice %arg3[%dma_start3A_75, %dma_start3A_76] : memref<49408x768xf32, #tpu.memory_space<hbm>> -> memref<49408x768xf32, #tpu.memory_space<hbm>>
    %dma_start3A_78 = tpu.memref_slice %arg7[%dma_start3A_68] : memref<14x!tpu.dma_semaphore, #tpu.memory_space<semaphore_mem>> -> memref<1x!tpu.dma_semaphore, #tpu.memory_space<semaphore_mem>>
    %dma_start3A_79 = tpu.memref_squeeze %dma_start3A_78 : memref<1x!tpu.dma_semaphore, #tpu.memory_space<semaphore_mem>> -> memref<!tpu.dma_semaphore, #tpu.memory_space<semaphore_mem>>
    tpu.enqueue_indirect_dma source(%dma_start3A_77 : memref<49408x768xf32, #tpu.memory_space<hbm>>) target(%dma_start3A_72 : memref<8x768xf32, #tpu.memory_space<vmem>>) offsets(%dma_start3A_74 : memref<8xi32, #tpu.memory_space<vmem>>) semaphore(%dma_start3A_79 : memref<!tpu.dma_semaphore, #tpu.memory_space<semaphore_mem>>)
    %dma_start3A_80 = arith.constant 6 : i32
    %dma_start3A_81 = arith.constant 6 : i32
    %dma_start3A_82 = arith.constant 0 : i32
    %dma_start3A_83 = arith.constant 0 : i32
    %dma_start3A_84 = tpu.memref_slice %arg6[%dma_start3A_80, %dma_start3A_82, %dma_start3A_83] : memref<14x8x768xf32, #tpu.memory_space<vmem>> -> memref<1x8x768xf32, #tpu.memory_space<vmem>>
    %dma_start3A_85 = tpu.memref_squeeze %dma_start3A_84 : memref<1x8x768xf32, #tpu.memory_space<vmem>> -> memref<8x768xf32, #tpu.memory_space<vmem>>
    %dma_start3A_86 = arith.constant 48 : i32
    %dma_start3A_87 = tpu.memref_slice %arg5[%dma_start3A_86] : memref<2464xi32, #tpu.memory_space<vmem>> -> memref<8xi32, #tpu.memory_space<vmem>>
    %dma_start3A_88 = arith.constant 0 : i32
    %dma_start3A_89 = arith.constant 0 : i32
    %dma_start3A_90 = tpu.memref_slice %arg3[%dma_start3A_88, %dma_start3A_89] : memref<49408x768xf32, #tpu.memory_space<hbm>> -> memref<49408x768xf32, #tpu.memory_space<hbm>>
    %dma_start3A_91 = tpu.memref_slice %arg7[%dma_start3A_81] : memref<14x!tpu.dma_semaphore, #tpu.memory_space<semaphore_mem>> -> memref<1x!tpu.dma_semaphore, #tpu.memory_space<semaphore_mem>>
    %dma_start3A_92 = tpu.memref_squeeze %dma_start3A_91 : memref<1x!tpu.dma_semaphore, #tpu.memory_space<semaphore_mem>> -> memref<!tpu.dma_semaphore, #tpu.memory_space<semaphore_mem>>
    tpu.enqueue_indirect_dma source(%dma_start3A_90 : memref<49408x768xf32, #tpu.memory_space<hbm>>) target(%dma_start3A_85 : memref<8x768xf32, #tpu.memory_space<vmem>>) offsets(%dma_start3A_87 : memref<8xi32, #tpu.memory_space<vmem>>) semaphore(%dma_start3A_92 : memref<!tpu.dma_semaphore, #tpu.memory_space<semaphore_mem>>)
    %dma_start3A_93 = arith.constant 7 : i32
    %dma_start3A_94 = arith.constant 7 : i32
    %dma_start3A_95 = arith.constant 0 : i32
    %dma_start3A_96 = arith.constant 0 : i32
    %dma_start3A_97 = tpu.memref_slice %arg6[%dma_start3A_93, %dma_start3A_95, %dma_start3A_96] : memref<14x8x768xf32, #tpu.memory_space<vmem>> -> memref<1x8x768xf32, #tpu.memory_space<vmem>>
    %dma_start3A_98 = tpu.memref_squeeze %dma_start3A_97 : memref<1x8x768xf32, #tpu.memory_space<vmem>> -> memref<8x768xf32, #tpu.memory_space<vmem>>
    %dma_start3A_99 = arith.constant 56 : i32
    %dma_start3A_100 = tpu.memref_slice %arg5[%dma_start3A_99] : memref<2464xi32, #tpu.memory_space<vmem>> -> memref<8xi32, #tpu.memory_space<vmem>>
    %dma_start3A_101 = arith.constant 0 : i32
    %dma_start3A_102 = arith.constant 0 : i32
    %dma_start3A_103 = tpu.memref_slice %arg3[%dma_start3A_101, %dma_start3A_102] : memref<49408x768xf32, #tpu.memory_space<hbm>> -> memref<49408x768xf32, #tpu.memory_space<hbm>>
    %dma_start3A_104 = tpu.memref_slice %arg7[%dma_start3A_94] : memref<14x!tpu.dma_semaphore, #tpu.memory_space<semaphore_mem>> -> memref<1x!tpu.dma_semaphore, #tpu.memory_space<semaphore_mem>>
    %dma_start3A_105 = tpu.memref_squeeze %dma_start3A_104 : memref<1x!tpu.dma_semaphore, #tpu.memory_space<semaphore_mem>> -> memref<!tpu.dma_semaphore, #tpu.memory_space<semaphore_mem>>
    tpu.enqueue_indirect_dma source(%dma_start3A_103 : memref<49408x768xf32, #tpu.memory_space<hbm>>) target(%dma_start3A_98 : memref<8x768xf32, #tpu.memory_space<vmem>>) offsets(%dma_start3A_100 : memref<8xi32, #tpu.memory_space<vmem>>) semaphore(%dma_start3A_105 : memref<!tpu.dma_semaphore, #tpu.memory_space<semaphore_mem>>)
    %dma_wait3A = arith.constant 0 : i32
    %dma_wait3A_106 = arith.constant 0 : i32
    %dma_wait3A_107 = arith.constant 0 : i32
    %dma_wait3A_108 = arith.constant 0 : i32
    %dma_wait3A_109 = tpu.memref_slice %arg6[%dma_wait3A, %dma_wait3A_107, %dma_wait3A_108] : memref<14x8x768xf32, #tpu.memory_space<vmem>> -> memref<1x8x768xf32, #tpu.memory_space<vmem>>
    %dma_wait3A_110 = tpu.memref_squeeze %dma_wait3A_109 : memref<1x8x768xf32, #tpu.memory_space<vmem>> -> memref<8x768xf32, #tpu.memory_space<vmem>>
    %dma_wait3A_111 = arith.constant 0 : i32
    %dma_wait3A_112 = tpu.memref_slice %arg5[%dma_wait3A_111] : memref<2464xi32, #tpu.memory_space<vmem>> -> memref<8xi32, #tpu.memory_space<vmem>>
    %dma_wait3A_113 = arith.constant 0 : i32
    %dma_wait3A_114 = arith.constant 0 : i32
    %dma_wait3A_115 = tpu.memref_slice %arg3[%dma_wait3A_113, %dma_wait3A_114] : memref<49408x768xf32, #tpu.memory_space<hbm>> -> memref<49408x768xf32, #tpu.memory_space<hbm>>
    %dma_wait3A_116 = tpu.memref_slice %arg7[%dma_wait3A_106] : memref<14x!tpu.dma_semaphore, #tpu.memory_space<semaphore_mem>> -> memref<1x!tpu.dma_semaphore, #tpu.memory_space<semaphore_mem>>
    %dma_wait3A_117 = tpu.memref_squeeze %dma_wait3A_116 : memref<1x!tpu.dma_semaphore, #tpu.memory_space<semaphore_mem>> -> memref<!tpu.dma_semaphore, #tpu.memory_space<semaphore_mem>>
    tpu.wait_indirect_dma semaphore(%dma_wait3A_117 : memref<!tpu.dma_semaphore, #tpu.memory_space<semaphore_mem>>) src(%dma_wait3A_115 : memref<49408x768xf32, #tpu.memory_space<hbm>>) dst(%dma_wait3A_110 : memref<8x768xf32, #tpu.memory_space<vmem>>)
    %add3A_118 = arith.constant 0 : i32
    %add3A_119 = arith.addi %mul3A_2, %add3A_118 : i32
    %dma_start3A_120 = arith.constant 0 : i32
    %dma_start3A_121 = arith.constant 0 : i32
    %dma_start3A_122 = arith.constant 0 : i32
    %dma_start3A_123 = arith.constant 0 : i32
    %dma_start3A_124 = tpu.memref_slice %arg6[%dma_start3A_120, %dma_start3A_122, %dma_start3A_123] : memref<14x8x768xf32, #tpu.memory_space<vmem>> -> memref<1x8x768xf32, #tpu.memory_space<vmem>>
    %dma_start3A_125 = tpu.memref_squeeze %dma_start3A_124 : memref<1x8x768xf32, #tpu.memory_space<vmem>> -> memref<8x768xf32, #tpu.memory_space<vmem>>
    %dma_start3A_126 = arith.constant 0 : i32
    %dma_start3A_127 = tpu.memref_slice %arg4[%add3A_119, %dma_start3A_126] : memref<78848x768xf32, #tpu.memory_space<hbm>> -> memref<8x768xf32, #tpu.memory_space<hbm>>
    %dma_start3A_128 = tpu.memref_slice %arg8[%dma_start3A_121] : memref<14x!tpu.dma_semaphore, #tpu.memory_space<semaphore_mem>> -> memref<1x!tpu.dma_semaphore, #tpu.memory_space<semaphore_mem>>
    %dma_start3A_129 = tpu.memref_squeeze %dma_start3A_128 : memref<1x!tpu.dma_semaphore, #tpu.memory_space<semaphore_mem>> -> memref<!tpu.dma_semaphore, #tpu.memory_space<semaphore_mem>>
    %dma_start3A_130 = arith.constant 0 : i32
    %dma_start3A_131 = tpu.memref_slice %arg4[%add3A_119, %dma_start3A_130] : memref<78848x768xf32, #tpu.memory_space<hbm>> -> memref<8x768xf32, #tpu.memory_space<hbm>>
    %dma_start3A_132 = arith.constant 0 : i32
    %dma_start3A_133 = arith.constant 0 : i32
    %dma_start3A_134 = tpu.memref_slice %arg6[%dma_start3A_120, %dma_start3A_132, %dma_start3A_133] : memref<14x8x768xf32, #tpu.memory_space<vmem>> -> memref<1x8x768xf32, #tpu.memory_space<vmem>>
    %dma_start3A_135 = tpu.memref_squeeze %dma_start3A_134 : memref<1x8x768xf32, #tpu.memory_space<vmem>> -> memref<8x768xf32, #tpu.memory_space<vmem>>
    tpu.enqueue_dma source(%dma_start3A_135 : memref<8x768xf32, #tpu.memory_space<vmem>>) target(%dma_start3A_131 : memref<8x768xf32, #tpu.memory_space<hbm>>) target_semaphore(%dma_start3A_129 : memref<!tpu.dma_semaphore, #tpu.memory_space<semaphore_mem>>)
    %dma_start3A_136 = arith.constant 8 : i32
    %dma_start3A_137 = arith.constant 8 : i32
    %dma_start3A_138 = arith.constant 0 : i32
    %dma_start3A_139 = arith.constant 0 : i32
    %dma_start3A_140 = tpu.memref_slice %arg6[%dma_start3A_136, %dma_start3A_138, %dma_start3A_139] : memref<14x8x768xf32, #tpu.memory_space<vmem>> -> memref<1x8x768xf32, #tpu.memory_space<vmem>>
    %dma_start3A_141 = tpu.memref_squeeze %dma_start3A_140 : memref<1x8x768xf32, #tpu.memory_space<vmem>> -> memref<8x768xf32, #tpu.memory_space<vmem>>
    %dma_start3A_142 = arith.constant 64 : i32
    %dma_start3A_143 = tpu.memref_slice %arg5[%dma_start3A_142] : memref<2464xi32, #tpu.memory_space<vmem>> -> memref<8xi32, #tpu.memory_space<vmem>>
    %dma_start3A_144 = arith.constant 0 : i32
    %dma_start3A_145 = arith.constant 0 : i32
    %dma_start3A_146 = tpu.memref_slice %arg3[%dma_start3A_144, %dma_start3A_145] : memref<49408x768xf32, #tpu.memory_space<hbm>> -> memref<49408x768xf32, #tpu.memory_space<hbm>>
    %dma_start3A_147 = tpu.memref_slice %arg7[%dma_start3A_137] : memref<14x!tpu.dma_semaphore, #tpu.memory_space<semaphore_mem>> -> memref<1x!tpu.dma_semaphore, #tpu.memory_space<semaphore_mem>>
    %dma_start3A_148 = tpu.memref_squeeze %dma_start3A_147 : memref<1x!tpu.dma_semaphore, #tpu.memory_space<semaphore_mem>> -> memref<!tpu.dma_semaphore, #tpu.memory_space<semaphore_mem>>
    tpu.enqueue_indirect_dma source(%dma_start3A_146 : memref<49408x768xf32, #tpu.memory_space<hbm>>) target(%dma_start3A_141 : memref<8x768xf32, #tpu.memory_space<vmem>>) offsets(%dma_start3A_143 : memref<8xi32, #tpu.memory_space<vmem>>) semaphore(%dma_start3A_148 : memref<!tpu.dma_semaphore, #tpu.memory_space<semaphore_mem>>)
    %dma_wait3A_149 = arith.constant 1 : i32
    %dma_wait3A_150 = arith.constant 1 : i32
    %dma_wait3A_151 = arith.constant 0 : i32
    %dma_wait3A_152 = arith.constant 0 : i32
    %dma_wait3A_153 = tpu.memref_slice %arg6[%dma_wait3A_149, %dma_wait3A_151, %dma_wait3A_152] : memref<14x8x768xf32, #tpu.memory_space<vmem>> -> memref<1x8x768xf32, #tpu.memory_space<vmem>>
    %dma_wait3A_154 = tpu.memref_squeeze %dma_wait3A_153 : memref<1x8x768xf32, #tpu.memory_space<vmem>> -> memref<8x768xf32, #tpu.memory_space<vmem>>
    %dma_wait3A_155 = arith.constant 0 : i32
    %dma_wait3A_156 = tpu.memref_slice %arg5[%dma_wait3A_155] : memref<2464xi32, #tpu.memory_space<vmem>> -> memref<8xi32, #tpu.memory_space<vmem>>
    %dma_wait3A_157 = arith.constant 0 : i32
    %dma_wait3A_158 = arith.constant 0 : i32
    %dma_wait3A_159 = tpu.memref_slice %arg3[%dma_wait3A_157, %dma_wait3A_158] : memref<49408x768xf32, #tpu.memory_space<hbm>> -> memref<49408x768xf32, #tpu.memory_space<hbm>>
    %dma_wait3A_160 = tpu.memref_slice %arg7[%dma_wait3A_150] : memref<14x!tpu.dma_semaphore, #tpu.memory_space<semaphore_mem>> -> memref<1x!tpu.dma_semaphore, #tpu.memory_space<semaphore_mem>>
    %dma_wait3A_161 = tpu.memref_squeeze %dma_wait3A_160 : memref<1x!tpu.dma_semaphore, #tpu.memory_space<semaphore_mem>> -> memref<!tpu.dma_semaphore, #tpu.memory_space<semaphore_mem>>
    tpu.wait_indirect_dma semaphore(%dma_wait3A_161 : memref<!tpu.dma_semaphore, #tpu.memory_space<semaphore_mem>>) src(%dma_wait3A_159 : memref<49408x768xf32, #tpu.memory_space<hbm>>) dst(%dma_wait3A_154 : memref<8x768xf32, #tpu.memory_space<vmem>>)
    %add3A_162 = arith.constant 8 : i32
    %add3A_163 = arith.addi %mul3A_2, %add3A_162 : i32
    %dma_start3A_164 = arith.constant 1 : i32
    %dma_start3A_165 = arith.constant 1 : i32
    %dma_start3A_166 = arith.constant 0 : i32
    %dma_start3A_167 = arith.constant 0 : i32
    %dma_start3A_168 = tpu.memref_slice %arg6[%dma_start3A_164, %dma_start3A_166, %dma_start3A_167] : memref<14x8x768xf32, #tpu.memory_space<vmem>> -> memref<1x8x768xf32, #tpu.memory_space<vmem>>
    %dma_start3A_169 = tpu.memref_squeeze %dma_start3A_168 : memref<1x8x768xf32, #tpu.memory_space<vmem>> -> memref<8x768xf32, #tpu.memory_space<vmem>>
    %dma_start3A_170 = arith.constant 0 : i32
    %dma_start3A_171 = tpu.memref_slice %arg4[%add3A_163, %dma_start3A_170] : memref<78848x768xf32, #tpu.memory_space<hbm>> -> memref<8x768xf32, #tpu.memory_space<hbm>>
    %dma_start3A_172 = tpu.memref_slice %arg8[%dma_start3A_165] : memref<14x!tpu.dma_semaphore, #tpu.memory_space<semaphore_mem>> -> memref<1x!tpu.dma_semaphore, #tpu.memory_space<semaphore_mem>>
    %dma_start3A_173 = tpu.memref_squeeze %dma_start3A_172 : memref<1x!tpu.dma_semaphore, #tpu.memory_space<semaphore_mem>> -> memref<!tpu.dma_semaphore, #tpu.memory_space<semaphore_mem>>
    %dma_start3A_174 = arith.constant 0 : i32
    %dma_start3A_175 = tpu.memref_slice %arg4[%add3A_163, %dma_start3A_174] : memref<78848x768xf32, #tpu.memory_space<hbm>> -> memref<8x768xf32, #tpu.memory_space<hbm>>
    %dma_start3A_176 = arith.constant 0 : i32
    %dma_start3A_177 = arith.constant 0 : i32
    %dma_start3A_178 = tpu.memref_slice %arg6[%dma_start3A_164, %dma_start3A_176, %dma_start3A_177] : memref<14x8x768xf32, #tpu.memory_space<vmem>> -> memref<1x8x768xf32, #tpu.memory_space<vmem>>
    %dma_start3A_179 = tpu.memref_squeeze %dma_start3A_178 : memref<1x8x768xf32, #tpu.memory_space<vmem>> -> memref<8x768xf32, #tpu.memory_space<vmem>>
    tpu.enqueue_dma source(%dma_start3A_179 : memref<8x768xf32, #tpu.memory_space<vmem>>) target(%dma_start3A_175 : memref<8x768xf32, #tpu.memory_space<hbm>>) target_semaphore(%dma_start3A_173 : memref<!tpu.dma_semaphore, #tpu.memory_space<semaphore_mem>>)
    %dma_start3A_180 = arith.constant 9 : i32
    %dma_start3A_181 = arith.constant 9 : i32
    %dma_start3A_182 = arith.constant 0 : i32
    %dma_start3A_183 = arith.constant 0 : i32
    %dma_start3A_184 = tpu.memref_slice %arg6[%dma_start3A_180, %dma_start3A_182, %dma_start3A_183] : memref<14x8x768xf32, #tpu.memory_space<vmem>> -> memref<1x8x768xf32, #tpu.memory_space<vmem>>
    %dma_start3A_185 = tpu.memref_squeeze %dma_start3A_184 : memref<1x8x768xf32, #tpu.memory_space<vmem>> -> memref<8x768xf32, #tpu.memory_space<vmem>>
    %dma_start3A_186 = arith.constant 72 : i32
    %dma_start3A_187 = tpu.memref_slice %arg5[%dma_start3A_186] : memref<2464xi32, #tpu.memory_space<vmem>> -> memref<8xi32, #tpu.memory_space<vmem>>
    %dma_start3A_188 = arith.constant 0 : i32
    %dma_start3A_189 = arith.constant 0 : i32
    %dma_start3A_190 = tpu.memref_slice %arg3[%dma_start3A_188, %dma_start3A_189] : memref<49408x768xf32, #tpu.memory_space<hbm>> -> memref<49408x768xf32, #tpu.memory_space<hbm>>
    %dma_start3A_191 = tpu.memref_slice %arg7[%dma_start3A_181] : memref<14x!tpu.dma_semaphore, #tpu.memory_space<semaphore_mem>> -> memref<1x!tpu.dma_semaphore, #tpu.memory_space<semaphore_mem>>
    %dma_start3A_192 = tpu.memref_squeeze %dma_start3A_191 : memref<1x!tpu.dma_semaphore, #tpu.memory_space<semaphore_mem>> -> memref<!tpu.dma_semaphore, #tpu.memory_space<semaphore_mem>>
    tpu.enqueue_indirect_dma source(%dma_start3A_190 : memref<49408x768xf32, #tpu.memory_space<hbm>>) target(%dma_start3A_185 : memref<8x768xf32, #tpu.memory_space<vmem>>) offsets(%dma_start3A_187 : memref<8xi32, #tpu.memory_space<vmem>>) semaphore(%dma_start3A_192 : memref<!tpu.dma_semaphore, #tpu.memory_space<semaphore_mem>>)
    %dma_wait3A_193 = arith.constant 2 : i32
    %dma_wait3A_194 = arith.constant 2 : i32
    %dma_wait3A_195 = arith.constant 0 : i32
    %dma_wait3A_196 = arith.constant 0 : i32
    %dma_wait3A_197 = tpu.memref_slice %arg6[%dma_wait3A_193, %dma_wait3A_195, %dma_wait3A_196] : memref<14x8x768xf32, #tpu.memory_space<vmem>> -> memref<1x8x768xf32, #tpu.memory_space<vmem>>
    %dma_wait3A_198 = tpu.memref_squeeze %dma_wait3A_197 : memref<1x8x768xf32, #tpu.memory_space<vmem>> -> memref<8x768xf32, #tpu.memory_space<vmem>>
    %dma_wait3A_199 = arith.constant 0 : i32
    %dma_wait3A_200 = tpu.memref_slice %arg5[%dma_wait3A_199] : memref<2464xi32, #tpu.memory_space<vmem>> -> memref<8xi32, #tpu.memory_space<vmem>>
    %dma_wait3A_201 = arith.constant 0 : i32
    %dma_wait3A_202 = arith.constant 0 : i32
    %dma_wait3A_203 = tpu.memref_slice %arg3[%dma_wait3A_201, %dma_wait3A_202] : memref<49408x768xf32, #tpu.memory_space<hbm>> -> memref<49408x768xf32, #tpu.memory_space<hbm>>
    %dma_wait3A_204 = tpu.memref_slice %arg7[%dma_wait3A_194] : memref<14x!tpu.dma_semaphore, #tpu.memory_space<semaphore_mem>> -> memref<1x!tpu.dma_semaphore, #tpu.memory_space<semaphore_mem>>
    %dma_wait3A_205 = tpu.memref_squeeze %dma_wait3A_204 : memref<1x!tpu.dma_semaphore, #tpu.memory_space<semaphore_mem>> -> memref<!tpu.dma_semaphore, #tpu.memory_space<semaphore_mem>>
    tpu.wait_indirect_dma semaphore(%dma_wait3A_205 : memref<!tpu.dma_semaphore, #tpu.memory_space<semaphore_mem>>) src(%dma_wait3A_203 : memref<49408x768xf32, #tpu.memory_space<hbm>>) dst(%dma_wait3A_198 : memref<8x768xf32, #tpu.memory_space<vmem>>)
    %add3A_206 = arith.constant 16 : i32
    %add3A_207 = arith.addi %mul3A_2, %add3A_206 : i32
    %dma_start3A_208 = arith.constant 2 : i32
    %dma_start3A_209 = arith.constant 2 : i32
    %dma_start3A_210 = arith.constant 0 : i32
    %dma_start3A_211 = arith.constant 0 : i32
    %dma_start3A_212 = tpu.memref_slice %arg6[%dma_start3A_208, %dma_start3A_210, %dma_start3A_211] : memref<14x8x768xf32, #tpu.memory_space<vmem>> -> memref<1x8x768xf32, #tpu.memory_space<vmem>>
    %dma_start3A_213 = tpu.memref_squeeze %dma_start3A_212 : memref<1x8x768xf32, #tpu.memory_space<vmem>> -> memref<8x768xf32, #tpu.memory_space<vmem>>
    %dma_start3A_214 = arith.constant 0 : i32
    %dma_start3A_215 = tpu.memref_slice %arg4[%add3A_207, %dma_start3A_214] : memref<78848x768xf32, #tpu.memory_space<hbm>> -> memref<8x768xf32, #tpu.memory_space<hbm>>
    %dma_start3A_216 = tpu.memref_slice %arg8[%dma_start3A_209] : memref<14x!tpu.dma_semaphore, #tpu.memory_space<semaphore_mem>> -> memref<1x!tpu.dma_semaphore, #tpu.memory_space<semaphore_mem>>
    %dma_start3A_217 = tpu.memref_squeeze %dma_start3A_216 : memref<1x!tpu.dma_semaphore, #tpu.memory_space<semaphore_mem>> -> memref<!tpu.dma_semaphore, #tpu.memory_space<semaphore_mem>>
    %dma_start3A_218 = arith.constant 0 : i32
    %dma_start3A_219 = tpu.memref_slice %arg4[%add3A_207, %dma_start3A_218] : memref<78848x768xf32, #tpu.memory_space<hbm>> -> memref<8x768xf32, #tpu.memory_space<hbm>>
    %dma_start3A_220 = arith.constant 0 : i32
    %dma_start3A_221 = arith.constant 0 : i32
    %dma_start3A_222 = tpu.memref_slice %arg6[%dma_start3A_208, %dma_start3A_220, %dma_start3A_221] : memref<14x8x768xf32, #tpu.memory_space<vmem>> -> memref<1x8x768xf32, #tpu.memory_space<vmem>>
    %dma_start3A_223 = tpu.memref_squeeze %dma_start3A_222 : memref<1x8x768xf32, #tpu.memory_space<vmem>> -> memref<8x768xf32, #tpu.memory_space<vmem>>
    tpu.enqueue_dma source(%dma_start3A_223 : memref<8x768xf32, #tpu.memory_space<vmem>>) target(%dma_start3A_219 : memref<8x768xf32, #tpu.memory_space<hbm>>) target_semaphore(%dma_start3A_217 : memref<!tpu.dma_semaphore, #tpu.memory_space<semaphore_mem>>)
    %dma_start3A_224 = arith.constant 10 : i32
    %dma_start3A_225 = arith.constant 10 : i32
    %dma_start3A_226 = arith.constant 0 : i32
    %dma_start3A_227 = arith.constant 0 : i32
    %dma_start3A_228 = tpu.memref_slice %arg6[%dma_start3A_224, %dma_start3A_226, %dma_start3A_227] : memref<14x8x768xf32, #tpu.memory_space<vmem>> -> memref<1x8x768xf32, #tpu.memory_space<vmem>>
    %dma_start3A_229 = tpu.memref_squeeze %dma_start3A_228 : memref<1x8x768xf32, #tpu.memory_space<vmem>> -> memref<8x768xf32, #tpu.memory_space<vmem>>
    %dma_start3A_230 = arith.constant 80 : i32
    %dma_start3A_231 = tpu.memref_slice %arg5[%dma_start3A_230] : memref<2464xi32, #tpu.memory_space<vmem>> -> memref<8xi32, #tpu.memory_space<vmem>>
    %dma_start3A_232 = arith.constant 0 : i32
    %dma_start3A_233 = arith.constant 0 : i32
    %dma_start3A_234 = tpu.memref_slice %arg3[%dma_start3A_232, %dma_start3A_233] : memref<49408x768xf32, #tpu.memory_space<hbm>> -> memref<49408x768xf32, #tpu.memory_space<hbm>>
    %dma_start3A_235 = tpu.memref_slice %arg7[%dma_start3A_225] : memref<14x!tpu.dma_semaphore, #tpu.memory_space<semaphore_mem>> -> memref<1x!tpu.dma_semaphore, #tpu.memory_space<semaphore_mem>>
    %dma_start3A_236 = tpu.memref_squeeze %dma_start3A_235 : memref<1x!tpu.dma_semaphore, #tpu.memory_space<semaphore_mem>> -> memref<!tpu.dma_semaphore, #tpu.memory_space<semaphore_mem>>
    tpu.enqueue_indirect_dma source(%dma_start3A_234 : memref<49408x768xf32, #tpu.memory_space<hbm>>) target(%dma_start3A_229 : memref<8x768xf32, #tpu.memory_space<vmem>>) offsets(%dma_start3A_231 : memref<8xi32, #tpu.memory_space<vmem>>) semaphore(%dma_start3A_236 : memref<!tpu.dma_semaphore, #tpu.memory_space<semaphore_mem>>)
    %dma_wait3A_237 = arith.constant 3 : i32
    %dma_wait3A_238 = arith.constant 3 : i32
    %dma_wait3A_239 = arith.constant 0 : i32
    %dma_wait3A_240 = arith.constant 0 : i32
    %dma_wait3A_241 = tpu.memref_slice %arg6[%dma_wait3A_237, %dma_wait3A_239, %dma_wait3A_240] : memref<14x8x768xf32, #tpu.memory_space<vmem>> -> memref<1x8x768xf32, #tpu.memory_space<vmem>>
    %dma_wait3A_242 = tpu.memref_squeeze %dma_wait3A_241 : memref<1x8x768xf32, #tpu.memory_space<vmem>> -> memref<8x768xf32, #tpu.memory_space<vmem>>
    %dma_wait3A_243 = arith.constant 0 : i32
    %dma_wait3A_244 = tpu.memref_slice %arg5[%dma_wait3A_243] : memref<2464xi32, #tpu.memory_space<vmem>> -> memref<8xi32, #tpu.memory_space<vmem>>
    %dma_wait3A_245 = arith.constant 0 : i32
    %dma_wait3A_246 = arith.constant 0 : i32
    %dma_wait3A_247 = tpu.memref_slice %arg3[%dma_wait3A_245, %dma_wait3A_246] : memref<49408x768xf32, #tpu.memory_space<hbm>> -> memref<49408x768xf32, #tpu.memory_space<hbm>>
    %dma_wait3A_248 = tpu.memref_slice %arg7[%dma_wait3A_238] : memref<14x!tpu.dma_semaphore, #tpu.memory_space<semaphore_mem>> -> memref<1x!tpu.dma_semaphore, #tpu.memory_space<semaphore_mem>>
    %dma_wait3A_249 = tpu.memref_squeeze %dma_wait3A_248 : memref<1x!tpu.dma_semaphore, #tpu.memory_space<semaphore_mem>> -> memref<!tpu.dma_semaphore, #tpu.memory_space<semaphore_mem>>
    tpu.wait_indirect_dma semaphore(%dma_wait3A_249 : memref<!tpu.dma_semaphore, #tpu.memory_space<semaphore_mem>>) src(%dma_wait3A_247 : memref<49408x768xf32, #tpu.memory_space<hbm>>) dst(%dma_wait3A_242 : memref<8x768xf32, #tpu.memory_space<vmem>>)
    %add3A_250 = arith.constant 24 : i32
    %add3A_251 = arith.addi %mul3A_2, %add3A_250 : i32
    %dma_start3A_252 = arith.constant 3 : i32
    %dma_start3A_253 = arith.constant 3 : i32
    %dma_start3A_254 = arith.constant 0 : i32
    %dma_start3A_255 = arith.constant 0 : i32
    %dma_start3A_256 = tpu.memref_slice %arg6[%dma_start3A_252, %dma_start3A_254, %dma_start3A_255] : memref<14x8x768xf32, #tpu.memory_space<vmem>> -> memref<1x8x768xf32, #tpu.memory_space<vmem>>
    %dma_start3A_257 = tpu.memref_squeeze %dma_start3A_256 : memref<1x8x768xf32, #tpu.memory_space<vmem>> -> memref<8x768xf32, #tpu.memory_space<vmem>>
    %dma_start3A_258 = arith.constant 0 : i32
    %dma_start3A_259 = tpu.memref_slice %arg4[%add3A_251, %dma_start3A_258] : memref<78848x768xf32, #tpu.memory_space<hbm>> -> memref<8x768xf32, #tpu.memory_space<hbm>>
    %dma_start3A_260 = tpu.memref_slice %arg8[%dma_start3A_253] : memref<14x!tpu.dma_semaphore, #tpu.memory_space<semaphore_mem>> -> memref<1x!tpu.dma_semaphore, #tpu.memory_space<semaphore_mem>>
    %dma_start3A_261 = tpu.memref_squeeze %dma_start3A_260 : memref<1x!tpu.dma_semaphore, #tpu.memory_space<semaphore_mem>> -> memref<!tpu.dma_semaphore, #tpu.memory_space<semaphore_mem>>
    %dma_start3A_262 = arith.constant 0 : i32
    %dma_start3A_263 = tpu.memref_slice %arg4[%add3A_251, %dma_start3A_262] : memref<78848x768xf32, #tpu.memory_space<hbm>> -> memref<8x768xf32, #tpu.memory_space<hbm>>
    %dma_start3A_264 = arith.constant 0 : i32
    %dma_start3A_265 = arith.constant 0 : i32
    %dma_start3A_266 = tpu.memref_slice %arg6[%dma_start3A_252, %dma_start3A_264, %dma_start3A_265] : memref<14x8x768xf32, #tpu.memory_space<vmem>> -> memref<1x8x768xf32, #tpu.memory_space<vmem>>
    %dma_start3A_267 = tpu.memref_squeeze %dma_start3A_266 : memref<1x8x768xf32, #tpu.memory_space<vmem>> -> memref<8x768xf32, #tpu.memory_space<vmem>>
    tpu.enqueue_dma source(%dma_start3A_267 : memref<8x768xf32, #tpu.memory_space<vmem>>) target(%dma_start3A_263 : memref<8x768xf32, #tpu.memory_space<hbm>>) target_semaphore(%dma_start3A_261 : memref<!tpu.dma_semaphore, #tpu.memory_space<semaphore_mem>>)
    %dma_start3A_268 = arith.constant 11 : i32
    %dma_start3A_269 = arith.constant 11 : i32
    %dma_start3A_270 = arith.constant 0 : i32
    %dma_start3A_271 = arith.constant 0 : i32
    %dma_start3A_272 = tpu.memref_slice %arg6[%dma_start3A_268, %dma_start3A_270, %dma_start3A_271] : memref<14x8x768xf32, #tpu.memory_space<vmem>> -> memref<1x8x768xf32, #tpu.memory_space<vmem>>
    %dma_start3A_273 = tpu.memref_squeeze %dma_start3A_272 : memref<1x8x768xf32, #tpu.memory_space<vmem>> -> memref<8x768xf32, #tpu.memory_space<vmem>>
    %dma_start3A_274 = arith.constant 88 : i32
    %dma_start3A_275 = tpu.memref_slice %arg5[%dma_start3A_274] : memref<2464xi32, #tpu.memory_space<vmem>> -> memref<8xi32, #tpu.memory_space<vmem>>
    %dma_start3A_276 = arith.constant 0 : i32
    %dma_start3A_277 = arith.constant 0 : i32
    %dma_start3A_278 = tpu.memref_slice %arg3[%dma_start3A_276, %dma_start3A_277] : memref<49408x768xf32, #tpu.memory_space<hbm>> -> memref<49408x768xf32, #tpu.memory_space<hbm>>
    %dma_start3A_279 = tpu.memref_slice %arg7[%dma_start3A_269] : memref<14x!tpu.dma_semaphore, #tpu.memory_space<semaphore_mem>> -> memref<1x!tpu.dma_semaphore, #tpu.memory_space<semaphore_mem>>
    %dma_start3A_280 = tpu.memref_squeeze %dma_start3A_279 : memref<1x!tpu.dma_semaphore, #tpu.memory_space<semaphore_mem>> -> memref<!tpu.dma_semaphore, #tpu.memory_space<semaphore_mem>>
    tpu.enqueue_indirect_dma source(%dma_start3A_278 : memref<49408x768xf32, #tpu.memory_space<hbm>>) target(%dma_start3A_273 : memref<8x768xf32, #tpu.memory_space<vmem>>) offsets(%dma_start3A_275 : memref<8xi32, #tpu.memory_space<vmem>>) semaphore(%dma_start3A_280 : memref<!tpu.dma_semaphore, #tpu.memory_space<semaphore_mem>>)
    %dma_wait3A_281 = arith.constant 4 : i32
    %dma_wait3A_282 = arith.constant 4 : i32
    %dma_wait3A_283 = arith.constant 0 : i32
    %dma_wait3A_284 = arith.constant 0 : i32
    %dma_wait3A_285 = tpu.memref_slice %arg6[%dma_wait3A_281, %dma_wait3A_283, %dma_wait3A_284] : memref<14x8x768xf32, #tpu.memory_space<vmem>> -> memref<1x8x768xf32, #tpu.memory_space<vmem>>
    %dma_wait3A_286 = tpu.memref_squeeze %dma_wait3A_285 : memref<1x8x768xf32, #tpu.memory_space<vmem>> -> memref<8x768xf32, #tpu.memory_space<vmem>>
    %dma_wait3A_287 = arith.constant 0 : i32
    %dma_wait3A_288 = tpu.memref_slice %arg5[%dma_wait3A_287] : memref<2464xi32, #tpu.memory_space<vmem>> -> memref<8xi32, #tpu.memory_space<vmem>>
    %dma_wait3A_289 = arith.constant 0 : i32
    %dma_wait3A_290 = arith.constant 0 : i32
    %dma_wait3A_291 = tpu.memref_slice %arg3[%dma_wait3A_289, %dma_wait3A_290] : memref<49408x768xf32, #tpu.memory_space<hbm>> -> memref<49408x768xf32, #tpu.memory_space<hbm>>
    %dma_wait3A_292 = tpu.memref_slice %arg7[%dma_wait3A_282] : memref<14x!tpu.dma_semaphore, #tpu.memory_space<semaphore_mem>> -> memref<1x!tpu.dma_semaphore, #tpu.memory_space<semaphore_mem>>
    %dma_wait3A_293 = tpu.memref_squeeze %dma_wait3A_292 : memref<1x!tpu.dma_semaphore, #tpu.memory_space<semaphore_mem>> -> memref<!tpu.dma_semaphore, #tpu.memory_space<semaphore_mem>>
    tpu.wait_indirect_dma semaphore(%dma_wait3A_293 : memref<!tpu.dma_semaphore, #tpu.memory_space<semaphore_mem>>) src(%dma_wait3A_291 : memref<49408x768xf32, #tpu.memory_space<hbm>>) dst(%dma_wait3A_286 : memref<8x768xf32, #tpu.memory_space<vmem>>)
    %add3A_294 = arith.constant 32 : i32
    %add3A_295 = arith.addi %mul3A_2, %add3A_294 : i32
    %dma_start3A_296 = arith.constant 4 : i32
    %dma_start3A_297 = arith.constant 4 : i32
    %dma_start3A_298 = arith.constant 0 : i32
    %dma_start3A_299 = arith.constant 0 : i32
    %dma_start3A_300 = tpu.memref_slice %arg6[%dma_start3A_296, %dma_start3A_298, %dma_start3A_299] : memref<14x8x768xf32, #tpu.memory_space<vmem>> -> memref<1x8x768xf32, #tpu.memory_space<vmem>>
    %dma_start3A_301 = tpu.memref_squeeze %dma_start3A_300 : memref<1x8x768xf32, #tpu.memory_space<vmem>> -> memref<8x768xf32, #tpu.memory_space<vmem>>
    %dma_start3A_302 = arith.constant 0 : i32
    %dma_start3A_303 = tpu.memref_slice %arg4[%add3A_295, %dma_start3A_302] : memref<78848x768xf32, #tpu.memory_space<hbm>> -> memref<8x768xf32, #tpu.memory_space<hbm>>
    %dma_start3A_304 = tpu.memref_slice %arg8[%dma_start3A_297] : memref<14x!tpu.dma_semaphore, #tpu.memory_space<semaphore_mem>> -> memref<1x!tpu.dma_semaphore, #tpu.memory_space<semaphore_mem>>
    %dma_start3A_305 = tpu.memref_squeeze %dma_start3A_304 : memref<1x!tpu.dma_semaphore, #tpu.memory_space<semaphore_mem>> -> memref<!tpu.dma_semaphore, #tpu.memory_space<semaphore_mem>>
    %dma_start3A_306 = arith.constant 0 : i32
    %dma_start3A_307 = tpu.memref_slice %arg4[%add3A_295, %dma_start3A_306] : memref<78848x768xf32, #tpu.memory_space<hbm>> -> memref<8x768xf32, #tpu.memory_space<hbm>>
    %dma_start3A_308 = arith.constant 0 : i32
    %dma_start3A_309 = arith.constant 0 : i32
    %dma_start3A_310 = tpu.memref_slice %arg6[%dma_start3A_296, %dma_start3A_308, %dma_start3A_309] : memref<14x8x768xf32, #tpu.memory_space<vmem>> -> memref<1x8x768xf32, #tpu.memory_space<vmem>>
    %dma_start3A_311 = tpu.memref_squeeze %dma_start3A_310 : memref<1x8x768xf32, #tpu.memory_space<vmem>> -> memref<8x768xf32, #tpu.memory_space<vmem>>
    tpu.enqueue_dma source(%dma_start3A_311 : memref<8x768xf32, #tpu.memory_space<vmem>>) target(%dma_start3A_307 : memref<8x768xf32, #tpu.memory_space<hbm>>) target_semaphore(%dma_start3A_305 : memref<!tpu.dma_semaphore, #tpu.memory_space<semaphore_mem>>)
    %dma_start3A_312 = arith.constant 12 : i32
    %dma_start3A_313 = arith.constant 12 : i32
    %dma_start3A_314 = arith.constant 0 : i32
    %dma_start3A_315 = arith.constant 0 : i32
    %dma_start3A_316 = tpu.memref_slice %arg6[%dma_start3A_312, %dma_start3A_314, %dma_start3A_315] : memref<14x8x768xf32, #tpu.memory_space<vmem>> -> memref<1x8x768xf32, #tpu.memory_space<vmem>>
    %dma_start3A_317 = tpu.memref_squeeze %dma_start3A_316 : memref<1x8x768xf32, #tpu.memory_space<vmem>> -> memref<8x768xf32, #tpu.memory_space<vmem>>
    %dma_start3A_318 = arith.constant 96 : i32
    %dma_start3A_319 = tpu.memref_slice %arg5[%dma_start3A_318] : memref<2464xi32, #tpu.memory_space<vmem>> -> memref<8xi32, #tpu.memory_space<vmem>>
    %dma_start3A_320 = arith.constant 0 : i32
    %dma_start3A_321 = arith.constant 0 : i32
    %dma_start3A_322 = tpu.memref_slice %arg3[%dma_start3A_320, %dma_start3A_321] : memref<49408x768xf32, #tpu.memory_space<hbm>> -> memref<49408x768xf32, #tpu.memory_space<hbm>>
    %dma_start3A_323 = tpu.memref_slice %arg7[%dma_start3A_313] : memref<14x!tpu.dma_semaphore, #tpu.memory_space<semaphore_mem>> -> memref<1x!tpu.dma_semaphore, #tpu.memory_space<semaphore_mem>>
    %dma_start3A_324 = tpu.memref_squeeze %dma_start3A_323 : memref<1x!tpu.dma_semaphore, #tpu.memory_space<semaphore_mem>> -> memref<!tpu.dma_semaphore, #tpu.memory_space<semaphore_mem>>
    tpu.enqueue_indirect_dma source(%dma_start3A_322 : memref<49408x768xf32, #tpu.memory_space<hbm>>) target(%dma_start3A_317 : memref<8x768xf32, #tpu.memory_space<vmem>>) offsets(%dma_start3A_319 : memref<8xi32, #tpu.memory_space<vmem>>) semaphore(%dma_start3A_324 : memref<!tpu.dma_semaphore, #tpu.memory_space<semaphore_mem>>)
    %dma_wait3A_325 = arith.constant 5 : i32
    %dma_wait3A_326 = arith.constant 5 : i32
    %dma_wait3A_327 = arith.constant 0 : i32
    %dma_wait3A_328 = arith.constant 0 : i32
    %dma_wait3A_329 = tpu.memref_slice %arg6[%dma_wait3A_325, %dma_wait3A_327, %dma_wait3A_328] : memref<14x8x768xf32, #tpu.memory_space<vmem>> -> memref<1x8x768xf32, #tpu.memory_space<vmem>>
    %dma_wait3A_330 = tpu.memref_squeeze %dma_wait3A_329 : memref<1x8x768xf32, #tpu.memory_space<vmem>> -> memref<8x768xf32, #tpu.memory_space<vmem>>
    %dma_wait3A_331 = arith.constant 0 : i32
    %dma_wait3A_332 = tpu.memref_slice %arg5[%dma_wait3A_331] : memref<2464xi32, #tpu.memory_space<vmem>> -> memref<8xi32, #tpu.memory_space<vmem>>
    %dma_wait3A_333 = arith.constant 0 : i32
    %dma_wait3A_334 = arith.constant 0 : i32
    %dma_wait3A_335 = tpu.memref_slice %arg3[%dma_wait3A_333, %dma_wait3A_334] : memref<49408x768xf32, #tpu.memory_space<hbm>> -> memref<49408x768xf32, #tpu.memory_space<hbm>>
    %dma_wait3A_336 = tpu.memref_slice %arg7[%dma_wait3A_326] : memref<14x!tpu.dma_semaphore, #tpu.memory_space<semaphore_mem>> -> memref<1x!tpu.dma_semaphore, #tpu.memory_space<semaphore_mem>>
    %dma_wait3A_337 = tpu.memref_squeeze %dma_wait3A_336 : memref<1x!tpu.dma_semaphore, #tpu.memory_space<semaphore_mem>> -> memref<!tpu.dma_semaphore, #tpu.memory_space<semaphore_mem>>
    tpu.wait_indirect_dma semaphore(%dma_wait3A_337 : memref<!tpu.dma_semaphore, #tpu.memory_space<semaphore_mem>>) src(%dma_wait3A_335 : memref<49408x768xf32, #tpu.memory_space<hbm>>) dst(%dma_wait3A_330 : memref<8x768xf32, #tpu.memory_space<vmem>>)
    %add3A_338 = arith.constant 40 : i32
    %add3A_339 = arith.addi %mul3A_2, %add3A_338 : i32
    %dma_start3A_340 = arith.constant 5 : i32
    %dma_start3A_341 = arith.constant 5 : i32
    %dma_start3A_342 = arith.constant 0 : i32
    %dma_start3A_343 = arith.constant 0 : i32
    %dma_start3A_344 = tpu.memref_slice %arg6[%dma_start3A_340, %dma_start3A_342, %dma_start3A_343] : memref<14x8x768xf32, #tpu.memory_space<vmem>> -> memref<1x8x768xf32, #tpu.memory_space<vmem>>
    %dma_start3A_345 = tpu.memref_squeeze %dma_start3A_344 : memref<1x8x768xf32, #tpu.memory_space<vmem>> -> memref<8x768xf32, #tpu.memory_space<vmem>>
    %dma_start3A_346 = arith.constant 0 : i32
    %dma_start3A_347 = tpu.memref_slice %arg4[%add3A_339, %dma_start3A_346] : memref<78848x768xf32, #tpu.memory_space<hbm>> -> memref<8x768xf32, #tpu.memory_space<hbm>>
    %dma_start3A_348 = tpu.memref_slice %arg8[%dma_start3A_341] : memref<14x!tpu.dma_semaphore, #tpu.memory_space<semaphore_mem>> -> memref<1x!tpu.dma_semaphore, #tpu.memory_space<semaphore_mem>>
    %dma_start3A_349 = tpu.memref_squeeze %dma_start3A_348 : memref<1x!tpu.dma_semaphore, #tpu.memory_space<semaphore_mem>> -> memref<!tpu.dma_semaphore, #tpu.memory_space<semaphore_mem>>
    %dma_start3A_350 = arith.constant 0 : i32
    %dma_start3A_351 = tpu.memref_slice %arg4[%add3A_339, %dma_start3A_350] : memref<78848x768xf32, #tpu.memory_space<hbm>> -> memref<8x768xf32, #tpu.memory_space<hbm>>
    %dma_start3A_352 = arith.constant 0 : i32
    %dma_start3A_353 = arith.constant 0 : i32
    %dma_start3A_354 = tpu.memref_slice %arg6[%dma_start3A_340, %dma_start3A_352, %dma_start3A_353] : memref<14x8x768xf32, #tpu.memory_space<vmem>> -> memref<1x8x768xf32, #tpu.memory_space<vmem>>
    %dma_start3A_355 = tpu.memref_squeeze %dma_start3A_354 : memref<1x8x768xf32, #tpu.memory_space<vmem>> -> memref<8x768xf32, #tpu.memory_space<vmem>>
    tpu.enqueue_dma source(%dma_start3A_355 : memref<8x768xf32, #tpu.memory_space<vmem>>) target(%dma_start3A_351 : memref<8x768xf32, #tpu.memory_space<hbm>>) target_semaphore(%dma_start3A_349 : memref<!tpu.dma_semaphore, #tpu.memory_space<semaphore_mem>>)
    %dma_start3A_356 = arith.constant 13 : i32
    %dma_start3A_357 = arith.constant 13 : i32
    %dma_start3A_358 = arith.constant 0 : i32
    %dma_start3A_359 = arith.constant 0 : i32
    %dma_start3A_360 = tpu.memref_slice %arg6[%dma_start3A_356, %dma_start3A_358, %dma_start3A_359] : memref<14x8x768xf32, #tpu.memory_space<vmem>> -> memref<1x8x768xf32, #tpu.memory_space<vmem>>
    %dma_start3A_361 = tpu.memref_squeeze %dma_start3A_360 : memref<1x8x768xf32, #tpu.memory_space<vmem>> -> memref<8x768xf32, #tpu.memory_space<vmem>>
    %dma_start3A_362 = arith.constant 104 : i32
    %dma_start3A_363 = tpu.memref_slice %arg5[%dma_start3A_362] : memref<2464xi32, #tpu.memory_space<vmem>> -> memref<8xi32, #tpu.memory_space<vmem>>
    %dma_start3A_364 = arith.constant 0 : i32
    %dma_start3A_365 = arith.constant 0 : i32
    %dma_start3A_366 = tpu.memref_slice %arg3[%dma_start3A_364, %dma_start3A_365] : memref<49408x768xf32, #tpu.memory_space<hbm>> -> memref<49408x768xf32, #tpu.memory_space<hbm>>
    %dma_start3A_367 = tpu.memref_slice %arg7[%dma_start3A_357] : memref<14x!tpu.dma_semaphore, #tpu.memory_space<semaphore_mem>> -> memref<1x!tpu.dma_semaphore, #tpu.memory_space<semaphore_mem>>
    %dma_start3A_368 = tpu.memref_squeeze %dma_start3A_367 : memref<1x!tpu.dma_semaphore, #tpu.memory_space<semaphore_mem>> -> memref<!tpu.dma_semaphore, #tpu.memory_space<semaphore_mem>>
    tpu.enqueue_indirect_dma source(%dma_start3A_366 : memref<49408x768xf32, #tpu.memory_space<hbm>>) target(%dma_start3A_361 : memref<8x768xf32, #tpu.memory_space<vmem>>) offsets(%dma_start3A_363 : memref<8xi32, #tpu.memory_space<vmem>>) semaphore(%dma_start3A_368 : memref<!tpu.dma_semaphore, #tpu.memory_space<semaphore_mem>>)
    %dma_wait3A_369 = arith.constant 6 : i32
    %dma_wait3A_370 = arith.constant 6 : i32
    %dma_wait3A_371 = arith.constant 0 : i32
    %dma_wait3A_372 = arith.constant 0 : i32
    %dma_wait3A_373 = tpu.memref_slice %arg6[%dma_wait3A_369, %dma_wait3A_371, %dma_wait3A_372] : memref<14x8x768xf32, #tpu.memory_space<vmem>> -> memref<1x8x768xf32, #tpu.memory_space<vmem>>
    %dma_wait3A_374 = tpu.memref_squeeze %dma_wait3A_373 : memref<1x8x768xf32, #tpu.memory_space<vmem>> -> memref<8x768xf32, #tpu.memory_space<vmem>>
    %dma_wait3A_375 = arith.constant 0 : i32
    %dma_wait3A_376 = tpu.memref_slice %arg5[%dma_wait3A_375] : memref<2464xi32, #tpu.memory_space<vmem>> -> memref<8xi32, #tpu.memory_space<vmem>>
    %dma_wait3A_377 = arith.constant 0 : i32
    %dma_wait3A_378 = arith.constant 0 : i32
    %dma_wait3A_379 = tpu.memref_slice %arg3[%dma_wait3A_377, %dma_wait3A_378] : memref<49408x768xf32, #tpu.memory_space<hbm>> -> memref<49408x768xf32, #tpu.memory_space<hbm>>
    %dma_wait3A_380 = tpu.memref_slice %arg7[%dma_wait3A_370] : memref<14x!tpu.dma_semaphore, #tpu.memory_space<semaphore_mem>> -> memref<1x!tpu.dma_semaphore, #tpu.memory_space<semaphore_mem>>
    %dma_wait3A_381 = tpu.memref_squeeze %dma_wait3A_380 : memref<1x!tpu.dma_semaphore, #tpu.memory_space<semaphore_mem>> -> memref<!tpu.dma_semaphore, #tpu.memory_space<semaphore_mem>>
    tpu.wait_indirect_dma semaphore(%dma_wait3A_381 : memref<!tpu.dma_semaphore, #tpu.memory_space<semaphore_mem>>) src(%dma_wait3A_379 : memref<49408x768xf32, #tpu.memory_space<hbm>>) dst(%dma_wait3A_374 : memref<8x768xf32, #tpu.memory_space<vmem>>)
    %add3A_382 = arith.constant 48 : i32
    %add3A_383 = arith.addi %mul3A_2, %add3A_382 : i32
    %dma_start3A_384 = arith.constant 6 : i32
    %dma_start3A_385 = arith.constant 6 : i32
    %dma_start3A_386 = arith.constant 0 : i32
    %dma_start3A_387 = arith.constant 0 : i32
    %dma_start3A_388 = tpu.memref_slice %arg6[%dma_start3A_384, %dma_start3A_386, %dma_start3A_387] : memref<14x8x768xf32, #tpu.memory_space<vmem>> -> memref<1x8x768xf32, #tpu.memory_space<vmem>>
    %dma_start3A_389 = tpu.memref_squeeze %dma_start3A_388 : memref<1x8x768xf32, #tpu.memory_space<vmem>> -> memref<8x768xf32, #tpu.memory_space<vmem>>
    %dma_start3A_390 = arith.constant 0 : i32
    %dma_start3A_391 = tpu.memref_slice %arg4[%add3A_383, %dma_start3A_390] : memref<78848x768xf32, #tpu.memory_space<hbm>> -> memref<8x768xf32, #tpu.memory_space<hbm>>
    %dma_start3A_392 = tpu.memref_slice %arg8[%dma_start3A_385] : memref<14x!tpu.dma_semaphore, #tpu.memory_space<semaphore_mem>> -> memref<1x!tpu.dma_semaphore, #tpu.memory_space<semaphore_mem>>
    %dma_start3A_393 = tpu.memref_squeeze %dma_start3A_392 : memref<1x!tpu.dma_semaphore, #tpu.memory_space<semaphore_mem>> -> memref<!tpu.dma_semaphore, #tpu.memory_space<semaphore_mem>>
    %dma_start3A_394 = arith.constant 0 : i32
    %dma_start3A_395 = tpu.memref_slice %arg4[%add3A_383, %dma_start3A_394] : memref<78848x768xf32, #tpu.memory_space<hbm>> -> memref<8x768xf32, #tpu.memory_space<hbm>>
    %dma_start3A_396 = arith.constant 0 : i32
    %dma_start3A_397 = arith.constant 0 : i32
    %dma_start3A_398 = tpu.memref_slice %arg6[%dma_start3A_384, %dma_start3A_396, %dma_start3A_397] : memref<14x8x768xf32, #tpu.memory_space<vmem>> -> memref<1x8x768xf32, #tpu.memory_space<vmem>>
    %dma_start3A_399 = tpu.memref_squeeze %dma_start3A_398 : memref<1x8x768xf32, #tpu.memory_space<vmem>> -> memref<8x768xf32, #tpu.memory_space<vmem>>
    tpu.enqueue_dma source(%dma_start3A_399 : memref<8x768xf32, #tpu.memory_space<vmem>>) target(%dma_start3A_395 : memref<8x768xf32, #tpu.memory_space<hbm>>) target_semaphore(%dma_start3A_393 : memref<!tpu.dma_semaphore, #tpu.memory_space<semaphore_mem>>)
    %scan3A = arith.constant 0 : i32
    %scan3A_400 = arith.constant 21 : i32
    %scan3A_401 = arith.addi %scan3A, %scan3A_400 : i32
    %scan3A_402 = arith.constant 1 : i32
    scf.for %scan3A_845 = %scan3A to %scan3A_401 step %scan3A_402  : i32 {
      %mul3A_846 = arith.constant 14 : i32
      %mul3A_847 = arith.muli %mul3A_846, %scan3A_845 : i32
      %add3A_848 = arith.constant 7 : i32
      %add3A_849 = arith.addi %add3A_848, %mul3A_847 : i32
      %add3A_850 = arith.constant 0 : i32
      %add3A_851 = arith.addi %add3A_849, %add3A_850 : i32
      %dma_wait3A_852 = arith.constant 0 : i32
      %dma_wait3A_853 = arith.constant 0 : i32
      %dma_wait3A_854 = arith.constant 0 : i32
      %dma_wait3A_855 = arith.constant 0 : i32
      %dma_wait3A_856 = tpu.memref_slice %arg6[%dma_wait3A_852, %dma_wait3A_854, %dma_wait3A_855] : memref<14x8x768xf32, #tpu.memory_space<vmem>> -> memref<1x8x768xf32, #tpu.memory_space<vmem>>
      %dma_wait3A_857 = tpu.memref_squeeze %dma_wait3A_856 : memref<1x8x768xf32, #tpu.memory_space<vmem>> -> memref<8x768xf32, #tpu.memory_space<vmem>>
      %dma_wait3A_858 = arith.constant 0 : i32
      %dma_wait3A_859 = tpu.memref_slice %arg4[%mul3A_2, %dma_wait3A_858] : memref<78848x768xf32, #tpu.memory_space<hbm>> -> memref<8x768xf32, #tpu.memory_space<hbm>>
      %dma_wait3A_860 = tpu.memref_slice %arg8[%dma_wait3A_853] : memref<14x!tpu.dma_semaphore, #tpu.memory_space<semaphore_mem>> -> memref<1x!tpu.dma_semaphore, #tpu.memory_space<semaphore_mem>>
      %dma_wait3A_861 = tpu.memref_squeeze %dma_wait3A_860 : memref<1x!tpu.dma_semaphore, #tpu.memory_space<semaphore_mem>> -> memref<!tpu.dma_semaphore, #tpu.memory_space<semaphore_mem>>
      %dma_wait3A_862 = arith.constant 0 : i32
      %dma_wait3A_863 = tpu.memref_slice %arg4[%mul3A_2, %dma_wait3A_862] : memref<78848x768xf32, #tpu.memory_space<hbm>> -> memref<8x768xf32, #tpu.memory_space<hbm>>
      %dma_wait3A_864 = arith.constant 0 : i32
      %dma_wait3A_865 = arith.constant 0 : i32
      %dma_wait3A_866 = tpu.memref_slice %arg6[%dma_wait3A_852, %dma_wait3A_864, %dma_wait3A_865] : memref<14x8x768xf32, #tpu.memory_space<vmem>> -> memref<1x8x768xf32, #tpu.memory_space<vmem>>
      %dma_wait3A_867 = tpu.memref_squeeze %dma_wait3A_866 : memref<1x8x768xf32, #tpu.memory_space<vmem>> -> memref<8x768xf32, #tpu.memory_space<vmem>>
      tpu.wait_dma2 semaphore(%dma_wait3A_861 : memref<!tpu.dma_semaphore, #tpu.memory_space<semaphore_mem>>) src(%dma_wait3A_867 : memref<8x768xf32, #tpu.memory_space<vmem>>) dst(%dma_wait3A_863 : memref<8x768xf32, #tpu.memory_space<hbm>>)
      %add3A_868 = arith.constant 7 : i32
      %add3A_869 = arith.addi %add3A_851, %add3A_868 : i32
      %mul3A_870 = arith.constant 8 : i32
      %mul3A_871 = arith.muli %add3A_869, %mul3A_870 : i32
      %dma_start3A_872 = arith.constant 0 : i32
      %dma_start3A_873 = arith.constant 0 : i32
      %dma_start3A_874 = arith.constant 0 : i32
      %dma_start3A_875 = arith.constant 0 : i32
      %dma_start3A_876 = tpu.memref_slice %arg6[%dma_start3A_872, %dma_start3A_874, %dma_start3A_875] : memref<14x8x768xf32, #tpu.memory_space<vmem>> -> memref<1x8x768xf32, #tpu.memory_space<vmem>>
      %dma_start3A_877 = tpu.memref_squeeze %dma_start3A_876 : memref<1x8x768xf32, #tpu.memory_space<vmem>> -> memref<8x768xf32, #tpu.memory_space<vmem>>
      %dma_start3A_878 = tpu.memref_slice %arg5[%mul3A_871] : memref<2464xi32, #tpu.memory_space<vmem>> -> memref<8xi32, #tpu.memory_space<vmem>>
      %dma_start3A_879 = arith.constant 0 : i32
      %dma_start3A_880 = arith.constant 0 : i32
      %dma_start3A_881 = tpu.memref_slice %arg3[%dma_start3A_879, %dma_start3A_880] : memref<49408x768xf32, #tpu.memory_space<hbm>> -> memref<49408x768xf32, #tpu.memory_space<hbm>>
      %dma_start3A_882 = tpu.memref_slice %arg7[%dma_start3A_873] : memref<14x!tpu.dma_semaphore, #tpu.memory_space<semaphore_mem>> -> memref<1x!tpu.dma_semaphore, #tpu.memory_space<semaphore_mem>>
      %dma_start3A_883 = tpu.memref_squeeze %dma_start3A_882 : memref<1x!tpu.dma_semaphore, #tpu.memory_space<semaphore_mem>> -> memref<!tpu.dma_semaphore, #tpu.memory_space<semaphore_mem>>
      tpu.enqueue_indirect_dma source(%dma_start3A_881 : memref<49408x768xf32, #tpu.memory_space<hbm>>) target(%dma_start3A_877 : memref<8x768xf32, #tpu.memory_space<vmem>>) offsets(%dma_start3A_878 : memref<8xi32, #tpu.memory_space<vmem>>) semaphore(%dma_start3A_883 : memref<!tpu.dma_semaphore, #tpu.memory_space<semaphore_mem>>)
      %dma_wait3A_884 = arith.constant 7 : i32
      %dma_wait3A_885 = arith.constant 7 : i32
      %dma_wait3A_886 = arith.constant 0 : i32
      %dma_wait3A_887 = arith.constant 0 : i32
      %dma_wait3A_888 = tpu.memref_slice %arg6[%dma_wait3A_884, %dma_wait3A_886, %dma_wait3A_887] : memref<14x8x768xf32, #tpu.memory_space<vmem>> -> memref<1x8x768xf32, #tpu.memory_space<vmem>>
      %dma_wait3A_889 = tpu.memref_squeeze %dma_wait3A_888 : memref<1x8x768xf32, #tpu.memory_space<vmem>> -> memref<8x768xf32, #tpu.memory_space<vmem>>
      %dma_wait3A_890 = arith.constant 0 : i32
      %dma_wait3A_891 = tpu.memref_slice %arg5[%dma_wait3A_890] : memref<2464xi32, #tpu.memory_space<vmem>> -> memref<8xi32, #tpu.memory_space<vmem>>
      %dma_wait3A_892 = arith.constant 0 : i32
      %dma_wait3A_893 = arith.constant 0 : i32
      %dma_wait3A_894 = tpu.memref_slice %arg3[%dma_wait3A_892, %dma_wait3A_893] : memref<49408x768xf32, #tpu.memory_space<hbm>> -> memref<49408x768xf32, #tpu.memory_space<hbm>>
      %dma_wait3A_895 = tpu.memref_slice %arg7[%dma_wait3A_885] : memref<14x!tpu.dma_semaphore, #tpu.memory_space<semaphore_mem>> -> memref<1x!tpu.dma_semaphore, #tpu.memory_space<semaphore_mem>>
      %dma_wait3A_896 = tpu.memref_squeeze %dma_wait3A_895 : memref<1x!tpu.dma_semaphore, #tpu.memory_space<semaphore_mem>> -> memref<!tpu.dma_semaphore, #tpu.memory_space<semaphore_mem>>
      tpu.wait_indirect_dma semaphore(%dma_wait3A_896 : memref<!tpu.dma_semaphore, #tpu.memory_space<semaphore_mem>>) src(%dma_wait3A_894 : memref<49408x768xf32, #tpu.memory_space<hbm>>) dst(%dma_wait3A_889 : memref<8x768xf32, #tpu.memory_space<vmem>>)
      %mul3A_897 = arith.constant 8 : i32
      %mul3A_898 = arith.muli %add3A_851, %mul3A_897 : i32
      %add3A_899 = arith.addi %mul3A_2, %mul3A_898 : i32
      %dma_start3A_900 = arith.constant 7 : i32
      %dma_start3A_901 = arith.constant 7 : i32
      %dma_start3A_902 = arith.constant 0 : i32
      %dma_start3A_903 = arith.constant 0 : i32
      %dma_start3A_904 = tpu.memref_slice %arg6[%dma_start3A_900, %dma_start3A_902, %dma_start3A_903] : memref<14x8x768xf32, #tpu.memory_space<vmem>> -> memref<1x8x768xf32, #tpu.memory_space<vmem>>
      %dma_start3A_905 = tpu.memref_squeeze %dma_start3A_904 : memref<1x8x768xf32, #tpu.memory_space<vmem>> -> memref<8x768xf32, #tpu.memory_space<vmem>>
      %dma_start3A_906 = arith.constant 0 : i32
      %dma_start3A_907 = tpu.memref_slice %arg4[%add3A_899, %dma_start3A_906] : memref<78848x768xf32, #tpu.memory_space<hbm>> -> memref<8x768xf32, #tpu.memory_space<hbm>>
      %dma_start3A_908 = tpu.memref_slice %arg8[%dma_start3A_901] : memref<14x!tpu.dma_semaphore, #tpu.memory_space<semaphore_mem>> -> memref<1x!tpu.dma_semaphore, #tpu.memory_space<semaphore_mem>>
      %dma_start3A_909 = tpu.memref_squeeze %dma_start3A_908 : memref<1x!tpu.dma_semaphore, #tpu.memory_space<semaphore_mem>> -> memref<!tpu.dma_semaphore, #tpu.memory_space<semaphore_mem>>
      %dma_start3A_910 = arith.constant 0 : i32
      %dma_start3A_911 = tpu.memref_slice %arg4[%add3A_899, %dma_start3A_910] : memref<78848x768xf32, #tpu.memory_space<hbm>> -> memref<8x768xf32, #tpu.memory_space<hbm>>
      %dma_start3A_912 = arith.constant 0 : i32
      %dma_start3A_913 = arith.constant 0 : i32
      %dma_start3A_914 = tpu.memref_slice %arg6[%dma_start3A_900, %dma_start3A_912, %dma_start3A_913] : memref<14x8x768xf32, #tpu.memory_space<vmem>> -> memref<1x8x768xf32, #tpu.memory_space<vmem>>
      %dma_start3A_915 = tpu.memref_squeeze %dma_start3A_914 : memref<1x8x768xf32, #tpu.memory_space<vmem>> -> memref<8x768xf32, #tpu.memory_space<vmem>>
      tpu.enqueue_dma source(%dma_start3A_915 : memref<8x768xf32, #tpu.memory_space<vmem>>) target(%dma_start3A_911 : memref<8x768xf32, #tpu.memory_space<hbm>>) target_semaphore(%dma_start3A_909 : memref<!tpu.dma_semaphore, #tpu.memory_space<semaphore_mem>>)
      %mul3A_916 = arith.constant 14 : i32
      %mul3A_917 = arith.muli %mul3A_916, %scan3A_845 : i32
      %add3A_918 = arith.constant 7 : i32
      %add3A_919 = arith.addi %add3A_918, %mul3A_917 : i32
      %add3A_920 = arith.constant 1 : i32
      %add3A_921 = arith.addi %add3A_919, %add3A_920 : i32
      %dma_wait3A_922 = arith.constant 1 : i32
      %dma_wait3A_923 = arith.constant 1 : i32
      %dma_wait3A_924 = arith.constant 0 : i32
      %dma_wait3A_925 = arith.constant 0 : i32
      %dma_wait3A_926 = tpu.memref_slice %arg6[%dma_wait3A_922, %dma_wait3A_924, %dma_wait3A_925] : memref<14x8x768xf32, #tpu.memory_space<vmem>> -> memref<1x8x768xf32, #tpu.memory_space<vmem>>
      %dma_wait3A_927 = tpu.memref_squeeze %dma_wait3A_926 : memref<1x8x768xf32, #tpu.memory_space<vmem>> -> memref<8x768xf32, #tpu.memory_space<vmem>>
      %dma_wait3A_928 = arith.constant 0 : i32
      %dma_wait3A_929 = tpu.memref_slice %arg4[%mul3A_2, %dma_wait3A_928] : memref<78848x768xf32, #tpu.memory_space<hbm>> -> memref<8x768xf32, #tpu.memory_space<hbm>>
      %dma_wait3A_930 = tpu.memref_slice %arg8[%dma_wait3A_923] : memref<14x!tpu.dma_semaphore, #tpu.memory_space<semaphore_mem>> -> memref<1x!tpu.dma_semaphore, #tpu.memory_space<semaphore_mem>>
      %dma_wait3A_931 = tpu.memref_squeeze %dma_wait3A_930 : memref<1x!tpu.dma_semaphore, #tpu.memory_space<semaphore_mem>> -> memref<!tpu.dma_semaphore, #tpu.memory_space<semaphore_mem>>
      %dma_wait3A_932 = arith.constant 0 : i32
      %dma_wait3A_933 = tpu.memref_slice %arg4[%mul3A_2, %dma_wait3A_932] : memref<78848x768xf32, #tpu.memory_space<hbm>> -> memref<8x768xf32, #tpu.memory_space<hbm>>
      %dma_wait3A_934 = arith.constant 0 : i32
      %dma_wait3A_935 = arith.constant 0 : i32
      %dma_wait3A_936 = tpu.memref_slice %arg6[%dma_wait3A_922, %dma_wait3A_934, %dma_wait3A_935] : memref<14x8x768xf32, #tpu.memory_space<vmem>> -> memref<1x8x768xf32, #tpu.memory_space<vmem>>
      %dma_wait3A_937 = tpu.memref_squeeze %dma_wait3A_936 : memref<1x8x768xf32, #tpu.memory_space<vmem>> -> memref<8x768xf32, #tpu.memory_space<vmem>>
      tpu.wait_dma2 semaphore(%dma_wait3A_931 : memref<!tpu.dma_semaphore, #tpu.memory_space<semaphore_mem>>) src(%dma_wait3A_937 : memref<8x768xf32, #tpu.memory_space<vmem>>) dst(%dma_wait3A_933 : memref<8x768xf32, #tpu.memory_space<hbm>>)
      %add3A_938 = arith.constant 7 : i32
      %add3A_939 = arith.addi %add3A_921, %add3A_938 : i32
      %mul3A_940 = arith.constant 8 : i32
      %mul3A_941 = arith.muli %add3A_939, %mul3A_940 : i32
      %dma_start3A_942 = arith.constant 1 : i32
      %dma_start3A_943 = arith.constant 1 : i32
      %dma_start3A_944 = arith.constant 0 : i32
      %dma_start3A_945 = arith.constant 0 : i32
      %dma_start3A_946 = tpu.memref_slice %arg6[%dma_start3A_942, %dma_start3A_944, %dma_start3A_945] : memref<14x8x768xf32, #tpu.memory_space<vmem>> -> memref<1x8x768xf32, #tpu.memory_space<vmem>>
      %dma_start3A_947 = tpu.memref_squeeze %dma_start3A_946 : memref<1x8x768xf32, #tpu.memory_space<vmem>> -> memref<8x768xf32, #tpu.memory_space<vmem>>
      %dma_start3A_948 = tpu.memref_slice %arg5[%mul3A_941] : memref<2464xi32, #tpu.memory_space<vmem>> -> memref<8xi32, #tpu.memory_space<vmem>>
      %dma_start3A_949 = arith.constant 0 : i32
      %dma_start3A_950 = arith.constant 0 : i32
      %dma_start3A_951 = tpu.memref_slice %arg3[%dma_start3A_949, %dma_start3A_950] : memref<49408x768xf32, #tpu.memory_space<hbm>> -> memref<49408x768xf32, #tpu.memory_space<hbm>>
      %dma_start3A_952 = tpu.memref_slice %arg7[%dma_start3A_943] : memref<14x!tpu.dma_semaphore, #tpu.memory_space<semaphore_mem>> -> memref<1x!tpu.dma_semaphore, #tpu.memory_space<semaphore_mem>>
      %dma_start3A_953 = tpu.memref_squeeze %dma_start3A_952 : memref<1x!tpu.dma_semaphore, #tpu.memory_space<semaphore_mem>> -> memref<!tpu.dma_semaphore, #tpu.memory_space<semaphore_mem>>
      tpu.enqueue_indirect_dma source(%dma_start3A_951 : memref<49408x768xf32, #tpu.memory_space<hbm>>) target(%dma_start3A_947 : memref<8x768xf32, #tpu.memory_space<vmem>>) offsets(%dma_start3A_948 : memref<8xi32, #tpu.memory_space<vmem>>) semaphore(%dma_start3A_953 : memref<!tpu.dma_semaphore, #tpu.memory_space<semaphore_mem>>)
      %dma_wait3A_954 = arith.constant 8 : i32
      %dma_wait3A_955 = arith.constant 8 : i32
      %dma_wait3A_956 = arith.constant 0 : i32
      %dma_wait3A_957 = arith.constant 0 : i32
      %dma_wait3A_958 = tpu.memref_slice %arg6[%dma_wait3A_954, %dma_wait3A_956, %dma_wait3A_957] : memref<14x8x768xf32, #tpu.memory_space<vmem>> -> memref<1x8x768xf32, #tpu.memory_space<vmem>>
      %dma_wait3A_959 = tpu.memref_squeeze %dma_wait3A_958 : memref<1x8x768xf32, #tpu.memory_space<vmem>> -> memref<8x768xf32, #tpu.memory_space<vmem>>
      %dma_wait3A_960 = arith.constant 0 : i32
      %dma_wait3A_961 = tpu.memref_slice %arg5[%dma_wait3A_960] : memref<2464xi32, #tpu.memory_space<vmem>> -> memref<8xi32, #tpu.memory_space<vmem>>
      %dma_wait3A_962 = arith.constant 0 : i32
      %dma_wait3A_963 = arith.constant 0 : i32
      %dma_wait3A_964 = tpu.memref_slice %arg3[%dma_wait3A_962, %dma_wait3A_963] : memref<49408x768xf32, #tpu.memory_space<hbm>> -> memref<49408x768xf32, #tpu.memory_space<hbm>>
      %dma_wait3A_965 = tpu.memref_slice %arg7[%dma_wait3A_955] : memref<14x!tpu.dma_semaphore, #tpu.memory_space<semaphore_mem>> -> memref<1x!tpu.dma_semaphore, #tpu.memory_space<semaphore_mem>>
      %dma_wait3A_966 = tpu.memref_squeeze %dma_wait3A_965 : memref<1x!tpu.dma_semaphore, #tpu.memory_space<semaphore_mem>> -> memref<!tpu.dma_semaphore, #tpu.memory_space<semaphore_mem>>
      tpu.wait_indirect_dma semaphore(%dma_wait3A_966 : memref<!tpu.dma_semaphore, #tpu.memory_space<semaphore_mem>>) src(%dma_wait3A_964 : memref<49408x768xf32, #tpu.memory_space<hbm>>) dst(%dma_wait3A_959 : memref<8x768xf32, #tpu.memory_space<vmem>>)
      %mul3A_967 = arith.constant 8 : i32
      %mul3A_968 = arith.muli %add3A_921, %mul3A_967 : i32
      %add3A_969 = arith.addi %mul3A_2, %mul3A_968 : i32
      %dma_start3A_970 = arith.constant 8 : i32
      %dma_start3A_971 = arith.constant 8 : i32
      %dma_start3A_972 = arith.constant 0 : i32
      %dma_start3A_973 = arith.constant 0 : i32
      %dma_start3A_974 = tpu.memref_slice %arg6[%dma_start3A_970, %dma_start3A_972, %dma_start3A_973] : memref<14x8x768xf32, #tpu.memory_space<vmem>> -> memref<1x8x768xf32, #tpu.memory_space<vmem>>
      %dma_start3A_975 = tpu.memref_squeeze %dma_start3A_974 : memref<1x8x768xf32, #tpu.memory_space<vmem>> -> memref<8x768xf32, #tpu.memory_space<vmem>>
      %dma_start3A_976 = arith.constant 0 : i32
      %dma_start3A_977 = tpu.memref_slice %arg4[%add3A_969, %dma_start3A_976] : memref<78848x768xf32, #tpu.memory_space<hbm>> -> memref<8x768xf32, #tpu.memory_space<hbm>>
      %dma_start3A_978 = tpu.memref_slice %arg8[%dma_start3A_971] : memref<14x!tpu.dma_semaphore, #tpu.memory_space<semaphore_mem>> -> memref<1x!tpu.dma_semaphore, #tpu.memory_space<semaphore_mem>>
      %dma_start3A_979 = tpu.memref_squeeze %dma_start3A_978 : memref<1x!tpu.dma_semaphore, #tpu.memory_space<semaphore_mem>> -> memref<!tpu.dma_semaphore, #tpu.memory_space<semaphore_mem>>
      %dma_start3A_980 = arith.constant 0 : i32
      %dma_start3A_981 = tpu.memref_slice %arg4[%add3A_969, %dma_start3A_980] : memref<78848x768xf32, #tpu.memory_space<hbm>> -> memref<8x768xf32, #tpu.memory_space<hbm>>
      %dma_start3A_982 = arith.constant 0 : i32
      %dma_start3A_983 = arith.constant 0 : i32
      %dma_start3A_984 = tpu.memref_slice %arg6[%dma_start3A_970, %dma_start3A_982, %dma_start3A_983] : memref<14x8x768xf32, #tpu.memory_space<vmem>> -> memref<1x8x768xf32, #tpu.memory_space<vmem>>
      %dma_start3A_985 = tpu.memref_squeeze %dma_start3A_984 : memref<1x8x768xf32, #tpu.memory_space<vmem>> -> memref<8x768xf32, #tpu.memory_space<vmem>>
      tpu.enqueue_dma source(%dma_start3A_985 : memref<8x768xf32, #tpu.memory_space<vmem>>) target(%dma_start3A_981 : memref<8x768xf32, #tpu.memory_space<hbm>>) target_semaphore(%dma_start3A_979 : memref<!tpu.dma_semaphore, #tpu.memory_space<semaphore_mem>>)
      %mul3A_986 = arith.constant 14 : i32
      %mul3A_987 = arith.muli %mul3A_986, %scan3A_845 : i32
      %add3A_988 = arith.constant 7 : i32
      %add3A_989 = arith.addi %add3A_988, %mul3A_987 : i32
      %add3A_990 = arith.constant 2 : i32
      %add3A_991 = arith.addi %add3A_989, %add3A_990 : i32
      %dma_wait3A_992 = arith.constant 2 : i32
      %dma_wait3A_993 = arith.constant 2 : i32
      %dma_wait3A_994 = arith.constant 0 : i32
      %dma_wait3A_995 = arith.constant 0 : i32
      %dma_wait3A_996 = tpu.memref_slice %arg6[%dma_wait3A_992, %dma_wait3A_994, %dma_wait3A_995] : memref<14x8x768xf32, #tpu.memory_space<vmem>> -> memref<1x8x768xf32, #tpu.memory_space<vmem>>
      %dma_wait3A_997 = tpu.memref_squeeze %dma_wait3A_996 : memref<1x8x768xf32, #tpu.memory_space<vmem>> -> memref<8x768xf32, #tpu.memory_space<vmem>>
      %dma_wait3A_998 = arith.constant 0 : i32
      %dma_wait3A_999 = tpu.memref_slice %arg4[%mul3A_2, %dma_wait3A_998] : memref<78848x768xf32, #tpu.memory_space<hbm>> -> memref<8x768xf32, #tpu.memory_space<hbm>>
      %dma_wait3A_1000 = tpu.memref_slice %arg8[%dma_wait3A_993] : memref<14x!tpu.dma_semaphore, #tpu.memory_space<semaphore_mem>> -> memref<1x!tpu.dma_semaphore, #tpu.memory_space<semaphore_mem>>
      %dma_wait3A_1001 = tpu.memref_squeeze %dma_wait3A_1000 : memref<1x!tpu.dma_semaphore, #tpu.memory_space<semaphore_mem>> -> memref<!tpu.dma_semaphore, #tpu.memory_space<semaphore_mem>>
      %dma_wait3A_1002 = arith.constant 0 : i32
      %dma_wait3A_1003 = tpu.memref_slice %arg4[%mul3A_2, %dma_wait3A_1002] : memref<78848x768xf32, #tpu.memory_space<hbm>> -> memref<8x768xf32, #tpu.memory_space<hbm>>
      %dma_wait3A_1004 = arith.constant 0 : i32
      %dma_wait3A_1005 = arith.constant 0 : i32
      %dma_wait3A_1006 = tpu.memref_slice %arg6[%dma_wait3A_992, %dma_wait3A_1004, %dma_wait3A_1005] : memref<14x8x768xf32, #tpu.memory_space<vmem>> -> memref<1x8x768xf32, #tpu.memory_space<vmem>>
      %dma_wait3A_1007 = tpu.memref_squeeze %dma_wait3A_1006 : memref<1x8x768xf32, #tpu.memory_space<vmem>> -> memref<8x768xf32, #tpu.memory_space<vmem>>
      tpu.wait_dma2 semaphore(%dma_wait3A_1001 : memref<!tpu.dma_semaphore, #tpu.memory_space<semaphore_mem>>) src(%dma_wait3A_1007 : memref<8x768xf32, #tpu.memory_space<vmem>>) dst(%dma_wait3A_1003 : memref<8x768xf32, #tpu.memory_space<hbm>>)
      %add3A_1008 = arith.constant 7 : i32
      %add3A_1009 = arith.addi %add3A_991, %add3A_1008 : i32
      %mul3A_1010 = arith.constant 8 : i32
      %mul3A_1011 = arith.muli %add3A_1009, %mul3A_1010 : i32
      %dma_start3A_1012 = arith.constant 2 : i32
      %dma_start3A_1013 = arith.constant 2 : i32
      %dma_start3A_1014 = arith.constant 0 : i32
      %dma_start3A_1015 = arith.constant 0 : i32
      %dma_start3A_1016 = tpu.memref_slice %arg6[%dma_start3A_1012, %dma_start3A_1014, %dma_start3A_1015] : memref<14x8x768xf32, #tpu.memory_space<vmem>> -> memref<1x8x768xf32, #tpu.memory_space<vmem>>
      %dma_start3A_1017 = tpu.memref_squeeze %dma_start3A_1016 : memref<1x8x768xf32, #tpu.memory_space<vmem>> -> memref<8x768xf32, #tpu.memory_space<vmem>>
      %dma_start3A_1018 = tpu.memref_slice %arg5[%mul3A_1011] : memref<2464xi32, #tpu.memory_space<vmem>> -> memref<8xi32, #tpu.memory_space<vmem>>
      %dma_start3A_1019 = arith.constant 0 : i32
      %dma_start3A_1020 = arith.constant 0 : i32
      %dma_start3A_1021 = tpu.memref_slice %arg3[%dma_start3A_1019, %dma_start3A_1020] : memref<49408x768xf32, #tpu.memory_space<hbm>> -> memref<49408x768xf32, #tpu.memory_space<hbm>>
      %dma_start3A_1022 = tpu.memref_slice %arg7[%dma_start3A_1013] : memref<14x!tpu.dma_semaphore, #tpu.memory_space<semaphore_mem>> -> memref<1x!tpu.dma_semaphore, #tpu.memory_space<semaphore_mem>>
      %dma_start3A_1023 = tpu.memref_squeeze %dma_start3A_1022 : memref<1x!tpu.dma_semaphore, #tpu.memory_space<semaphore_mem>> -> memref<!tpu.dma_semaphore, #tpu.memory_space<semaphore_mem>>
      tpu.enqueue_indirect_dma source(%dma_start3A_1021 : memref<49408x768xf32, #tpu.memory_space<hbm>>) target(%dma_start3A_1017 : memref<8x768xf32, #tpu.memory_space<vmem>>) offsets(%dma_start3A_1018 : memref<8xi32, #tpu.memory_space<vmem>>) semaphore(%dma_start3A_1023 : memref<!tpu.dma_semaphore, #tpu.memory_space<semaphore_mem>>)
      %dma_wait3A_1024 = arith.constant 9 : i32
      %dma_wait3A_1025 = arith.constant 9 : i32
      %dma_wait3A_1026 = arith.constant 0 : i32
      %dma_wait3A_1027 = arith.constant 0 : i32
      %dma_wait3A_1028 = tpu.memref_slice %arg6[%dma_wait3A_1024, %dma_wait3A_1026, %dma_wait3A_1027] : memref<14x8x768xf32, #tpu.memory_space<vmem>> -> memref<1x8x768xf32, #tpu.memory_space<vmem>>
      %dma_wait3A_1029 = tpu.memref_squeeze %dma_wait3A_1028 : memref<1x8x768xf32, #tpu.memory_space<vmem>> -> memref<8x768xf32, #tpu.memory_space<vmem>>
      %dma_wait3A_1030 = arith.constant 0 : i32
      %dma_wait3A_1031 = tpu.memref_slice %arg5[%dma_wait3A_1030] : memref<2464xi32, #tpu.memory_space<vmem>> -> memref<8xi32, #tpu.memory_space<vmem>>
      %dma_wait3A_1032 = arith.constant 0 : i32
      %dma_wait3A_1033 = arith.constant 0 : i32
      %dma_wait3A_1034 = tpu.memref_slice %arg3[%dma_wait3A_1032, %dma_wait3A_1033] : memref<49408x768xf32, #tpu.memory_space<hbm>> -> memref<49408x768xf32, #tpu.memory_space<hbm>>
      %dma_wait3A_1035 = tpu.memref_slice %arg7[%dma_wait3A_1025] : memref<14x!tpu.dma_semaphore, #tpu.memory_space<semaphore_mem>> -> memref<1x!tpu.dma_semaphore, #tpu.memory_space<semaphore_mem>>
      %dma_wait3A_1036 = tpu.memref_squeeze %dma_wait3A_1035 : memref<1x!tpu.dma_semaphore, #tpu.memory_space<semaphore_mem>> -> memref<!tpu.dma_semaphore, #tpu.memory_space<semaphore_mem>>
      tpu.wait_indirect_dma semaphore(%dma_wait3A_1036 : memref<!tpu.dma_semaphore, #tpu.memory_space<semaphore_mem>>) src(%dma_wait3A_1034 : memref<49408x768xf32, #tpu.memory_space<hbm>>) dst(%dma_wait3A_1029 : memref<8x768xf32, #tpu.memory_space<vmem>>)
      %mul3A_1037 = arith.constant 8 : i32
      %mul3A_1038 = arith.muli %add3A_991, %mul3A_1037 : i32
      %add3A_1039 = arith.addi %mul3A_2, %mul3A_1038 : i32
      %dma_start3A_1040 = arith.constant 9 : i32
      %dma_start3A_1041 = arith.constant 9 : i32
      %dma_start3A_1042 = arith.constant 0 : i32
      %dma_start3A_1043 = arith.constant 0 : i32
      %dma_start3A_1044 = tpu.memref_slice %arg6[%dma_start3A_1040, %dma_start3A_1042, %dma_start3A_1043] : memref<14x8x768xf32, #tpu.memory_space<vmem>> -> memref<1x8x768xf32, #tpu.memory_space<vmem>>
      %dma_start3A_1045 = tpu.memref_squeeze %dma_start3A_1044 : memref<1x8x768xf32, #tpu.memory_space<vmem>> -> memref<8x768xf32, #tpu.memory_space<vmem>>
      %dma_start3A_1046 = arith.constant 0 : i32
      %dma_start3A_1047 = tpu.memref_slice %arg4[%add3A_1039, %dma_start3A_1046] : memref<78848x768xf32, #tpu.memory_space<hbm>> -> memref<8x768xf32, #tpu.memory_space<hbm>>
      %dma_start3A_1048 = tpu.memref_slice %arg8[%dma_start3A_1041] : memref<14x!tpu.dma_semaphore, #tpu.memory_space<semaphore_mem>> -> memref<1x!tpu.dma_semaphore, #tpu.memory_space<semaphore_mem>>
      %dma_start3A_1049 = tpu.memref_squeeze %dma_start3A_1048 : memref<1x!tpu.dma_semaphore, #tpu.memory_space<semaphore_mem>> -> memref<!tpu.dma_semaphore, #tpu.memory_space<semaphore_mem>>
      %dma_start3A_1050 = arith.constant 0 : i32
      %dma_start3A_1051 = tpu.memref_slice %arg4[%add3A_1039, %dma_start3A_1050] : memref<78848x768xf32, #tpu.memory_space<hbm>> -> memref<8x768xf32, #tpu.memory_space<hbm>>
      %dma_start3A_1052 = arith.constant 0 : i32
      %dma_start3A_1053 = arith.constant 0 : i32
      %dma_start3A_1054 = tpu.memref_slice %arg6[%dma_start3A_1040, %dma_start3A_1052, %dma_start3A_1053] : memref<14x8x768xf32, #tpu.memory_space<vmem>> -> memref<1x8x768xf32, #tpu.memory_space<vmem>>
      %dma_start3A_1055 = tpu.memref_squeeze %dma_start3A_1054 : memref<1x8x768xf32, #tpu.memory_space<vmem>> -> memref<8x768xf32, #tpu.memory_space<vmem>>
      tpu.enqueue_dma source(%dma_start3A_1055 : memref<8x768xf32, #tpu.memory_space<vmem>>) target(%dma_start3A_1051 : memref<8x768xf32, #tpu.memory_space<hbm>>) target_semaphore(%dma_start3A_1049 : memref<!tpu.dma_semaphore, #tpu.memory_space<semaphore_mem>>)
      %mul3A_1056 = arith.constant 14 : i32
      %mul3A_1057 = arith.muli %mul3A_1056, %scan3A_845 : i32
      %add3A_1058 = arith.constant 7 : i32
      %add3A_1059 = arith.addi %add3A_1058, %mul3A_1057 : i32
      %add3A_1060 = arith.constant 3 : i32
      %add3A_1061 = arith.addi %add3A_1059, %add3A_1060 : i32
      %dma_wait3A_1062 = arith.constant 3 : i32
      %dma_wait3A_1063 = arith.constant 3 : i32
      %dma_wait3A_1064 = arith.constant 0 : i32
      %dma_wait3A_1065 = arith.constant 0 : i32
      %dma_wait3A_1066 = tpu.memref_slice %arg6[%dma_wait3A_1062, %dma_wait3A_1064, %dma_wait3A_1065] : memref<14x8x768xf32, #tpu.memory_space<vmem>> -> memref<1x8x768xf32, #tpu.memory_space<vmem>>
      %dma_wait3A_1067 = tpu.memref_squeeze %dma_wait3A_1066 : memref<1x8x768xf32, #tpu.memory_space<vmem>> -> memref<8x768xf32, #tpu.memory_space<vmem>>
      %dma_wait3A_1068 = arith.constant 0 : i32
      %dma_wait3A_1069 = tpu.memref_slice %arg4[%mul3A_2, %dma_wait3A_1068] : memref<78848x768xf32, #tpu.memory_space<hbm>> -> memref<8x768xf32, #tpu.memory_space<hbm>>
      %dma_wait3A_1070 = tpu.memref_slice %arg8[%dma_wait3A_1063] : memref<14x!tpu.dma_semaphore, #tpu.memory_space<semaphore_mem>> -> memref<1x!tpu.dma_semaphore, #tpu.memory_space<semaphore_mem>>
      %dma_wait3A_1071 = tpu.memref_squeeze %dma_wait3A_1070 : memref<1x!tpu.dma_semaphore, #tpu.memory_space<semaphore_mem>> -> memref<!tpu.dma_semaphore, #tpu.memory_space<semaphore_mem>>
      %dma_wait3A_1072 = arith.constant 0 : i32
      %dma_wait3A_1073 = tpu.memref_slice %arg4[%mul3A_2, %dma_wait3A_1072] : memref<78848x768xf32, #tpu.memory_space<hbm>> -> memref<8x768xf32, #tpu.memory_space<hbm>>
      %dma_wait3A_1074 = arith.constant 0 : i32
      %dma_wait3A_1075 = arith.constant 0 : i32
      %dma_wait3A_1076 = tpu.memref_slice %arg6[%dma_wait3A_1062, %dma_wait3A_1074, %dma_wait3A_1075] : memref<14x8x768xf32, #tpu.memory_space<vmem>> -> memref<1x8x768xf32, #tpu.memory_space<vmem>>
      %dma_wait3A_1077 = tpu.memref_squeeze %dma_wait3A_1076 : memref<1x8x768xf32, #tpu.memory_space<vmem>> -> memref<8x768xf32, #tpu.memory_space<vmem>>
      tpu.wait_dma2 semaphore(%dma_wait3A_1071 : memref<!tpu.dma_semaphore, #tpu.memory_space<semaphore_mem>>) src(%dma_wait3A_1077 : memref<8x768xf32, #tpu.memory_space<vmem>>) dst(%dma_wait3A_1073 : memref<8x768xf32, #tpu.memory_space<hbm>>)
      %add3A_1078 = arith.constant 7 : i32
      %add3A_1079 = arith.addi %add3A_1061, %add3A_1078 : i32
      %mul3A_1080 = arith.constant 8 : i32
      %mul3A_1081 = arith.muli %add3A_1079, %mul3A_1080 : i32
      %dma_start3A_1082 = arith.constant 3 : i32
      %dma_start3A_1083 = arith.constant 3 : i32
      %dma_start3A_1084 = arith.constant 0 : i32
      %dma_start3A_1085 = arith.constant 0 : i32
      %dma_start3A_1086 = tpu.memref_slice %arg6[%dma_start3A_1082, %dma_start3A_1084, %dma_start3A_1085] : memref<14x8x768xf32, #tpu.memory_space<vmem>> -> memref<1x8x768xf32, #tpu.memory_space<vmem>>
      %dma_start3A_1087 = tpu.memref_squeeze %dma_start3A_1086 : memref<1x8x768xf32, #tpu.memory_space<vmem>> -> memref<8x768xf32, #tpu.memory_space<vmem>>
      %dma_start3A_1088 = tpu.memref_slice %arg5[%mul3A_1081] : memref<2464xi32, #tpu.memory_space<vmem>> -> memref<8xi32, #tpu.memory_space<vmem>>
      %dma_start3A_1089 = arith.constant 0 : i32
      %dma_start3A_1090 = arith.constant 0 : i32
      %dma_start3A_1091 = tpu.memref_slice %arg3[%dma_start3A_1089, %dma_start3A_1090] : memref<49408x768xf32, #tpu.memory_space<hbm>> -> memref<49408x768xf32, #tpu.memory_space<hbm>>
      %dma_start3A_1092 = tpu.memref_slice %arg7[%dma_start3A_1083] : memref<14x!tpu.dma_semaphore, #tpu.memory_space<semaphore_mem>> -> memref<1x!tpu.dma_semaphore, #tpu.memory_space<semaphore_mem>>
      %dma_start3A_1093 = tpu.memref_squeeze %dma_start3A_1092 : memref<1x!tpu.dma_semaphore, #tpu.memory_space<semaphore_mem>> -> memref<!tpu.dma_semaphore, #tpu.memory_space<semaphore_mem>>
      tpu.enqueue_indirect_dma source(%dma_start3A_1091 : memref<49408x768xf32, #tpu.memory_space<hbm>>) target(%dma_start3A_1087 : memref<8x768xf32, #tpu.memory_space<vmem>>) offsets(%dma_start3A_1088 : memref<8xi32, #tpu.memory_space<vmem>>) semaphore(%dma_start3A_1093 : memref<!tpu.dma_semaphore, #tpu.memory_space<semaphore_mem>>)
      %dma_wait3A_1094 = arith.constant 10 : i32
      %dma_wait3A_1095 = arith.constant 10 : i32
      %dma_wait3A_1096 = arith.constant 0 : i32
      %dma_wait3A_1097 = arith.constant 0 : i32
      %dma_wait3A_1098 = tpu.memref_slice %arg6[%dma_wait3A_1094, %dma_wait3A_1096, %dma_wait3A_1097] : memref<14x8x768xf32, #tpu.memory_space<vmem>> -> memref<1x8x768xf32, #tpu.memory_space<vmem>>
      %dma_wait3A_1099 = tpu.memref_squeeze %dma_wait3A_1098 : memref<1x8x768xf32, #tpu.memory_space<vmem>> -> memref<8x768xf32, #tpu.memory_space<vmem>>
      %dma_wait3A_1100 = arith.constant 0 : i32
      %dma_wait3A_1101 = tpu.memref_slice %arg5[%dma_wait3A_1100] : memref<2464xi32, #tpu.memory_space<vmem>> -> memref<8xi32, #tpu.memory_space<vmem>>
      %dma_wait3A_1102 = arith.constant 0 : i32
      %dma_wait3A_1103 = arith.constant 0 : i32
      %dma_wait3A_1104 = tpu.memref_slice %arg3[%dma_wait3A_1102, %dma_wait3A_1103] : memref<49408x768xf32, #tpu.memory_space<hbm>> -> memref<49408x768xf32, #tpu.memory_space<hbm>>
      %dma_wait3A_1105 = tpu.memref_slice %arg7[%dma_wait3A_1095] : memref<14x!tpu.dma_semaphore, #tpu.memory_space<semaphore_mem>> -> memref<1x!tpu.dma_semaphore, #tpu.memory_space<semaphore_mem>>
      %dma_wait3A_1106 = tpu.memref_squeeze %dma_wait3A_1105 : memref<1x!tpu.dma_semaphore, #tpu.memory_space<semaphore_mem>> -> memref<!tpu.dma_semaphore, #tpu.memory_space<semaphore_mem>>
      tpu.wait_indirect_dma semaphore(%dma_wait3A_1106 : memref<!tpu.dma_semaphore, #tpu.memory_space<semaphore_mem>>) src(%dma_wait3A_1104 : memref<49408x768xf32, #tpu.memory_space<hbm>>) dst(%dma_wait3A_1099 : memref<8x768xf32, #tpu.memory_space<vmem>>)
      %mul3A_1107 = arith.constant 8 : i32
      %mul3A_1108 = arith.muli %add3A_1061, %mul3A_1107 : i32
      %add3A_1109 = arith.addi %mul3A_2, %mul3A_1108 : i32
      %dma_start3A_1110 = arith.constant 10 : i32
      %dma_start3A_1111 = arith.constant 10 : i32
      %dma_start3A_1112 = arith.constant 0 : i32
      %dma_start3A_1113 = arith.constant 0 : i32
      %dma_start3A_1114 = tpu.memref_slice %arg6[%dma_start3A_1110, %dma_start3A_1112, %dma_start3A_1113] : memref<14x8x768xf32, #tpu.memory_space<vmem>> -> memref<1x8x768xf32, #tpu.memory_space<vmem>>
      %dma_start3A_1115 = tpu.memref_squeeze %dma_start3A_1114 : memref<1x8x768xf32, #tpu.memory_space<vmem>> -> memref<8x768xf32, #tpu.memory_space<vmem>>
      %dma_start3A_1116 = arith.constant 0 : i32
      %dma_start3A_1117 = tpu.memref_slice %arg4[%add3A_1109, %dma_start3A_1116] : memref<78848x768xf32, #tpu.memory_space<hbm>> -> memref<8x768xf32, #tpu.memory_space<hbm>>
      %dma_start3A_1118 = tpu.memref_slice %arg8[%dma_start3A_1111] : memref<14x!tpu.dma_semaphore, #tpu.memory_space<semaphore_mem>> -> memref<1x!tpu.dma_semaphore, #tpu.memory_space<semaphore_mem>>
      %dma_start3A_1119 = tpu.memref_squeeze %dma_start3A_1118 : memref<1x!tpu.dma_semaphore, #tpu.memory_space<semaphore_mem>> -> memref<!tpu.dma_semaphore, #tpu.memory_space<semaphore_mem>>
      %dma_start3A_1120 = arith.constant 0 : i32
      %dma_start3A_1121 = tpu.memref_slice %arg4[%add3A_1109, %dma_start3A_1120] : memref<78848x768xf32, #tpu.memory_space<hbm>> -> memref<8x768xf32, #tpu.memory_space<hbm>>
      %dma_start3A_1122 = arith.constant 0 : i32
      %dma_start3A_1123 = arith.constant 0 : i32
      %dma_start3A_1124 = tpu.memref_slice %arg6[%dma_start3A_1110, %dma_start3A_1122, %dma_start3A_1123] : memref<14x8x768xf32, #tpu.memory_space<vmem>> -> memref<1x8x768xf32, #tpu.memory_space<vmem>>
      %dma_start3A_1125 = tpu.memref_squeeze %dma_start3A_1124 : memref<1x8x768xf32, #tpu.memory_space<vmem>> -> memref<8x768xf32, #tpu.memory_space<vmem>>
      tpu.enqueue_dma source(%dma_start3A_1125 : memref<8x768xf32, #tpu.memory_space<vmem>>) target(%dma_start3A_1121 : memref<8x768xf32, #tpu.memory_space<hbm>>) target_semaphore(%dma_start3A_1119 : memref<!tpu.dma_semaphore, #tpu.memory_space<semaphore_mem>>)
      %mul3A_1126 = arith.constant 14 : i32
      %mul3A_1127 = arith.muli %mul3A_1126, %scan3A_845 : i32
      %add3A_1128 = arith.constant 7 : i32
      %add3A_1129 = arith.addi %add3A_1128, %mul3A_1127 : i32
      %add3A_1130 = arith.constant 4 : i32
      %add3A_1131 = arith.addi %add3A_1129, %add3A_1130 : i32
      %dma_wait3A_1132 = arith.constant 4 : i32
      %dma_wait3A_1133 = arith.constant 4 : i32
      %dma_wait3A_1134 = arith.constant 0 : i32
      %dma_wait3A_1135 = arith.constant 0 : i32
      %dma_wait3A_1136 = tpu.memref_slice %arg6[%dma_wait3A_1132, %dma_wait3A_1134, %dma_wait3A_1135] : memref<14x8x768xf32, #tpu.memory_space<vmem>> -> memref<1x8x768xf32, #tpu.memory_space<vmem>>
      %dma_wait3A_1137 = tpu.memref_squeeze %dma_wait3A_1136 : memref<1x8x768xf32, #tpu.memory_space<vmem>> -> memref<8x768xf32, #tpu.memory_space<vmem>>
      %dma_wait3A_1138 = arith.constant 0 : i32
      %dma_wait3A_1139 = tpu.memref_slice %arg4[%mul3A_2, %dma_wait3A_1138] : memref<78848x768xf32, #tpu.memory_space<hbm>> -> memref<8x768xf32, #tpu.memory_space<hbm>>
      %dma_wait3A_1140 = tpu.memref_slice %arg8[%dma_wait3A_1133] : memref<14x!tpu.dma_semaphore, #tpu.memory_space<semaphore_mem>> -> memref<1x!tpu.dma_semaphore, #tpu.memory_space<semaphore_mem>>
      %dma_wait3A_1141 = tpu.memref_squeeze %dma_wait3A_1140 : memref<1x!tpu.dma_semaphore, #tpu.memory_space<semaphore_mem>> -> memref<!tpu.dma_semaphore, #tpu.memory_space<semaphore_mem>>
      %dma_wait3A_1142 = arith.constant 0 : i32
      %dma_wait3A_1143 = tpu.memref_slice %arg4[%mul3A_2, %dma_wait3A_1142] : memref<78848x768xf32, #tpu.memory_space<hbm>> -> memref<8x768xf32, #tpu.memory_space<hbm>>
      %dma_wait3A_1144 = arith.constant 0 : i32
      %dma_wait3A_1145 = arith.constant 0 : i32
      %dma_wait3A_1146 = tpu.memref_slice %arg6[%dma_wait3A_1132, %dma_wait3A_1144, %dma_wait3A_1145] : memref<14x8x768xf32, #tpu.memory_space<vmem>> -> memref<1x8x768xf32, #tpu.memory_space<vmem>>
      %dma_wait3A_1147 = tpu.memref_squeeze %dma_wait3A_1146 : memref<1x8x768xf32, #tpu.memory_space<vmem>> -> memref<8x768xf32, #tpu.memory_space<vmem>>
      tpu.wait_dma2 semaphore(%dma_wait3A_1141 : memref<!tpu.dma_semaphore, #tpu.memory_space<semaphore_mem>>) src(%dma_wait3A_1147 : memref<8x768xf32, #tpu.memory_space<vmem>>) dst(%dma_wait3A_1143 : memref<8x768xf32, #tpu.memory_space<hbm>>)
      %add3A_1148 = arith.constant 7 : i32
      %add3A_1149 = arith.addi %add3A_1131, %add3A_1148 : i32
      %mul3A_1150 = arith.constant 8 : i32
      %mul3A_1151 = arith.muli %add3A_1149, %mul3A_1150 : i32
      %dma_start3A_1152 = arith.constant 4 : i32
      %dma_start3A_1153 = arith.constant 4 : i32
      %dma_start3A_1154 = arith.constant 0 : i32
      %dma_start3A_1155 = arith.constant 0 : i32
      %dma_start3A_1156 = tpu.memref_slice %arg6[%dma_start3A_1152, %dma_start3A_1154, %dma_start3A_1155] : memref<14x8x768xf32, #tpu.memory_space<vmem>> -> memref<1x8x768xf32, #tpu.memory_space<vmem>>
      %dma_start3A_1157 = tpu.memref_squeeze %dma_start3A_1156 : memref<1x8x768xf32, #tpu.memory_space<vmem>> -> memref<8x768xf32, #tpu.memory_space<vmem>>
      %dma_start3A_1158 = tpu.memref_slice %arg5[%mul3A_1151] : memref<2464xi32, #tpu.memory_space<vmem>> -> memref<8xi32, #tpu.memory_space<vmem>>
      %dma_start3A_1159 = arith.constant 0 : i32
      %dma_start3A_1160 = arith.constant 0 : i32
      %dma_start3A_1161 = tpu.memref_slice %arg3[%dma_start3A_1159, %dma_start3A_1160] : memref<49408x768xf32, #tpu.memory_space<hbm>> -> memref<49408x768xf32, #tpu.memory_space<hbm>>
      %dma_start3A_1162 = tpu.memref_slice %arg7[%dma_start3A_1153] : memref<14x!tpu.dma_semaphore, #tpu.memory_space<semaphore_mem>> -> memref<1x!tpu.dma_semaphore, #tpu.memory_space<semaphore_mem>>
      %dma_start3A_1163 = tpu.memref_squeeze %dma_start3A_1162 : memref<1x!tpu.dma_semaphore, #tpu.memory_space<semaphore_mem>> -> memref<!tpu.dma_semaphore, #tpu.memory_space<semaphore_mem>>
      tpu.enqueue_indirect_dma source(%dma_start3A_1161 : memref<49408x768xf32, #tpu.memory_space<hbm>>) target(%dma_start3A_1157 : memref<8x768xf32, #tpu.memory_space<vmem>>) offsets(%dma_start3A_1158 : memref<8xi32, #tpu.memory_space<vmem>>) semaphore(%dma_start3A_1163 : memref<!tpu.dma_semaphore, #tpu.memory_space<semaphore_mem>>)
      %dma_wait3A_1164 = arith.constant 11 : i32
      %dma_wait3A_1165 = arith.constant 11 : i32
      %dma_wait3A_1166 = arith.constant 0 : i32
      %dma_wait3A_1167 = arith.constant 0 : i32
      %dma_wait3A_1168 = tpu.memref_slice %arg6[%dma_wait3A_1164, %dma_wait3A_1166, %dma_wait3A_1167] : memref<14x8x768xf32, #tpu.memory_space<vmem>> -> memref<1x8x768xf32, #tpu.memory_space<vmem>>
      %dma_wait3A_1169 = tpu.memref_squeeze %dma_wait3A_1168 : memref<1x8x768xf32, #tpu.memory_space<vmem>> -> memref<8x768xf32, #tpu.memory_space<vmem>>
      %dma_wait3A_1170 = arith.constant 0 : i32
      %dma_wait3A_1171 = tpu.memref_slice %arg5[%dma_wait3A_1170] : memref<2464xi32, #tpu.memory_space<vmem>> -> memref<8xi32, #tpu.memory_space<vmem>>
      %dma_wait3A_1172 = arith.constant 0 : i32
      %dma_wait3A_1173 = arith.constant 0 : i32
      %dma_wait3A_1174 = tpu.memref_slice %arg3[%dma_wait3A_1172, %dma_wait3A_1173] : memref<49408x768xf32, #tpu.memory_space<hbm>> -> memref<49408x768xf32, #tpu.memory_space<hbm>>
      %dma_wait3A_1175 = tpu.memref_slice %arg7[%dma_wait3A_1165] : memref<14x!tpu.dma_semaphore, #tpu.memory_space<semaphore_mem>> -> memref<1x!tpu.dma_semaphore, #tpu.memory_space<semaphore_mem>>
      %dma_wait3A_1176 = tpu.memref_squeeze %dma_wait3A_1175 : memref<1x!tpu.dma_semaphore, #tpu.memory_space<semaphore_mem>> -> memref<!tpu.dma_semaphore, #tpu.memory_space<semaphore_mem>>
      tpu.wait_indirect_dma semaphore(%dma_wait3A_1176 : memref<!tpu.dma_semaphore, #tpu.memory_space<semaphore_mem>>) src(%dma_wait3A_1174 : memref<49408x768xf32, #tpu.memory_space<hbm>>) dst(%dma_wait3A_1169 : memref<8x768xf32, #tpu.memory_space<vmem>>)
      %mul3A_1177 = arith.constant 8 : i32
      %mul3A_1178 = arith.muli %add3A_1131, %mul3A_1177 : i32
      %add3A_1179 = arith.addi %mul3A_2, %mul3A_1178 : i32
      %dma_start3A_1180 = arith.constant 11 : i32
      %dma_start3A_1181 = arith.constant 11 : i32
      %dma_start3A_1182 = arith.constant 0 : i32
      %dma_start3A_1183 = arith.constant 0 : i32
      %dma_start3A_1184 = tpu.memref_slice %arg6[%dma_start3A_1180, %dma_start3A_1182, %dma_start3A_1183] : memref<14x8x768xf32, #tpu.memory_space<vmem>> -> memref<1x8x768xf32, #tpu.memory_space<vmem>>
      %dma_start3A_1185 = tpu.memref_squeeze %dma_start3A_1184 : memref<1x8x768xf32, #tpu.memory_space<vmem>> -> memref<8x768xf32, #tpu.memory_space<vmem>>
      %dma_start3A_1186 = arith.constant 0 : i32
      %dma_start3A_1187 = tpu.memref_slice %arg4[%add3A_1179, %dma_start3A_1186] : memref<78848x768xf32, #tpu.memory_space<hbm>> -> memref<8x768xf32, #tpu.memory_space<hbm>>
      %dma_start3A_1188 = tpu.memref_slice %arg8[%dma_start3A_1181] : memref<14x!tpu.dma_semaphore, #tpu.memory_space<semaphore_mem>> -> memref<1x!tpu.dma_semaphore, #tpu.memory_space<semaphore_mem>>
      %dma_start3A_1189 = tpu.memref_squeeze %dma_start3A_1188 : memref<1x!tpu.dma_semaphore, #tpu.memory_space<semaphore_mem>> -> memref<!tpu.dma_semaphore, #tpu.memory_space<semaphore_mem>>
      %dma_start3A_1190 = arith.constant 0 : i32
      %dma_start3A_1191 = tpu.memref_slice %arg4[%add3A_1179, %dma_start3A_1190] : memref<78848x768xf32, #tpu.memory_space<hbm>> -> memref<8x768xf32, #tpu.memory_space<hbm>>
      %dma_start3A_1192 = arith.constant 0 : i32
      %dma_start3A_1193 = arith.constant 0 : i32
      %dma_start3A_1194 = tpu.memref_slice %arg6[%dma_start3A_1180, %dma_start3A_1192, %dma_start3A_1193] : memref<14x8x768xf32, #tpu.memory_space<vmem>> -> memref<1x8x768xf32, #tpu.memory_space<vmem>>
      %dma_start3A_1195 = tpu.memref_squeeze %dma_start3A_1194 : memref<1x8x768xf32, #tpu.memory_space<vmem>> -> memref<8x768xf32, #tpu.memory_space<vmem>>
      tpu.enqueue_dma source(%dma_start3A_1195 : memref<8x768xf32, #tpu.memory_space<vmem>>) target(%dma_start3A_1191 : memref<8x768xf32, #tpu.memory_space<hbm>>) target_semaphore(%dma_start3A_1189 : memref<!tpu.dma_semaphore, #tpu.memory_space<semaphore_mem>>)
      %mul3A_1196 = arith.constant 14 : i32
      %mul3A_1197 = arith.muli %mul3A_1196, %scan3A_845 : i32
      %add3A_1198 = arith.constant 7 : i32
      %add3A_1199 = arith.addi %add3A_1198, %mul3A_1197 : i32
      %add3A_1200 = arith.constant 5 : i32
      %add3A_1201 = arith.addi %add3A_1199, %add3A_1200 : i32
      %dma_wait3A_1202 = arith.constant 5 : i32
      %dma_wait3A_1203 = arith.constant 5 : i32
      %dma_wait3A_1204 = arith.constant 0 : i32
      %dma_wait3A_1205 = arith.constant 0 : i32
      %dma_wait3A_1206 = tpu.memref_slice %arg6[%dma_wait3A_1202, %dma_wait3A_1204, %dma_wait3A_1205] : memref<14x8x768xf32, #tpu.memory_space<vmem>> -> memref<1x8x768xf32, #tpu.memory_space<vmem>>
      %dma_wait3A_1207 = tpu.memref_squeeze %dma_wait3A_1206 : memref<1x8x768xf32, #tpu.memory_space<vmem>> -> memref<8x768xf32, #tpu.memory_space<vmem>>
      %dma_wait3A_1208 = arith.constant 0 : i32
      %dma_wait3A_1209 = tpu.memref_slice %arg4[%mul3A_2, %dma_wait3A_1208] : memref<78848x768xf32, #tpu.memory_space<hbm>> -> memref<8x768xf32, #tpu.memory_space<hbm>>
      %dma_wait3A_1210 = tpu.memref_slice %arg8[%dma_wait3A_1203] : memref<14x!tpu.dma_semaphore, #tpu.memory_space<semaphore_mem>> -> memref<1x!tpu.dma_semaphore, #tpu.memory_space<semaphore_mem>>
      %dma_wait3A_1211 = tpu.memref_squeeze %dma_wait3A_1210 : memref<1x!tpu.dma_semaphore, #tpu.memory_space<semaphore_mem>> -> memref<!tpu.dma_semaphore, #tpu.memory_space<semaphore_mem>>
      %dma_wait3A_1212 = arith.constant 0 : i32
      %dma_wait3A_1213 = tpu.memref_slice %arg4[%mul3A_2, %dma_wait3A_1212] : memref<78848x768xf32, #tpu.memory_space<hbm>> -> memref<8x768xf32, #tpu.memory_space<hbm>>
      %dma_wait3A_1214 = arith.constant 0 : i32
      %dma_wait3A_1215 = arith.constant 0 : i32
      %dma_wait3A_1216 = tpu.memref_slice %arg6[%dma_wait3A_1202, %dma_wait3A_1214, %dma_wait3A_1215] : memref<14x8x768xf32, #tpu.memory_space<vmem>> -> memref<1x8x768xf32, #tpu.memory_space<vmem>>
      %dma_wait3A_1217 = tpu.memref_squeeze %dma_wait3A_1216 : memref<1x8x768xf32, #tpu.memory_space<vmem>> -> memref<8x768xf32, #tpu.memory_space<vmem>>
      tpu.wait_dma2 semaphore(%dma_wait3A_1211 : memref<!tpu.dma_semaphore, #tpu.memory_space<semaphore_mem>>) src(%dma_wait3A_1217 : memref<8x768xf32, #tpu.memory_space<vmem>>) dst(%dma_wait3A_1213 : memref<8x768xf32, #tpu.memory_space<hbm>>)
      %add3A_1218 = arith.constant 7 : i32
      %add3A_1219 = arith.addi %add3A_1201, %add3A_1218 : i32
      %mul3A_1220 = arith.constant 8 : i32
      %mul3A_1221 = arith.muli %add3A_1219, %mul3A_1220 : i32
      %dma_start3A_1222 = arith.constant 5 : i32
      %dma_start3A_1223 = arith.constant 5 : i32
      %dma_start3A_1224 = arith.constant 0 : i32
      %dma_start3A_1225 = arith.constant 0 : i32
      %dma_start3A_1226 = tpu.memref_slice %arg6[%dma_start3A_1222, %dma_start3A_1224, %dma_start3A_1225] : memref<14x8x768xf32, #tpu.memory_space<vmem>> -> memref<1x8x768xf32, #tpu.memory_space<vmem>>
      %dma_start3A_1227 = tpu.memref_squeeze %dma_start3A_1226 : memref<1x8x768xf32, #tpu.memory_space<vmem>> -> memref<8x768xf32, #tpu.memory_space<vmem>>
      %dma_start3A_1228 = tpu.memref_slice %arg5[%mul3A_1221] : memref<2464xi32, #tpu.memory_space<vmem>> -> memref<8xi32, #tpu.memory_space<vmem>>
      %dma_start3A_1229 = arith.constant 0 : i32
      %dma_start3A_1230 = arith.constant 0 : i32
      %dma_start3A_1231 = tpu.memref_slice %arg3[%dma_start3A_1229, %dma_start3A_1230] : memref<49408x768xf32, #tpu.memory_space<hbm>> -> memref<49408x768xf32, #tpu.memory_space<hbm>>
      %dma_start3A_1232 = tpu.memref_slice %arg7[%dma_start3A_1223] : memref<14x!tpu.dma_semaphore, #tpu.memory_space<semaphore_mem>> -> memref<1x!tpu.dma_semaphore, #tpu.memory_space<semaphore_mem>>
      %dma_start3A_1233 = tpu.memref_squeeze %dma_start3A_1232 : memref<1x!tpu.dma_semaphore, #tpu.memory_space<semaphore_mem>> -> memref<!tpu.dma_semaphore, #tpu.memory_space<semaphore_mem>>
      tpu.enqueue_indirect_dma source(%dma_start3A_1231 : memref<49408x768xf32, #tpu.memory_space<hbm>>) target(%dma_start3A_1227 : memref<8x768xf32, #tpu.memory_space<vmem>>) offsets(%dma_start3A_1228 : memref<8xi32, #tpu.memory_space<vmem>>) semaphore(%dma_start3A_1233 : memref<!tpu.dma_semaphore, #tpu.memory_space<semaphore_mem>>)
      %dma_wait3A_1234 = arith.constant 12 : i32
      %dma_wait3A_1235 = arith.constant 12 : i32
      %dma_wait3A_1236 = arith.constant 0 : i32
      %dma_wait3A_1237 = arith.constant 0 : i32
      %dma_wait3A_1238 = tpu.memref_slice %arg6[%dma_wait3A_1234, %dma_wait3A_1236, %dma_wait3A_1237] : memref<14x8x768xf32, #tpu.memory_space<vmem>> -> memref<1x8x768xf32, #tpu.memory_space<vmem>>
      %dma_wait3A_1239 = tpu.memref_squeeze %dma_wait3A_1238 : memref<1x8x768xf32, #tpu.memory_space<vmem>> -> memref<8x768xf32, #tpu.memory_space<vmem>>
      %dma_wait3A_1240 = arith.constant 0 : i32
      %dma_wait3A_1241 = tpu.memref_slice %arg5[%dma_wait3A_1240] : memref<2464xi32, #tpu.memory_space<vmem>> -> memref<8xi32, #tpu.memory_space<vmem>>
      %dma_wait3A_1242 = arith.constant 0 : i32
      %dma_wait3A_1243 = arith.constant 0 : i32
      %dma_wait3A_1244 = tpu.memref_slice %arg3[%dma_wait3A_1242, %dma_wait3A_1243] : memref<49408x768xf32, #tpu.memory_space<hbm>> -> memref<49408x768xf32, #tpu.memory_space<hbm>>
      %dma_wait3A_1245 = tpu.memref_slice %arg7[%dma_wait3A_1235] : memref<14x!tpu.dma_semaphore, #tpu.memory_space<semaphore_mem>> -> memref<1x!tpu.dma_semaphore, #tpu.memory_space<semaphore_mem>>
      %dma_wait3A_1246 = tpu.memref_squeeze %dma_wait3A_1245 : memref<1x!tpu.dma_semaphore, #tpu.memory_space<semaphore_mem>> -> memref<!tpu.dma_semaphore, #tpu.memory_space<semaphore_mem>>
      tpu.wait_indirect_dma semaphore(%dma_wait3A_1246 : memref<!tpu.dma_semaphore, #tpu.memory_space<semaphore_mem>>) src(%dma_wait3A_1244 : memref<49408x768xf32, #tpu.memory_space<hbm>>) dst(%dma_wait3A_1239 : memref<8x768xf32, #tpu.memory_space<vmem>>)
      %mul3A_1247 = arith.constant 8 : i32
      %mul3A_1248 = arith.muli %add3A_1201, %mul3A_1247 : i32
      %add3A_1249 = arith.addi %mul3A_2, %mul3A_1248 : i32
      %dma_start3A_1250 = arith.constant 12 : i32
      %dma_start3A_1251 = arith.constant 12 : i32
      %dma_start3A_1252 = arith.constant 0 : i32
      %dma_start3A_1253 = arith.constant 0 : i32
      %dma_start3A_1254 = tpu.memref_slice %arg6[%dma_start3A_1250, %dma_start3A_1252, %dma_start3A_1253] : memref<14x8x768xf32, #tpu.memory_space<vmem>> -> memref<1x8x768xf32, #tpu.memory_space<vmem>>
      %dma_start3A_1255 = tpu.memref_squeeze %dma_start3A_1254 : memref<1x8x768xf32, #tpu.memory_space<vmem>> -> memref<8x768xf32, #tpu.memory_space<vmem>>
      %dma_start3A_1256 = arith.constant 0 : i32
      %dma_start3A_1257 = tpu.memref_slice %arg4[%add3A_1249, %dma_start3A_1256] : memref<78848x768xf32, #tpu.memory_space<hbm>> -> memref<8x768xf32, #tpu.memory_space<hbm>>
      %dma_start3A_1258 = tpu.memref_slice %arg8[%dma_start3A_1251] : memref<14x!tpu.dma_semaphore, #tpu.memory_space<semaphore_mem>> -> memref<1x!tpu.dma_semaphore, #tpu.memory_space<semaphore_mem>>
      %dma_start3A_1259 = tpu.memref_squeeze %dma_start3A_1258 : memref<1x!tpu.dma_semaphore, #tpu.memory_space<semaphore_mem>> -> memref<!tpu.dma_semaphore, #tpu.memory_space<semaphore_mem>>
      %dma_start3A_1260 = arith.constant 0 : i32
      %dma_start3A_1261 = tpu.memref_slice %arg4[%add3A_1249, %dma_start3A_1260] : memref<78848x768xf32, #tpu.memory_space<hbm>> -> memref<8x768xf32, #tpu.memory_space<hbm>>
      %dma_start3A_1262 = arith.constant 0 : i32
      %dma_start3A_1263 = arith.constant 0 : i32
      %dma_start3A_1264 = tpu.memref_slice %arg6[%dma_start3A_1250, %dma_start3A_1262, %dma_start3A_1263] : memref<14x8x768xf32, #tpu.memory_space<vmem>> -> memref<1x8x768xf32, #tpu.memory_space<vmem>>
      %dma_start3A_1265 = tpu.memref_squeeze %dma_start3A_1264 : memref<1x8x768xf32, #tpu.memory_space<vmem>> -> memref<8x768xf32, #tpu.memory_space<vmem>>
      tpu.enqueue_dma source(%dma_start3A_1265 : memref<8x768xf32, #tpu.memory_space<vmem>>) target(%dma_start3A_1261 : memref<8x768xf32, #tpu.memory_space<hbm>>) target_semaphore(%dma_start3A_1259 : memref<!tpu.dma_semaphore, #tpu.memory_space<semaphore_mem>>)
      %mul3A_1266 = arith.constant 14 : i32
      %mul3A_1267 = arith.muli %mul3A_1266, %scan3A_845 : i32
      %add3A_1268 = arith.constant 7 : i32
      %add3A_1269 = arith.addi %add3A_1268, %mul3A_1267 : i32
      %add3A_1270 = arith.constant 6 : i32
      %add3A_1271 = arith.addi %add3A_1269, %add3A_1270 : i32
      %dma_wait3A_1272 = arith.constant 6 : i32
      %dma_wait3A_1273 = arith.constant 6 : i32
      %dma_wait3A_1274 = arith.constant 0 : i32
      %dma_wait3A_1275 = arith.constant 0 : i32
      %dma_wait3A_1276 = tpu.memref_slice %arg6[%dma_wait3A_1272, %dma_wait3A_1274, %dma_wait3A_1275] : memref<14x8x768xf32, #tpu.memory_space<vmem>> -> memref<1x8x768xf32, #tpu.memory_space<vmem>>
      %dma_wait3A_1277 = tpu.memref_squeeze %dma_wait3A_1276 : memref<1x8x768xf32, #tpu.memory_space<vmem>> -> memref<8x768xf32, #tpu.memory_space<vmem>>
      %dma_wait3A_1278 = arith.constant 0 : i32
      %dma_wait3A_1279 = tpu.memref_slice %arg4[%mul3A_2, %dma_wait3A_1278] : memref<78848x768xf32, #tpu.memory_space<hbm>> -> memref<8x768xf32, #tpu.memory_space<hbm>>
      %dma_wait3A_1280 = tpu.memref_slice %arg8[%dma_wait3A_1273] : memref<14x!tpu.dma_semaphore, #tpu.memory_space<semaphore_mem>> -> memref<1x!tpu.dma_semaphore, #tpu.memory_space<semaphore_mem>>
      %dma_wait3A_1281 = tpu.memref_squeeze %dma_wait3A_1280 : memref<1x!tpu.dma_semaphore, #tpu.memory_space<semaphore_mem>> -> memref<!tpu.dma_semaphore, #tpu.memory_space<semaphore_mem>>
      %dma_wait3A_1282 = arith.constant 0 : i32
      %dma_wait3A_1283 = tpu.memref_slice %arg4[%mul3A_2, %dma_wait3A_1282] : memref<78848x768xf32, #tpu.memory_space<hbm>> -> memref<8x768xf32, #tpu.memory_space<hbm>>
      %dma_wait3A_1284 = arith.constant 0 : i32
      %dma_wait3A_1285 = arith.constant 0 : i32
      %dma_wait3A_1286 = tpu.memref_slice %arg6[%dma_wait3A_1272, %dma_wait3A_1284, %dma_wait3A_1285] : memref<14x8x768xf32, #tpu.memory_space<vmem>> -> memref<1x8x768xf32, #tpu.memory_space<vmem>>
      %dma_wait3A_1287 = tpu.memref_squeeze %dma_wait3A_1286 : memref<1x8x768xf32, #tpu.memory_space<vmem>> -> memref<8x768xf32, #tpu.memory_space<vmem>>
      tpu.wait_dma2 semaphore(%dma_wait3A_1281 : memref<!tpu.dma_semaphore, #tpu.memory_space<semaphore_mem>>) src(%dma_wait3A_1287 : memref<8x768xf32, #tpu.memory_space<vmem>>) dst(%dma_wait3A_1283 : memref<8x768xf32, #tpu.memory_space<hbm>>)
      %add3A_1288 = arith.constant 7 : i32
      %add3A_1289 = arith.addi %add3A_1271, %add3A_1288 : i32
      %mul3A_1290 = arith.constant 8 : i32
      %mul3A_1291 = arith.muli %add3A_1289, %mul3A_1290 : i32
      %dma_start3A_1292 = arith.constant 6 : i32
      %dma_start3A_1293 = arith.constant 6 : i32
      %dma_start3A_1294 = arith.constant 0 : i32
      %dma_start3A_1295 = arith.constant 0 : i32
      %dma_start3A_1296 = tpu.memref_slice %arg6[%dma_start3A_1292, %dma_start3A_1294, %dma_start3A_1295] : memref<14x8x768xf32, #tpu.memory_space<vmem>> -> memref<1x8x768xf32, #tpu.memory_space<vmem>>
      %dma_start3A_1297 = tpu.memref_squeeze %dma_start3A_1296 : memref<1x8x768xf32, #tpu.memory_space<vmem>> -> memref<8x768xf32, #tpu.memory_space<vmem>>
      %dma_start3A_1298 = tpu.memref_slice %arg5[%mul3A_1291] : memref<2464xi32, #tpu.memory_space<vmem>> -> memref<8xi32, #tpu.memory_space<vmem>>
      %dma_start3A_1299 = arith.constant 0 : i32
      %dma_start3A_1300 = arith.constant 0 : i32
      %dma_start3A_1301 = tpu.memref_slice %arg3[%dma_start3A_1299, %dma_start3A_1300] : memref<49408x768xf32, #tpu.memory_space<hbm>> -> memref<49408x768xf32, #tpu.memory_space<hbm>>
      %dma_start3A_1302 = tpu.memref_slice %arg7[%dma_start3A_1293] : memref<14x!tpu.dma_semaphore, #tpu.memory_space<semaphore_mem>> -> memref<1x!tpu.dma_semaphore, #tpu.memory_space<semaphore_mem>>
      %dma_start3A_1303 = tpu.memref_squeeze %dma_start3A_1302 : memref<1x!tpu.dma_semaphore, #tpu.memory_space<semaphore_mem>> -> memref<!tpu.dma_semaphore, #tpu.memory_space<semaphore_mem>>
      tpu.enqueue_indirect_dma source(%dma_start3A_1301 : memref<49408x768xf32, #tpu.memory_space<hbm>>) target(%dma_start3A_1297 : memref<8x768xf32, #tpu.memory_space<vmem>>) offsets(%dma_start3A_1298 : memref<8xi32, #tpu.memory_space<vmem>>) semaphore(%dma_start3A_1303 : memref<!tpu.dma_semaphore, #tpu.memory_space<semaphore_mem>>)
      %dma_wait3A_1304 = arith.constant 13 : i32
      %dma_wait3A_1305 = arith.constant 13 : i32
      %dma_wait3A_1306 = arith.constant 0 : i32
      %dma_wait3A_1307 = arith.constant 0 : i32
      %dma_wait3A_1308 = tpu.memref_slice %arg6[%dma_wait3A_1304, %dma_wait3A_1306, %dma_wait3A_1307] : memref<14x8x768xf32, #tpu.memory_space<vmem>> -> memref<1x8x768xf32, #tpu.memory_space<vmem>>
      %dma_wait3A_1309 = tpu.memref_squeeze %dma_wait3A_1308 : memref<1x8x768xf32, #tpu.memory_space<vmem>> -> memref<8x768xf32, #tpu.memory_space<vmem>>
      %dma_wait3A_1310 = arith.constant 0 : i32
      %dma_wait3A_1311 = tpu.memref_slice %arg5[%dma_wait3A_1310] : memref<2464xi32, #tpu.memory_space<vmem>> -> memref<8xi32, #tpu.memory_space<vmem>>
      %dma_wait3A_1312 = arith.constant 0 : i32
      %dma_wait3A_1313 = arith.constant 0 : i32
      %dma_wait3A_1314 = tpu.memref_slice %arg3[%dma_wait3A_1312, %dma_wait3A_1313] : memref<49408x768xf32, #tpu.memory_space<hbm>> -> memref<49408x768xf32, #tpu.memory_space<hbm>>
      %dma_wait3A_1315 = tpu.memref_slice %arg7[%dma_wait3A_1305] : memref<14x!tpu.dma_semaphore, #tpu.memory_space<semaphore_mem>> -> memref<1x!tpu.dma_semaphore, #tpu.memory_space<semaphore_mem>>
      %dma_wait3A_1316 = tpu.memref_squeeze %dma_wait3A_1315 : memref<1x!tpu.dma_semaphore, #tpu.memory_space<semaphore_mem>> -> memref<!tpu.dma_semaphore, #tpu.memory_space<semaphore_mem>>
      tpu.wait_indirect_dma semaphore(%dma_wait3A_1316 : memref<!tpu.dma_semaphore, #tpu.memory_space<semaphore_mem>>) src(%dma_wait3A_1314 : memref<49408x768xf32, #tpu.memory_space<hbm>>) dst(%dma_wait3A_1309 : memref<8x768xf32, #tpu.memory_space<vmem>>)
      %mul3A_1317 = arith.constant 8 : i32
      %mul3A_1318 = arith.muli %add3A_1271, %mul3A_1317 : i32
      %add3A_1319 = arith.addi %mul3A_2, %mul3A_1318 : i32
      %dma_start3A_1320 = arith.constant 13 : i32
      %dma_start3A_1321 = arith.constant 13 : i32
      %dma_start3A_1322 = arith.constant 0 : i32
      %dma_start3A_1323 = arith.constant 0 : i32
      %dma_start3A_1324 = tpu.memref_slice %arg6[%dma_start3A_1320, %dma_start3A_1322, %dma_start3A_1323] : memref<14x8x768xf32, #tpu.memory_space<vmem>> -> memref<1x8x768xf32, #tpu.memory_space<vmem>>
      %dma_start3A_1325 = tpu.memref_squeeze %dma_start3A_1324 : memref<1x8x768xf32, #tpu.memory_space<vmem>> -> memref<8x768xf32, #tpu.memory_space<vmem>>
      %dma_start3A_1326 = arith.constant 0 : i32
      %dma_start3A_1327 = tpu.memref_slice %arg4[%add3A_1319, %dma_start3A_1326] : memref<78848x768xf32, #tpu.memory_space<hbm>> -> memref<8x768xf32, #tpu.memory_space<hbm>>
      %dma_start3A_1328 = tpu.memref_slice %arg8[%dma_start3A_1321] : memref<14x!tpu.dma_semaphore, #tpu.memory_space<semaphore_mem>> -> memref<1x!tpu.dma_semaphore, #tpu.memory_space<semaphore_mem>>
      %dma_start3A_1329 = tpu.memref_squeeze %dma_start3A_1328 : memref<1x!tpu.dma_semaphore, #tpu.memory_space<semaphore_mem>> -> memref<!tpu.dma_semaphore, #tpu.memory_space<semaphore_mem>>
      %dma_start3A_1330 = arith.constant 0 : i32
      %dma_start3A_1331 = tpu.memref_slice %arg4[%add3A_1319, %dma_start3A_1330] : memref<78848x768xf32, #tpu.memory_space<hbm>> -> memref<8x768xf32, #tpu.memory_space<hbm>>
      %dma_start3A_1332 = arith.constant 0 : i32
      %dma_start3A_1333 = arith.constant 0 : i32
      %dma_start3A_1334 = tpu.memref_slice %arg6[%dma_start3A_1320, %dma_start3A_1332, %dma_start3A_1333] : memref<14x8x768xf32, #tpu.memory_space<vmem>> -> memref<1x8x768xf32, #tpu.memory_space<vmem>>
      %dma_start3A_1335 = tpu.memref_squeeze %dma_start3A_1334 : memref<1x8x768xf32, #tpu.memory_space<vmem>> -> memref<8x768xf32, #tpu.memory_space<vmem>>
      tpu.enqueue_dma source(%dma_start3A_1335 : memref<8x768xf32, #tpu.memory_space<vmem>>) target(%dma_start3A_1331 : memref<8x768xf32, #tpu.memory_space<hbm>>) target_semaphore(%dma_start3A_1329 : memref<!tpu.dma_semaphore, #tpu.memory_space<semaphore_mem>>)
      %mul3A_1336 = arith.constant 14 : i32
      %mul3A_1337 = arith.muli %mul3A_1336, %scan3A_845 : i32
      %add3A_1338 = arith.constant 7 : i32
      %add3A_1339 = arith.addi %add3A_1338, %mul3A_1337 : i32
      %add3A_1340 = arith.constant 7 : i32
      %add3A_1341 = arith.addi %add3A_1339, %add3A_1340 : i32
      %dma_wait3A_1342 = arith.constant 7 : i32
      %dma_wait3A_1343 = arith.constant 7 : i32
      %dma_wait3A_1344 = arith.constant 0 : i32
      %dma_wait3A_1345 = arith.constant 0 : i32
      %dma_wait3A_1346 = tpu.memref_slice %arg6[%dma_wait3A_1342, %dma_wait3A_1344, %dma_wait3A_1345] : memref<14x8x768xf32, #tpu.memory_space<vmem>> -> memref<1x8x768xf32, #tpu.memory_space<vmem>>
      %dma_wait3A_1347 = tpu.memref_squeeze %dma_wait3A_1346 : memref<1x8x768xf32, #tpu.memory_space<vmem>> -> memref<8x768xf32, #tpu.memory_space<vmem>>
      %dma_wait3A_1348 = arith.constant 0 : i32
      %dma_wait3A_1349 = tpu.memref_slice %arg4[%mul3A_2, %dma_wait3A_1348] : memref<78848x768xf32, #tpu.memory_space<hbm>> -> memref<8x768xf32, #tpu.memory_space<hbm>>
      %dma_wait3A_1350 = tpu.memref_slice %arg8[%dma_wait3A_1343] : memref<14x!tpu.dma_semaphore, #tpu.memory_space<semaphore_mem>> -> memref<1x!tpu.dma_semaphore, #tpu.memory_space<semaphore_mem>>
      %dma_wait3A_1351 = tpu.memref_squeeze %dma_wait3A_1350 : memref<1x!tpu.dma_semaphore, #tpu.memory_space<semaphore_mem>> -> memref<!tpu.dma_semaphore, #tpu.memory_space<semaphore_mem>>
      %dma_wait3A_1352 = arith.constant 0 : i32
      %dma_wait3A_1353 = tpu.memref_slice %arg4[%mul3A_2, %dma_wait3A_1352] : memref<78848x768xf32, #tpu.memory_space<hbm>> -> memref<8x768xf32, #tpu.memory_space<hbm>>
      %dma_wait3A_1354 = arith.constant 0 : i32
      %dma_wait3A_1355 = arith.constant 0 : i32
      %dma_wait3A_1356 = tpu.memref_slice %arg6[%dma_wait3A_1342, %dma_wait3A_1354, %dma_wait3A_1355] : memref<14x8x768xf32, #tpu.memory_space<vmem>> -> memref<1x8x768xf32, #tpu.memory_space<vmem>>
      %dma_wait3A_1357 = tpu.memref_squeeze %dma_wait3A_1356 : memref<1x8x768xf32, #tpu.memory_space<vmem>> -> memref<8x768xf32, #tpu.memory_space<vmem>>
      tpu.wait_dma2 semaphore(%dma_wait3A_1351 : memref<!tpu.dma_semaphore, #tpu.memory_space<semaphore_mem>>) src(%dma_wait3A_1357 : memref<8x768xf32, #tpu.memory_space<vmem>>) dst(%dma_wait3A_1353 : memref<8x768xf32, #tpu.memory_space<hbm>>)
      %add3A_1358 = arith.constant 7 : i32
      %add3A_1359 = arith.addi %add3A_1341, %add3A_1358 : i32
      %mul3A_1360 = arith.constant 8 : i32
      %mul3A_1361 = arith.muli %add3A_1359, %mul3A_1360 : i32
      %dma_start3A_1362 = arith.constant 7 : i32
      %dma_start3A_1363 = arith.constant 7 : i32
      %dma_start3A_1364 = arith.constant 0 : i32
      %dma_start3A_1365 = arith.constant 0 : i32
      %dma_start3A_1366 = tpu.memref_slice %arg6[%dma_start3A_1362, %dma_start3A_1364, %dma_start3A_1365] : memref<14x8x768xf32, #tpu.memory_space<vmem>> -> memref<1x8x768xf32, #tpu.memory_space<vmem>>
      %dma_start3A_1367 = tpu.memref_squeeze %dma_start3A_1366 : memref<1x8x768xf32, #tpu.memory_space<vmem>> -> memref<8x768xf32, #tpu.memory_space<vmem>>
      %dma_start3A_1368 = tpu.memref_slice %arg5[%mul3A_1361] : memref<2464xi32, #tpu.memory_space<vmem>> -> memref<8xi32, #tpu.memory_space<vmem>>
      %dma_start3A_1369 = arith.constant 0 : i32
      %dma_start3A_1370 = arith.constant 0 : i32
      %dma_start3A_1371 = tpu.memref_slice %arg3[%dma_start3A_1369, %dma_start3A_1370] : memref<49408x768xf32, #tpu.memory_space<hbm>> -> memref<49408x768xf32, #tpu.memory_space<hbm>>
      %dma_start3A_1372 = tpu.memref_slice %arg7[%dma_start3A_1363] : memref<14x!tpu.dma_semaphore, #tpu.memory_space<semaphore_mem>> -> memref<1x!tpu.dma_semaphore, #tpu.memory_space<semaphore_mem>>
      %dma_start3A_1373 = tpu.memref_squeeze %dma_start3A_1372 : memref<1x!tpu.dma_semaphore, #tpu.memory_space<semaphore_mem>> -> memref<!tpu.dma_semaphore, #tpu.memory_space<semaphore_mem>>
      tpu.enqueue_indirect_dma source(%dma_start3A_1371 : memref<49408x768xf32, #tpu.memory_space<hbm>>) target(%dma_start3A_1367 : memref<8x768xf32, #tpu.memory_space<vmem>>) offsets(%dma_start3A_1368 : memref<8xi32, #tpu.memory_space<vmem>>) semaphore(%dma_start3A_1373 : memref<!tpu.dma_semaphore, #tpu.memory_space<semaphore_mem>>)
      %dma_wait3A_1374 = arith.constant 0 : i32
      %dma_wait3A_1375 = arith.constant 0 : i32
      %dma_wait3A_1376 = arith.constant 0 : i32
      %dma_wait3A_1377 = arith.constant 0 : i32
      %dma_wait3A_1378 = tpu.memref_slice %arg6[%dma_wait3A_1374, %dma_wait3A_1376, %dma_wait3A_1377] : memref<14x8x768xf32, #tpu.memory_space<vmem>> -> memref<1x8x768xf32, #tpu.memory_space<vmem>>
      %dma_wait3A_1379 = tpu.memref_squeeze %dma_wait3A_1378 : memref<1x8x768xf32, #tpu.memory_space<vmem>> -> memref<8x768xf32, #tpu.memory_space<vmem>>
      %dma_wait3A_1380 = arith.constant 0 : i32
      %dma_wait3A_1381 = tpu.memref_slice %arg5[%dma_wait3A_1380] : memref<2464xi32, #tpu.memory_space<vmem>> -> memref<8xi32, #tpu.memory_space<vmem>>
      %dma_wait3A_1382 = arith.constant 0 : i32
      %dma_wait3A_1383 = arith.constant 0 : i32
      %dma_wait3A_1384 = tpu.memref_slice %arg3[%dma_wait3A_1382, %dma_wait3A_1383] : memref<49408x768xf32, #tpu.memory_space<hbm>> -> memref<49408x768xf32, #tpu.memory_space<hbm>>
      %dma_wait3A_1385 = tpu.memref_slice %arg7[%dma_wait3A_1375] : memref<14x!tpu.dma_semaphore, #tpu.memory_space<semaphore_mem>> -> memref<1x!tpu.dma_semaphore, #tpu.memory_space<semaphore_mem>>
      %dma_wait3A_1386 = tpu.memref_squeeze %dma_wait3A_1385 : memref<1x!tpu.dma_semaphore, #tpu.memory_space<semaphore_mem>> -> memref<!tpu.dma_semaphore, #tpu.memory_space<semaphore_mem>>
      tpu.wait_indirect_dma semaphore(%dma_wait3A_1386 : memref<!tpu.dma_semaphore, #tpu.memory_space<semaphore_mem>>) src(%dma_wait3A_1384 : memref<49408x768xf32, #tpu.memory_space<hbm>>) dst(%dma_wait3A_1379 : memref<8x768xf32, #tpu.memory_space<vmem>>)
      %mul3A_1387 = arith.constant 8 : i32
      %mul3A_1388 = arith.muli %add3A_1341, %mul3A_1387 : i32
      %add3A_1389 = arith.addi %mul3A_2, %mul3A_1388 : i32
      %dma_start3A_1390 = arith.constant 0 : i32
      %dma_start3A_1391 = arith.constant 0 : i32
      %dma_start3A_1392 = arith.constant 0 : i32
      %dma_start3A_1393 = arith.constant 0 : i32
      %dma_start3A_1394 = tpu.memref_slice %arg6[%dma_start3A_1390, %dma_start3A_1392, %dma_start3A_1393] : memref<14x8x768xf32, #tpu.memory_space<vmem>> -> memref<1x8x768xf32, #tpu.memory_space<vmem>>
      %dma_start3A_1395 = tpu.memref_squeeze %dma_start3A_1394 : memref<1x8x768xf32, #tpu.memory_space<vmem>> -> memref<8x768xf32, #tpu.memory_space<vmem>>
      %dma_start3A_1396 = arith.constant 0 : i32
      %dma_start3A_1397 = tpu.memref_slice %arg4[%add3A_1389, %dma_start3A_1396] : memref<78848x768xf32, #tpu.memory_space<hbm>> -> memref<8x768xf32, #tpu.memory_space<hbm>>
      %dma_start3A_1398 = tpu.memref_slice %arg8[%dma_start3A_1391] : memref<14x!tpu.dma_semaphore, #tpu.memory_space<semaphore_mem>> -> memref<1x!tpu.dma_semaphore, #tpu.memory_space<semaphore_mem>>
      %dma_start3A_1399 = tpu.memref_squeeze %dma_start3A_1398 : memref<1x!tpu.dma_semaphore, #tpu.memory_space<semaphore_mem>> -> memref<!tpu.dma_semaphore, #tpu.memory_space<semaphore_mem>>
      %dma_start3A_1400 = arith.constant 0 : i32
      %dma_start3A_1401 = tpu.memref_slice %arg4[%add3A_1389, %dma_start3A_1400] : memref<78848x768xf32, #tpu.memory_space<hbm>> -> memref<8x768xf32, #tpu.memory_space<hbm>>
      %dma_start3A_1402 = arith.constant 0 : i32
      %dma_start3A_1403 = arith.constant 0 : i32
      %dma_start3A_1404 = tpu.memref_slice %arg6[%dma_start3A_1390, %dma_start3A_1402, %dma_start3A_1403] : memref<14x8x768xf32, #tpu.memory_space<vmem>> -> memref<1x8x768xf32, #tpu.memory_space<vmem>>
      %dma_start3A_1405 = tpu.memref_squeeze %dma_start3A_1404 : memref<1x8x768xf32, #tpu.memory_space<vmem>> -> memref<8x768xf32, #tpu.memory_space<vmem>>
      tpu.enqueue_dma source(%dma_start3A_1405 : memref<8x768xf32, #tpu.memory_space<vmem>>) target(%dma_start3A_1401 : memref<8x768xf32, #tpu.memory_space<hbm>>) target_semaphore(%dma_start3A_1399 : memref<!tpu.dma_semaphore, #tpu.memory_space<semaphore_mem>>)
      %mul3A_1406 = arith.constant 14 : i32
      %mul3A_1407 = arith.muli %mul3A_1406, %scan3A_845 : i32
      %add3A_1408 = arith.constant 7 : i32
      %add3A_1409 = arith.addi %add3A_1408, %mul3A_1407 : i32
      %add3A_1410 = arith.constant 8 : i32
      %add3A_1411 = arith.addi %add3A_1409, %add3A_1410 : i32
      %dma_wait3A_1412 = arith.constant 8 : i32
      %dma_wait3A_1413 = arith.constant 8 : i32
      %dma_wait3A_1414 = arith.constant 0 : i32
      %dma_wait3A_1415 = arith.constant 0 : i32
      %dma_wait3A_1416 = tpu.memref_slice %arg6[%dma_wait3A_1412, %dma_wait3A_1414, %dma_wait3A_1415] : memref<14x8x768xf32, #tpu.memory_space<vmem>> -> memref<1x8x768xf32, #tpu.memory_space<vmem>>
      %dma_wait3A_1417 = tpu.memref_squeeze %dma_wait3A_1416 : memref<1x8x768xf32, #tpu.memory_space<vmem>> -> memref<8x768xf32, #tpu.memory_space<vmem>>
      %dma_wait3A_1418 = arith.constant 0 : i32
      %dma_wait3A_1419 = tpu.memref_slice %arg4[%mul3A_2, %dma_wait3A_1418] : memref<78848x768xf32, #tpu.memory_space<hbm>> -> memref<8x768xf32, #tpu.memory_space<hbm>>
      %dma_wait3A_1420 = tpu.memref_slice %arg8[%dma_wait3A_1413] : memref<14x!tpu.dma_semaphore, #tpu.memory_space<semaphore_mem>> -> memref<1x!tpu.dma_semaphore, #tpu.memory_space<semaphore_mem>>
      %dma_wait3A_1421 = tpu.memref_squeeze %dma_wait3A_1420 : memref<1x!tpu.dma_semaphore, #tpu.memory_space<semaphore_mem>> -> memref<!tpu.dma_semaphore, #tpu.memory_space<semaphore_mem>>
      %dma_wait3A_1422 = arith.constant 0 : i32
      %dma_wait3A_1423 = tpu.memref_slice %arg4[%mul3A_2, %dma_wait3A_1422] : memref<78848x768xf32, #tpu.memory_space<hbm>> -> memref<8x768xf32, #tpu.memory_space<hbm>>
      %dma_wait3A_1424 = arith.constant 0 : i32
      %dma_wait3A_1425 = arith.constant 0 : i32
      %dma_wait3A_1426 = tpu.memref_slice %arg6[%dma_wait3A_1412, %dma_wait3A_1424, %dma_wait3A_1425] : memref<14x8x768xf32, #tpu.memory_space<vmem>> -> memref<1x8x768xf32, #tpu.memory_space<vmem>>
      %dma_wait3A_1427 = tpu.memref_squeeze %dma_wait3A_1426 : memref<1x8x768xf32, #tpu.memory_space<vmem>> -> memref<8x768xf32, #tpu.memory_space<vmem>>
      tpu.wait_dma2 semaphore(%dma_wait3A_1421 : memref<!tpu.dma_semaphore, #tpu.memory_space<semaphore_mem>>) src(%dma_wait3A_1427 : memref<8x768xf32, #tpu.memory_space<vmem>>) dst(%dma_wait3A_1423 : memref<8x768xf32, #tpu.memory_space<hbm>>)
      %add3A_1428 = arith.constant 7 : i32
      %add3A_1429 = arith.addi %add3A_1411, %add3A_1428 : i32
      %mul3A_1430 = arith.constant 8 : i32
      %mul3A_1431 = arith.muli %add3A_1429, %mul3A_1430 : i32
      %dma_start3A_1432 = arith.constant 8 : i32
      %dma_start3A_1433 = arith.constant 8 : i32
      %dma_start3A_1434 = arith.constant 0 : i32
      %dma_start3A_1435 = arith.constant 0 : i32
      %dma_start3A_1436 = tpu.memref_slice %arg6[%dma_start3A_1432, %dma_start3A_1434, %dma_start3A_1435] : memref<14x8x768xf32, #tpu.memory_space<vmem>> -> memref<1x8x768xf32, #tpu.memory_space<vmem>>
      %dma_start3A_1437 = tpu.memref_squeeze %dma_start3A_1436 : memref<1x8x768xf32, #tpu.memory_space<vmem>> -> memref<8x768xf32, #tpu.memory_space<vmem>>
      %dma_start3A_1438 = tpu.memref_slice %arg5[%mul3A_1431] : memref<2464xi32, #tpu.memory_space<vmem>> -> memref<8xi32, #tpu.memory_space<vmem>>
      %dma_start3A_1439 = arith.constant 0 : i32
      %dma_start3A_1440 = arith.constant 0 : i32
      %dma_start3A_1441 = tpu.memref_slice %arg3[%dma_start3A_1439, %dma_start3A_1440] : memref<49408x768xf32, #tpu.memory_space<hbm>> -> memref<49408x768xf32, #tpu.memory_space<hbm>>
      %dma_start3A_1442 = tpu.memref_slice %arg7[%dma_start3A_1433] : memref<14x!tpu.dma_semaphore, #tpu.memory_space<semaphore_mem>> -> memref<1x!tpu.dma_semaphore, #tpu.memory_space<semaphore_mem>>
      %dma_start3A_1443 = tpu.memref_squeeze %dma_start3A_1442 : memref<1x!tpu.dma_semaphore, #tpu.memory_space<semaphore_mem>> -> memref<!tpu.dma_semaphore, #tpu.memory_space<semaphore_mem>>
      tpu.enqueue_indirect_dma source(%dma_start3A_1441 : memref<49408x768xf32, #tpu.memory_space<hbm>>) target(%dma_start3A_1437 : memref<8x768xf32, #tpu.memory_space<vmem>>) offsets(%dma_start3A_1438 : memref<8xi32, #tpu.memory_space<vmem>>) semaphore(%dma_start3A_1443 : memref<!tpu.dma_semaphore, #tpu.memory_space<semaphore_mem>>)
      %dma_wait3A_1444 = arith.constant 1 : i32
      %dma_wait3A_1445 = arith.constant 1 : i32
      %dma_wait3A_1446 = arith.constant 0 : i32
      %dma_wait3A_1447 = arith.constant 0 : i32
      %dma_wait3A_1448 = tpu.memref_slice %arg6[%dma_wait3A_1444, %dma_wait3A_1446, %dma_wait3A_1447] : memref<14x8x768xf32, #tpu.memory_space<vmem>> -> memref<1x8x768xf32, #tpu.memory_space<vmem>>
      %dma_wait3A_1449 = tpu.memref_squeeze %dma_wait3A_1448 : memref<1x8x768xf32, #tpu.memory_space<vmem>> -> memref<8x768xf32, #tpu.memory_space<vmem>>
      %dma_wait3A_1450 = arith.constant 0 : i32
      %dma_wait3A_1451 = tpu.memref_slice %arg5[%dma_wait3A_1450] : memref<2464xi32, #tpu.memory_space<vmem>> -> memref<8xi32, #tpu.memory_space<vmem>>
      %dma_wait3A_1452 = arith.constant 0 : i32
      %dma_wait3A_1453 = arith.constant 0 : i32
      %dma_wait3A_1454 = tpu.memref_slice %arg3[%dma_wait3A_1452, %dma_wait3A_1453] : memref<49408x768xf32, #tpu.memory_space<hbm>> -> memref<49408x768xf32, #tpu.memory_space<hbm>>
      %dma_wait3A_1455 = tpu.memref_slice %arg7[%dma_wait3A_1445] : memref<14x!tpu.dma_semaphore, #tpu.memory_space<semaphore_mem>> -> memref<1x!tpu.dma_semaphore, #tpu.memory_space<semaphore_mem>>
      %dma_wait3A_1456 = tpu.memref_squeeze %dma_wait3A_1455 : memref<1x!tpu.dma_semaphore, #tpu.memory_space<semaphore_mem>> -> memref<!tpu.dma_semaphore, #tpu.memory_space<semaphore_mem>>
      tpu.wait_indirect_dma semaphore(%dma_wait3A_1456 : memref<!tpu.dma_semaphore, #tpu.memory_space<semaphore_mem>>) src(%dma_wait3A_1454 : memref<49408x768xf32, #tpu.memory_space<hbm>>) dst(%dma_wait3A_1449 : memref<8x768xf32, #tpu.memory_space<vmem>>)
      %mul3A_1457 = arith.constant 8 : i32
      %mul3A_1458 = arith.muli %add3A_1411, %mul3A_1457 : i32
      %add3A_1459 = arith.addi %mul3A_2, %mul3A_1458 : i32
      %dma_start3A_1460 = arith.constant 1 : i32
      %dma_start3A_1461 = arith.constant 1 : i32
      %dma_start3A_1462 = arith.constant 0 : i32
      %dma_start3A_1463 = arith.constant 0 : i32
      %dma_start3A_1464 = tpu.memref_slice %arg6[%dma_start3A_1460, %dma_start3A_1462, %dma_start3A_1463] : memref<14x8x768xf32, #tpu.memory_space<vmem>> -> memref<1x8x768xf32, #tpu.memory_space<vmem>>
      %dma_start3A_1465 = tpu.memref_squeeze %dma_start3A_1464 : memref<1x8x768xf32, #tpu.memory_space<vmem>> -> memref<8x768xf32, #tpu.memory_space<vmem>>
      %dma_start3A_1466 = arith.constant 0 : i32
      %dma_start3A_1467 = tpu.memref_slice %arg4[%add3A_1459, %dma_start3A_1466] : memref<78848x768xf32, #tpu.memory_space<hbm>> -> memref<8x768xf32, #tpu.memory_space<hbm>>
      %dma_start3A_1468 = tpu.memref_slice %arg8[%dma_start3A_1461] : memref<14x!tpu.dma_semaphore, #tpu.memory_space<semaphore_mem>> -> memref<1x!tpu.dma_semaphore, #tpu.memory_space<semaphore_mem>>
      %dma_start3A_1469 = tpu.memref_squeeze %dma_start3A_1468 : memref<1x!tpu.dma_semaphore, #tpu.memory_space<semaphore_mem>> -> memref<!tpu.dma_semaphore, #tpu.memory_space<semaphore_mem>>
      %dma_start3A_1470 = arith.constant 0 : i32
      %dma_start3A_1471 = tpu.memref_slice %arg4[%add3A_1459, %dma_start3A_1470] : memref<78848x768xf32, #tpu.memory_space<hbm>> -> memref<8x768xf32, #tpu.memory_space<hbm>>
      %dma_start3A_1472 = arith.constant 0 : i32
      %dma_start3A_1473 = arith.constant 0 : i32
      %dma_start3A_1474 = tpu.memref_slice %arg6[%dma_start3A_1460, %dma_start3A_1472, %dma_start3A_1473] : memref<14x8x768xf32, #tpu.memory_space<vmem>> -> memref<1x8x768xf32, #tpu.memory_space<vmem>>
      %dma_start3A_1475 = tpu.memref_squeeze %dma_start3A_1474 : memref<1x8x768xf32, #tpu.memory_space<vmem>> -> memref<8x768xf32, #tpu.memory_space<vmem>>
      tpu.enqueue_dma source(%dma_start3A_1475 : memref<8x768xf32, #tpu.memory_space<vmem>>) target(%dma_start3A_1471 : memref<8x768xf32, #tpu.memory_space<hbm>>) target_semaphore(%dma_start3A_1469 : memref<!tpu.dma_semaphore, #tpu.memory_space<semaphore_mem>>)
      %mul3A_1476 = arith.constant 14 : i32
      %mul3A_1477 = arith.muli %mul3A_1476, %scan3A_845 : i32
      %add3A_1478 = arith.constant 7 : i32
      %add3A_1479 = arith.addi %add3A_1478, %mul3A_1477 : i32
      %add3A_1480 = arith.constant 9 : i32
      %add3A_1481 = arith.addi %add3A_1479, %add3A_1480 : i32
      %dma_wait3A_1482 = arith.constant 9 : i32
      %dma_wait3A_1483 = arith.constant 9 : i32
      %dma_wait3A_1484 = arith.constant 0 : i32
      %dma_wait3A_1485 = arith.constant 0 : i32
      %dma_wait3A_1486 = tpu.memref_slice %arg6[%dma_wait3A_1482, %dma_wait3A_1484, %dma_wait3A_1485] : memref<14x8x768xf32, #tpu.memory_space<vmem>> -> memref<1x8x768xf32, #tpu.memory_space<vmem>>
      %dma_wait3A_1487 = tpu.memref_squeeze %dma_wait3A_1486 : memref<1x8x768xf32, #tpu.memory_space<vmem>> -> memref<8x768xf32, #tpu.memory_space<vmem>>
      %dma_wait3A_1488 = arith.constant 0 : i32
      %dma_wait3A_1489 = tpu.memref_slice %arg4[%mul3A_2, %dma_wait3A_1488] : memref<78848x768xf32, #tpu.memory_space<hbm>> -> memref<8x768xf32, #tpu.memory_space<hbm>>
      %dma_wait3A_1490 = tpu.memref_slice %arg8[%dma_wait3A_1483] : memref<14x!tpu.dma_semaphore, #tpu.memory_space<semaphore_mem>> -> memref<1x!tpu.dma_semaphore, #tpu.memory_space<semaphore_mem>>
      %dma_wait3A_1491 = tpu.memref_squeeze %dma_wait3A_1490 : memref<1x!tpu.dma_semaphore, #tpu.memory_space<semaphore_mem>> -> memref<!tpu.dma_semaphore, #tpu.memory_space<semaphore_mem>>
      %dma_wait3A_1492 = arith.constant 0 : i32
      %dma_wait3A_1493 = tpu.memref_slice %arg4[%mul3A_2, %dma_wait3A_1492] : memref<78848x768xf32, #tpu.memory_space<hbm>> -> memref<8x768xf32, #tpu.memory_space<hbm>>
      %dma_wait3A_1494 = arith.constant 0 : i32
      %dma_wait3A_1495 = arith.constant 0 : i32
      %dma_wait3A_1496 = tpu.memref_slice %arg6[%dma_wait3A_1482, %dma_wait3A_1494, %dma_wait3A_1495] : memref<14x8x768xf32, #tpu.memory_space<vmem>> -> memref<1x8x768xf32, #tpu.memory_space<vmem>>
      %dma_wait3A_1497 = tpu.memref_squeeze %dma_wait3A_1496 : memref<1x8x768xf32, #tpu.memory_space<vmem>> -> memref<8x768xf32, #tpu.memory_space<vmem>>
      tpu.wait_dma2 semaphore(%dma_wait3A_1491 : memref<!tpu.dma_semaphore, #tpu.memory_space<semaphore_mem>>) src(%dma_wait3A_1497 : memref<8x768xf32, #tpu.memory_space<vmem>>) dst(%dma_wait3A_1493 : memref<8x768xf32, #tpu.memory_space<hbm>>)
      %add3A_1498 = arith.constant 7 : i32
      %add3A_1499 = arith.addi %add3A_1481, %add3A_1498 : i32
      %mul3A_1500 = arith.constant 8 : i32
      %mul3A_1501 = arith.muli %add3A_1499, %mul3A_1500 : i32
      %dma_start3A_1502 = arith.constant 9 : i32
      %dma_start3A_1503 = arith.constant 9 : i32
      %dma_start3A_1504 = arith.constant 0 : i32
      %dma_start3A_1505 = arith.constant 0 : i32
      %dma_start3A_1506 = tpu.memref_slice %arg6[%dma_start3A_1502, %dma_start3A_1504, %dma_start3A_1505] : memref<14x8x768xf32, #tpu.memory_space<vmem>> -> memref<1x8x768xf32, #tpu.memory_space<vmem>>
      %dma_start3A_1507 = tpu.memref_squeeze %dma_start3A_1506 : memref<1x8x768xf32, #tpu.memory_space<vmem>> -> memref<8x768xf32, #tpu.memory_space<vmem>>
      %dma_start3A_1508 = tpu.memref_slice %arg5[%mul3A_1501] : memref<2464xi32, #tpu.memory_space<vmem>> -> memref<8xi32, #tpu.memory_space<vmem>>
      %dma_start3A_1509 = arith.constant 0 : i32
      %dma_start3A_1510 = arith.constant 0 : i32
      %dma_start3A_1511 = tpu.memref_slice %arg3[%dma_start3A_1509, %dma_start3A_1510] : memref<49408x768xf32, #tpu.memory_space<hbm>> -> memref<49408x768xf32, #tpu.memory_space<hbm>>
      %dma_start3A_1512 = tpu.memref_slice %arg7[%dma_start3A_1503] : memref<14x!tpu.dma_semaphore, #tpu.memory_space<semaphore_mem>> -> memref<1x!tpu.dma_semaphore, #tpu.memory_space<semaphore_mem>>
      %dma_start3A_1513 = tpu.memref_squeeze %dma_start3A_1512 : memref<1x!tpu.dma_semaphore, #tpu.memory_space<semaphore_mem>> -> memref<!tpu.dma_semaphore, #tpu.memory_space<semaphore_mem>>
      tpu.enqueue_indirect_dma source(%dma_start3A_1511 : memref<49408x768xf32, #tpu.memory_space<hbm>>) target(%dma_start3A_1507 : memref<8x768xf32, #tpu.memory_space<vmem>>) offsets(%dma_start3A_1508 : memref<8xi32, #tpu.memory_space<vmem>>) semaphore(%dma_start3A_1513 : memref<!tpu.dma_semaphore, #tpu.memory_space<semaphore_mem>>)
      %dma_wait3A_1514 = arith.constant 2 : i32
      %dma_wait3A_1515 = arith.constant 2 : i32
      %dma_wait3A_1516 = arith.constant 0 : i32
      %dma_wait3A_1517 = arith.constant 0 : i32
      %dma_wait3A_1518 = tpu.memref_slice %arg6[%dma_wait3A_1514, %dma_wait3A_1516, %dma_wait3A_1517] : memref<14x8x768xf32, #tpu.memory_space<vmem>> -> memref<1x8x768xf32, #tpu.memory_space<vmem>>
      %dma_wait3A_1519 = tpu.memref_squeeze %dma_wait3A_1518 : memref<1x8x768xf32, #tpu.memory_space<vmem>> -> memref<8x768xf32, #tpu.memory_space<vmem>>
      %dma_wait3A_1520 = arith.constant 0 : i32
      %dma_wait3A_1521 = tpu.memref_slice %arg5[%dma_wait3A_1520] : memref<2464xi32, #tpu.memory_space<vmem>> -> memref<8xi32, #tpu.memory_space<vmem>>
      %dma_wait3A_1522 = arith.constant 0 : i32
      %dma_wait3A_1523 = arith.constant 0 : i32
      %dma_wait3A_1524 = tpu.memref_slice %arg3[%dma_wait3A_1522, %dma_wait3A_1523] : memref<49408x768xf32, #tpu.memory_space<hbm>> -> memref<49408x768xf32, #tpu.memory_space<hbm>>
      %dma_wait3A_1525 = tpu.memref_slice %arg7[%dma_wait3A_1515] : memref<14x!tpu.dma_semaphore, #tpu.memory_space<semaphore_mem>> -> memref<1x!tpu.dma_semaphore, #tpu.memory_space<semaphore_mem>>
      %dma_wait3A_1526 = tpu.memref_squeeze %dma_wait3A_1525 : memref<1x!tpu.dma_semaphore, #tpu.memory_space<semaphore_mem>> -> memref<!tpu.dma_semaphore, #tpu.memory_space<semaphore_mem>>
      tpu.wait_indirect_dma semaphore(%dma_wait3A_1526 : memref<!tpu.dma_semaphore, #tpu.memory_space<semaphore_mem>>) src(%dma_wait3A_1524 : memref<49408x768xf32, #tpu.memory_space<hbm>>) dst(%dma_wait3A_1519 : memref<8x768xf32, #tpu.memory_space<vmem>>)
      %mul3A_1527 = arith.constant 8 : i32
      %mul3A_1528 = arith.muli %add3A_1481, %mul3A_1527 : i32
      %add3A_1529 = arith.addi %mul3A_2, %mul3A_1528 : i32
      %dma_start3A_1530 = arith.constant 2 : i32
      %dma_start3A_1531 = arith.constant 2 : i32
      %dma_start3A_1532 = arith.constant 0 : i32
      %dma_start3A_1533 = arith.constant 0 : i32
      %dma_start3A_1534 = tpu.memref_slice %arg6[%dma_start3A_1530, %dma_start3A_1532, %dma_start3A_1533] : memref<14x8x768xf32, #tpu.memory_space<vmem>> -> memref<1x8x768xf32, #tpu.memory_space<vmem>>
      %dma_start3A_1535 = tpu.memref_squeeze %dma_start3A_1534 : memref<1x8x768xf32, #tpu.memory_space<vmem>> -> memref<8x768xf32, #tpu.memory_space<vmem>>
      %dma_start3A_1536 = arith.constant 0 : i32
      %dma_start3A_1537 = tpu.memref_slice %arg4[%add3A_1529, %dma_start3A_1536] : memref<78848x768xf32, #tpu.memory_space<hbm>> -> memref<8x768xf32, #tpu.memory_space<hbm>>
      %dma_start3A_1538 = tpu.memref_slice %arg8[%dma_start3A_1531] : memref<14x!tpu.dma_semaphore, #tpu.memory_space<semaphore_mem>> -> memref<1x!tpu.dma_semaphore, #tpu.memory_space<semaphore_mem>>
      %dma_start3A_1539 = tpu.memref_squeeze %dma_start3A_1538 : memref<1x!tpu.dma_semaphore, #tpu.memory_space<semaphore_mem>> -> memref<!tpu.dma_semaphore, #tpu.memory_space<semaphore_mem>>
      %dma_start3A_1540 = arith.constant 0 : i32
      %dma_start3A_1541 = tpu.memref_slice %arg4[%add3A_1529, %dma_start3A_1540] : memref<78848x768xf32, #tpu.memory_space<hbm>> -> memref<8x768xf32, #tpu.memory_space<hbm>>
      %dma_start3A_1542 = arith.constant 0 : i32
      %dma_start3A_1543 = arith.constant 0 : i32
      %dma_start3A_1544 = tpu.memref_slice %arg6[%dma_start3A_1530, %dma_start3A_1542, %dma_start3A_1543] : memref<14x8x768xf32, #tpu.memory_space<vmem>> -> memref<1x8x768xf32, #tpu.memory_space<vmem>>
      %dma_start3A_1545 = tpu.memref_squeeze %dma_start3A_1544 : memref<1x8x768xf32, #tpu.memory_space<vmem>> -> memref<8x768xf32, #tpu.memory_space<vmem>>
      tpu.enqueue_dma source(%dma_start3A_1545 : memref<8x768xf32, #tpu.memory_space<vmem>>) target(%dma_start3A_1541 : memref<8x768xf32, #tpu.memory_space<hbm>>) target_semaphore(%dma_start3A_1539 : memref<!tpu.dma_semaphore, #tpu.memory_space<semaphore_mem>>)
      %mul3A_1546 = arith.constant 14 : i32
      %mul3A_1547 = arith.muli %mul3A_1546, %scan3A_845 : i32
      %add3A_1548 = arith.constant 7 : i32
      %add3A_1549 = arith.addi %add3A_1548, %mul3A_1547 : i32
      %add3A_1550 = arith.constant 10 : i32
      %add3A_1551 = arith.addi %add3A_1549, %add3A_1550 : i32
      %dma_wait3A_1552 = arith.constant 10 : i32
      %dma_wait3A_1553 = arith.constant 10 : i32
      %dma_wait3A_1554 = arith.constant 0 : i32
      %dma_wait3A_1555 = arith.constant 0 : i32
      %dma_wait3A_1556 = tpu.memref_slice %arg6[%dma_wait3A_1552, %dma_wait3A_1554, %dma_wait3A_1555] : memref<14x8x768xf32, #tpu.memory_space<vmem>> -> memref<1x8x768xf32, #tpu.memory_space<vmem>>
      %dma_wait3A_1557 = tpu.memref_squeeze %dma_wait3A_1556 : memref<1x8x768xf32, #tpu.memory_space<vmem>> -> memref<8x768xf32, #tpu.memory_space<vmem>>
      %dma_wait3A_1558 = arith.constant 0 : i32
      %dma_wait3A_1559 = tpu.memref_slice %arg4[%mul3A_2, %dma_wait3A_1558] : memref<78848x768xf32, #tpu.memory_space<hbm>> -> memref<8x768xf32, #tpu.memory_space<hbm>>
      %dma_wait3A_1560 = tpu.memref_slice %arg8[%dma_wait3A_1553] : memref<14x!tpu.dma_semaphore, #tpu.memory_space<semaphore_mem>> -> memref<1x!tpu.dma_semaphore, #tpu.memory_space<semaphore_mem>>
      %dma_wait3A_1561 = tpu.memref_squeeze %dma_wait3A_1560 : memref<1x!tpu.dma_semaphore, #tpu.memory_space<semaphore_mem>> -> memref<!tpu.dma_semaphore, #tpu.memory_space<semaphore_mem>>
      %dma_wait3A_1562 = arith.constant 0 : i32
      %dma_wait3A_1563 = tpu.memref_slice %arg4[%mul3A_2, %dma_wait3A_1562] : memref<78848x768xf32, #tpu.memory_space<hbm>> -> memref<8x768xf32, #tpu.memory_space<hbm>>
      %dma_wait3A_1564 = arith.constant 0 : i32
      %dma_wait3A_1565 = arith.constant 0 : i32
      %dma_wait3A_1566 = tpu.memref_slice %arg6[%dma_wait3A_1552, %dma_wait3A_1564, %dma_wait3A_1565] : memref<14x8x768xf32, #tpu.memory_space<vmem>> -> memref<1x8x768xf32, #tpu.memory_space<vmem>>
      %dma_wait3A_1567 = tpu.memref_squeeze %dma_wait3A_1566 : memref<1x8x768xf32, #tpu.memory_space<vmem>> -> memref<8x768xf32, #tpu.memory_space<vmem>>
      tpu.wait_dma2 semaphore(%dma_wait3A_1561 : memref<!tpu.dma_semaphore, #tpu.memory_space<semaphore_mem>>) src(%dma_wait3A_1567 : memref<8x768xf32, #tpu.memory_space<vmem>>) dst(%dma_wait3A_1563 : memref<8x768xf32, #tpu.memory_space<hbm>>)
      %add3A_1568 = arith.constant 7 : i32
      %add3A_1569 = arith.addi %add3A_1551, %add3A_1568 : i32
      %mul3A_1570 = arith.constant 8 : i32
      %mul3A_1571 = arith.muli %add3A_1569, %mul3A_1570 : i32
      %dma_start3A_1572 = arith.constant 10 : i32
      %dma_start3A_1573 = arith.constant 10 : i32
      %dma_start3A_1574 = arith.constant 0 : i32
      %dma_start3A_1575 = arith.constant 0 : i32
      %dma_start3A_1576 = tpu.memref_slice %arg6[%dma_start3A_1572, %dma_start3A_1574, %dma_start3A_1575] : memref<14x8x768xf32, #tpu.memory_space<vmem>> -> memref<1x8x768xf32, #tpu.memory_space<vmem>>
      %dma_start3A_1577 = tpu.memref_squeeze %dma_start3A_1576 : memref<1x8x768xf32, #tpu.memory_space<vmem>> -> memref<8x768xf32, #tpu.memory_space<vmem>>
      %dma_start3A_1578 = tpu.memref_slice %arg5[%mul3A_1571] : memref<2464xi32, #tpu.memory_space<vmem>> -> memref<8xi32, #tpu.memory_space<vmem>>
      %dma_start3A_1579 = arith.constant 0 : i32
      %dma_start3A_1580 = arith.constant 0 : i32
      %dma_start3A_1581 = tpu.memref_slice %arg3[%dma_start3A_1579, %dma_start3A_1580] : memref<49408x768xf32, #tpu.memory_space<hbm>> -> memref<49408x768xf32, #tpu.memory_space<hbm>>
      %dma_start3A_1582 = tpu.memref_slice %arg7[%dma_start3A_1573] : memref<14x!tpu.dma_semaphore, #tpu.memory_space<semaphore_mem>> -> memref<1x!tpu.dma_semaphore, #tpu.memory_space<semaphore_mem>>
      %dma_start3A_1583 = tpu.memref_squeeze %dma_start3A_1582 : memref<1x!tpu.dma_semaphore, #tpu.memory_space<semaphore_mem>> -> memref<!tpu.dma_semaphore, #tpu.memory_space<semaphore_mem>>
      tpu.enqueue_indirect_dma source(%dma_start3A_1581 : memref<49408x768xf32, #tpu.memory_space<hbm>>) target(%dma_start3A_1577 : memref<8x768xf32, #tpu.memory_space<vmem>>) offsets(%dma_start3A_1578 : memref<8xi32, #tpu.memory_space<vmem>>) semaphore(%dma_start3A_1583 : memref<!tpu.dma_semaphore, #tpu.memory_space<semaphore_mem>>)
      %dma_wait3A_1584 = arith.constant 3 : i32
      %dma_wait3A_1585 = arith.constant 3 : i32
      %dma_wait3A_1586 = arith.constant 0 : i32
      %dma_wait3A_1587 = arith.constant 0 : i32
      %dma_wait3A_1588 = tpu.memref_slice %arg6[%dma_wait3A_1584, %dma_wait3A_1586, %dma_wait3A_1587] : memref<14x8x768xf32, #tpu.memory_space<vmem>> -> memref<1x8x768xf32, #tpu.memory_space<vmem>>
      %dma_wait3A_1589 = tpu.memref_squeeze %dma_wait3A_1588 : memref<1x8x768xf32, #tpu.memory_space<vmem>> -> memref<8x768xf32, #tpu.memory_space<vmem>>
      %dma_wait3A_1590 = arith.constant 0 : i32
      %dma_wait3A_1591 = tpu.memref_slice %arg5[%dma_wait3A_1590] : memref<2464xi32, #tpu.memory_space<vmem>> -> memref<8xi32, #tpu.memory_space<vmem>>
      %dma_wait3A_1592 = arith.constant 0 : i32
      %dma_wait3A_1593 = arith.constant 0 : i32
      %dma_wait3A_1594 = tpu.memref_slice %arg3[%dma_wait3A_1592, %dma_wait3A_1593] : memref<49408x768xf32, #tpu.memory_space<hbm>> -> memref<49408x768xf32, #tpu.memory_space<hbm>>
      %dma_wait3A_1595 = tpu.memref_slice %arg7[%dma_wait3A_1585] : memref<14x!tpu.dma_semaphore, #tpu.memory_space<semaphore_mem>> -> memref<1x!tpu.dma_semaphore, #tpu.memory_space<semaphore_mem>>
      %dma_wait3A_1596 = tpu.memref_squeeze %dma_wait3A_1595 : memref<1x!tpu.dma_semaphore, #tpu.memory_space<semaphore_mem>> -> memref<!tpu.dma_semaphore, #tpu.memory_space<semaphore_mem>>
      tpu.wait_indirect_dma semaphore(%dma_wait3A_1596 : memref<!tpu.dma_semaphore, #tpu.memory_space<semaphore_mem>>) src(%dma_wait3A_1594 : memref<49408x768xf32, #tpu.memory_space<hbm>>) dst(%dma_wait3A_1589 : memref<8x768xf32, #tpu.memory_space<vmem>>)
      %mul3A_1597 = arith.constant 8 : i32
      %mul3A_1598 = arith.muli %add3A_1551, %mul3A_1597 : i32
      %add3A_1599 = arith.addi %mul3A_2, %mul3A_1598 : i32
      %dma_start3A_1600 = arith.constant 3 : i32
      %dma_start3A_1601 = arith.constant 3 : i32
      %dma_start3A_1602 = arith.constant 0 : i32
      %dma_start3A_1603 = arith.constant 0 : i32
      %dma_start3A_1604 = tpu.memref_slice %arg6[%dma_start3A_1600, %dma_start3A_1602, %dma_start3A_1603] : memref<14x8x768xf32, #tpu.memory_space<vmem>> -> memref<1x8x768xf32, #tpu.memory_space<vmem>>
      %dma_start3A_1605 = tpu.memref_squeeze %dma_start3A_1604 : memref<1x8x768xf32, #tpu.memory_space<vmem>> -> memref<8x768xf32, #tpu.memory_space<vmem>>
      %dma_start3A_1606 = arith.constant 0 : i32
      %dma_start3A_1607 = tpu.memref_slice %arg4[%add3A_1599, %dma_start3A_1606] : memref<78848x768xf32, #tpu.memory_space<hbm>> -> memref<8x768xf32, #tpu.memory_space<hbm>>
      %dma_start3A_1608 = tpu.memref_slice %arg8[%dma_start3A_1601] : memref<14x!tpu.dma_semaphore, #tpu.memory_space<semaphore_mem>> -> memref<1x!tpu.dma_semaphore, #tpu.memory_space<semaphore_mem>>
      %dma_start3A_1609 = tpu.memref_squeeze %dma_start3A_1608 : memref<1x!tpu.dma_semaphore, #tpu.memory_space<semaphore_mem>> -> memref<!tpu.dma_semaphore, #tpu.memory_space<semaphore_mem>>
      %dma_start3A_1610 = arith.constant 0 : i32
      %dma_start3A_1611 = tpu.memref_slice %arg4[%add3A_1599, %dma_start3A_1610] : memref<78848x768xf32, #tpu.memory_space<hbm>> -> memref<8x768xf32, #tpu.memory_space<hbm>>
      %dma_start3A_1612 = arith.constant 0 : i32
      %dma_start3A_1613 = arith.constant 0 : i32
      %dma_start3A_1614 = tpu.memref_slice %arg6[%dma_start3A_1600, %dma_start3A_1612, %dma_start3A_1613] : memref<14x8x768xf32, #tpu.memory_space<vmem>> -> memref<1x8x768xf32, #tpu.memory_space<vmem>>
      %dma_start3A_1615 = tpu.memref_squeeze %dma_start3A_1614 : memref<1x8x768xf32, #tpu.memory_space<vmem>> -> memref<8x768xf32, #tpu.memory_space<vmem>>
      tpu.enqueue_dma source(%dma_start3A_1615 : memref<8x768xf32, #tpu.memory_space<vmem>>) target(%dma_start3A_1611 : memref<8x768xf32, #tpu.memory_space<hbm>>) target_semaphore(%dma_start3A_1609 : memref<!tpu.dma_semaphore, #tpu.memory_space<semaphore_mem>>)
      %mul3A_1616 = arith.constant 14 : i32
      %mul3A_1617 = arith.muli %mul3A_1616, %scan3A_845 : i32
      %add3A_1618 = arith.constant 7 : i32
      %add3A_1619 = arith.addi %add3A_1618, %mul3A_1617 : i32
      %add3A_1620 = arith.constant 11 : i32
      %add3A_1621 = arith.addi %add3A_1619, %add3A_1620 : i32
      %dma_wait3A_1622 = arith.constant 11 : i32
      %dma_wait3A_1623 = arith.constant 11 : i32
      %dma_wait3A_1624 = arith.constant 0 : i32
      %dma_wait3A_1625 = arith.constant 0 : i32
      %dma_wait3A_1626 = tpu.memref_slice %arg6[%dma_wait3A_1622, %dma_wait3A_1624, %dma_wait3A_1625] : memref<14x8x768xf32, #tpu.memory_space<vmem>> -> memref<1x8x768xf32, #tpu.memory_space<vmem>>
      %dma_wait3A_1627 = tpu.memref_squeeze %dma_wait3A_1626 : memref<1x8x768xf32, #tpu.memory_space<vmem>> -> memref<8x768xf32, #tpu.memory_space<vmem>>
      %dma_wait3A_1628 = arith.constant 0 : i32
      %dma_wait3A_1629 = tpu.memref_slice %arg4[%mul3A_2, %dma_wait3A_1628] : memref<78848x768xf32, #tpu.memory_space<hbm>> -> memref<8x768xf32, #tpu.memory_space<hbm>>
      %dma_wait3A_1630 = tpu.memref_slice %arg8[%dma_wait3A_1623] : memref<14x!tpu.dma_semaphore, #tpu.memory_space<semaphore_mem>> -> memref<1x!tpu.dma_semaphore, #tpu.memory_space<semaphore_mem>>
      %dma_wait3A_1631 = tpu.memref_squeeze %dma_wait3A_1630 : memref<1x!tpu.dma_semaphore, #tpu.memory_space<semaphore_mem>> -> memref<!tpu.dma_semaphore, #tpu.memory_space<semaphore_mem>>
      %dma_wait3A_1632 = arith.constant 0 : i32
      %dma_wait3A_1633 = tpu.memref_slice %arg4[%mul3A_2, %dma_wait3A_1632] : memref<78848x768xf32, #tpu.memory_space<hbm>> -> memref<8x768xf32, #tpu.memory_space<hbm>>
      %dma_wait3A_1634 = arith.constant 0 : i32
      %dma_wait3A_1635 = arith.constant 0 : i32
      %dma_wait3A_1636 = tpu.memref_slice %arg6[%dma_wait3A_1622, %dma_wait3A_1634, %dma_wait3A_1635] : memref<14x8x768xf32, #tpu.memory_space<vmem>> -> memref<1x8x768xf32, #tpu.memory_space<vmem>>
      %dma_wait3A_1637 = tpu.memref_squeeze %dma_wait3A_1636 : memref<1x8x768xf32, #tpu.memory_space<vmem>> -> memref<8x768xf32, #tpu.memory_space<vmem>>
      tpu.wait_dma2 semaphore(%dma_wait3A_1631 : memref<!tpu.dma_semaphore, #tpu.memory_space<semaphore_mem>>) src(%dma_wait3A_1637 : memref<8x768xf32, #tpu.memory_space<vmem>>) dst(%dma_wait3A_1633 : memref<8x768xf32, #tpu.memory_space<hbm>>)
      %add3A_1638 = arith.constant 7 : i32
      %add3A_1639 = arith.addi %add3A_1621, %add3A_1638 : i32
      %mul3A_1640 = arith.constant 8 : i32
      %mul3A_1641 = arith.muli %add3A_1639, %mul3A_1640 : i32
      %dma_start3A_1642 = arith.constant 11 : i32
      %dma_start3A_1643 = arith.constant 11 : i32
      %dma_start3A_1644 = arith.constant 0 : i32
      %dma_start3A_1645 = arith.constant 0 : i32
      %dma_start3A_1646 = tpu.memref_slice %arg6[%dma_start3A_1642, %dma_start3A_1644, %dma_start3A_1645] : memref<14x8x768xf32, #tpu.memory_space<vmem>> -> memref<1x8x768xf32, #tpu.memory_space<vmem>>
      %dma_start3A_1647 = tpu.memref_squeeze %dma_start3A_1646 : memref<1x8x768xf32, #tpu.memory_space<vmem>> -> memref<8x768xf32, #tpu.memory_space<vmem>>
      %dma_start3A_1648 = tpu.memref_slice %arg5[%mul3A_1641] : memref<2464xi32, #tpu.memory_space<vmem>> -> memref<8xi32, #tpu.memory_space<vmem>>
      %dma_start3A_1649 = arith.constant 0 : i32
      %dma_start3A_1650 = arith.constant 0 : i32
      %dma_start3A_1651 = tpu.memref_slice %arg3[%dma_start3A_1649, %dma_start3A_1650] : memref<49408x768xf32, #tpu.memory_space<hbm>> -> memref<49408x768xf32, #tpu.memory_space<hbm>>
      %dma_start3A_1652 = tpu.memref_slice %arg7[%dma_start3A_1643] : memref<14x!tpu.dma_semaphore, #tpu.memory_space<semaphore_mem>> -> memref<1x!tpu.dma_semaphore, #tpu.memory_space<semaphore_mem>>
      %dma_start3A_1653 = tpu.memref_squeeze %dma_start3A_1652 : memref<1x!tpu.dma_semaphore, #tpu.memory_space<semaphore_mem>> -> memref<!tpu.dma_semaphore, #tpu.memory_space<semaphore_mem>>
      tpu.enqueue_indirect_dma source(%dma_start3A_1651 : memref<49408x768xf32, #tpu.memory_space<hbm>>) target(%dma_start3A_1647 : memref<8x768xf32, #tpu.memory_space<vmem>>) offsets(%dma_start3A_1648 : memref<8xi32, #tpu.memory_space<vmem>>) semaphore(%dma_start3A_1653 : memref<!tpu.dma_semaphore, #tpu.memory_space<semaphore_mem>>)
      %dma_wait3A_1654 = arith.constant 4 : i32
      %dma_wait3A_1655 = arith.constant 4 : i32
      %dma_wait3A_1656 = arith.constant 0 : i32
      %dma_wait3A_1657 = arith.constant 0 : i32
      %dma_wait3A_1658 = tpu.memref_slice %arg6[%dma_wait3A_1654, %dma_wait3A_1656, %dma_wait3A_1657] : memref<14x8x768xf32, #tpu.memory_space<vmem>> -> memref<1x8x768xf32, #tpu.memory_space<vmem>>
      %dma_wait3A_1659 = tpu.memref_squeeze %dma_wait3A_1658 : memref<1x8x768xf32, #tpu.memory_space<vmem>> -> memref<8x768xf32, #tpu.memory_space<vmem>>
      %dma_wait3A_1660 = arith.constant 0 : i32
      %dma_wait3A_1661 = tpu.memref_slice %arg5[%dma_wait3A_1660] : memref<2464xi32, #tpu.memory_space<vmem>> -> memref<8xi32, #tpu.memory_space<vmem>>
      %dma_wait3A_1662 = arith.constant 0 : i32
      %dma_wait3A_1663 = arith.constant 0 : i32
      %dma_wait3A_1664 = tpu.memref_slice %arg3[%dma_wait3A_1662, %dma_wait3A_1663] : memref<49408x768xf32, #tpu.memory_space<hbm>> -> memref<49408x768xf32, #tpu.memory_space<hbm>>
      %dma_wait3A_1665 = tpu.memref_slice %arg7[%dma_wait3A_1655] : memref<14x!tpu.dma_semaphore, #tpu.memory_space<semaphore_mem>> -> memref<1x!tpu.dma_semaphore, #tpu.memory_space<semaphore_mem>>
      %dma_wait3A_1666 = tpu.memref_squeeze %dma_wait3A_1665 : memref<1x!tpu.dma_semaphore, #tpu.memory_space<semaphore_mem>> -> memref<!tpu.dma_semaphore, #tpu.memory_space<semaphore_mem>>
      tpu.wait_indirect_dma semaphore(%dma_wait3A_1666 : memref<!tpu.dma_semaphore, #tpu.memory_space<semaphore_mem>>) src(%dma_wait3A_1664 : memref<49408x768xf32, #tpu.memory_space<hbm>>) dst(%dma_wait3A_1659 : memref<8x768xf32, #tpu.memory_space<vmem>>)
      %mul3A_1667 = arith.constant 8 : i32
      %mul3A_1668 = arith.muli %add3A_1621, %mul3A_1667 : i32
      %add3A_1669 = arith.addi %mul3A_2, %mul3A_1668 : i32
      %dma_start3A_1670 = arith.constant 4 : i32
      %dma_start3A_1671 = arith.constant 4 : i32
      %dma_start3A_1672 = arith.constant 0 : i32
      %dma_start3A_1673 = arith.constant 0 : i32
      %dma_start3A_1674 = tpu.memref_slice %arg6[%dma_start3A_1670, %dma_start3A_1672, %dma_start3A_1673] : memref<14x8x768xf32, #tpu.memory_space<vmem>> -> memref<1x8x768xf32, #tpu.memory_space<vmem>>
      %dma_start3A_1675 = tpu.memref_squeeze %dma_start3A_1674 : memref<1x8x768xf32, #tpu.memory_space<vmem>> -> memref<8x768xf32, #tpu.memory_space<vmem>>
      %dma_start3A_1676 = arith.constant 0 : i32
      %dma_start3A_1677 = tpu.memref_slice %arg4[%add3A_1669, %dma_start3A_1676] : memref<78848x768xf32, #tpu.memory_space<hbm>> -> memref<8x768xf32, #tpu.memory_space<hbm>>
      %dma_start3A_1678 = tpu.memref_slice %arg8[%dma_start3A_1671] : memref<14x!tpu.dma_semaphore, #tpu.memory_space<semaphore_mem>> -> memref<1x!tpu.dma_semaphore, #tpu.memory_space<semaphore_mem>>
      %dma_start3A_1679 = tpu.memref_squeeze %dma_start3A_1678 : memref<1x!tpu.dma_semaphore, #tpu.memory_space<semaphore_mem>> -> memref<!tpu.dma_semaphore, #tpu.memory_space<semaphore_mem>>
      %dma_start3A_1680 = arith.constant 0 : i32
      %dma_start3A_1681 = tpu.memref_slice %arg4[%add3A_1669, %dma_start3A_1680] : memref<78848x768xf32, #tpu.memory_space<hbm>> -> memref<8x768xf32, #tpu.memory_space<hbm>>
      %dma_start3A_1682 = arith.constant 0 : i32
      %dma_start3A_1683 = arith.constant 0 : i32
      %dma_start3A_1684 = tpu.memref_slice %arg6[%dma_start3A_1670, %dma_start3A_1682, %dma_start3A_1683] : memref<14x8x768xf32, #tpu.memory_space<vmem>> -> memref<1x8x768xf32, #tpu.memory_space<vmem>>
      %dma_start3A_1685 = tpu.memref_squeeze %dma_start3A_1684 : memref<1x8x768xf32, #tpu.memory_space<vmem>> -> memref<8x768xf32, #tpu.memory_space<vmem>>
      tpu.enqueue_dma source(%dma_start3A_1685 : memref<8x768xf32, #tpu.memory_space<vmem>>) target(%dma_start3A_1681 : memref<8x768xf32, #tpu.memory_space<hbm>>) target_semaphore(%dma_start3A_1679 : memref<!tpu.dma_semaphore, #tpu.memory_space<semaphore_mem>>)
      %mul3A_1686 = arith.constant 14 : i32
      %mul3A_1687 = arith.muli %mul3A_1686, %scan3A_845 : i32
      %add3A_1688 = arith.constant 7 : i32
      %add3A_1689 = arith.addi %add3A_1688, %mul3A_1687 : i32
      %add3A_1690 = arith.constant 12 : i32
      %add3A_1691 = arith.addi %add3A_1689, %add3A_1690 : i32
      %dma_wait3A_1692 = arith.constant 12 : i32
      %dma_wait3A_1693 = arith.constant 12 : i32
      %dma_wait3A_1694 = arith.constant 0 : i32
      %dma_wait3A_1695 = arith.constant 0 : i32
      %dma_wait3A_1696 = tpu.memref_slice %arg6[%dma_wait3A_1692, %dma_wait3A_1694, %dma_wait3A_1695] : memref<14x8x768xf32, #tpu.memory_space<vmem>> -> memref<1x8x768xf32, #tpu.memory_space<vmem>>
      %dma_wait3A_1697 = tpu.memref_squeeze %dma_wait3A_1696 : memref<1x8x768xf32, #tpu.memory_space<vmem>> -> memref<8x768xf32, #tpu.memory_space<vmem>>
      %dma_wait3A_1698 = arith.constant 0 : i32
      %dma_wait3A_1699 = tpu.memref_slice %arg4[%mul3A_2, %dma_wait3A_1698] : memref<78848x768xf32, #tpu.memory_space<hbm>> -> memref<8x768xf32, #tpu.memory_space<hbm>>
      %dma_wait3A_1700 = tpu.memref_slice %arg8[%dma_wait3A_1693] : memref<14x!tpu.dma_semaphore, #tpu.memory_space<semaphore_mem>> -> memref<1x!tpu.dma_semaphore, #tpu.memory_space<semaphore_mem>>
      %dma_wait3A_1701 = tpu.memref_squeeze %dma_wait3A_1700 : memref<1x!tpu.dma_semaphore, #tpu.memory_space<semaphore_mem>> -> memref<!tpu.dma_semaphore, #tpu.memory_space<semaphore_mem>>
      %dma_wait3A_1702 = arith.constant 0 : i32
      %dma_wait3A_1703 = tpu.memref_slice %arg4[%mul3A_2, %dma_wait3A_1702] : memref<78848x768xf32, #tpu.memory_space<hbm>> -> memref<8x768xf32, #tpu.memory_space<hbm>>
      %dma_wait3A_1704 = arith.constant 0 : i32
      %dma_wait3A_1705 = arith.constant 0 : i32
      %dma_wait3A_1706 = tpu.memref_slice %arg6[%dma_wait3A_1692, %dma_wait3A_1704, %dma_wait3A_1705] : memref<14x8x768xf32, #tpu.memory_space<vmem>> -> memref<1x8x768xf32, #tpu.memory_space<vmem>>
      %dma_wait3A_1707 = tpu.memref_squeeze %dma_wait3A_1706 : memref<1x8x768xf32, #tpu.memory_space<vmem>> -> memref<8x768xf32, #tpu.memory_space<vmem>>
      tpu.wait_dma2 semaphore(%dma_wait3A_1701 : memref<!tpu.dma_semaphore, #tpu.memory_space<semaphore_mem>>) src(%dma_wait3A_1707 : memref<8x768xf32, #tpu.memory_space<vmem>>) dst(%dma_wait3A_1703 : memref<8x768xf32, #tpu.memory_space<hbm>>)
      %add3A_1708 = arith.constant 7 : i32
      %add3A_1709 = arith.addi %add3A_1691, %add3A_1708 : i32
      %mul3A_1710 = arith.constant 8 : i32
      %mul3A_1711 = arith.muli %add3A_1709, %mul3A_1710 : i32
      %dma_start3A_1712 = arith.constant 12 : i32
      %dma_start3A_1713 = arith.constant 12 : i32
      %dma_start3A_1714 = arith.constant 0 : i32
      %dma_start3A_1715 = arith.constant 0 : i32
      %dma_start3A_1716 = tpu.memref_slice %arg6[%dma_start3A_1712, %dma_start3A_1714, %dma_start3A_1715] : memref<14x8x768xf32, #tpu.memory_space<vmem>> -> memref<1x8x768xf32, #tpu.memory_space<vmem>>
      %dma_start3A_1717 = tpu.memref_squeeze %dma_start3A_1716 : memref<1x8x768xf32, #tpu.memory_space<vmem>> -> memref<8x768xf32, #tpu.memory_space<vmem>>
      %dma_start3A_1718 = tpu.memref_slice %arg5[%mul3A_1711] : memref<2464xi32, #tpu.memory_space<vmem>> -> memref<8xi32, #tpu.memory_space<vmem>>
      %dma_start3A_1719 = arith.constant 0 : i32
      %dma_start3A_1720 = arith.constant 0 : i32
      %dma_start3A_1721 = tpu.memref_slice %arg3[%dma_start3A_1719, %dma_start3A_1720] : memref<49408x768xf32, #tpu.memory_space<hbm>> -> memref<49408x768xf32, #tpu.memory_space<hbm>>
      %dma_start3A_1722 = tpu.memref_slice %arg7[%dma_start3A_1713] : memref<14x!tpu.dma_semaphore, #tpu.memory_space<semaphore_mem>> -> memref<1x!tpu.dma_semaphore, #tpu.memory_space<semaphore_mem>>
      %dma_start3A_1723 = tpu.memref_squeeze %dma_start3A_1722 : memref<1x!tpu.dma_semaphore, #tpu.memory_space<semaphore_mem>> -> memref<!tpu.dma_semaphore, #tpu.memory_space<semaphore_mem>>
      tpu.enqueue_indirect_dma source(%dma_start3A_1721 : memref<49408x768xf32, #tpu.memory_space<hbm>>) target(%dma_start3A_1717 : memref<8x768xf32, #tpu.memory_space<vmem>>) offsets(%dma_start3A_1718 : memref<8xi32, #tpu.memory_space<vmem>>) semaphore(%dma_start3A_1723 : memref<!tpu.dma_semaphore, #tpu.memory_space<semaphore_mem>>)
      %dma_wait3A_1724 = arith.constant 5 : i32
      %dma_wait3A_1725 = arith.constant 5 : i32
      %dma_wait3A_1726 = arith.constant 0 : i32
      %dma_wait3A_1727 = arith.constant 0 : i32
      %dma_wait3A_1728 = tpu.memref_slice %arg6[%dma_wait3A_1724, %dma_wait3A_1726, %dma_wait3A_1727] : memref<14x8x768xf32, #tpu.memory_space<vmem>> -> memref<1x8x768xf32, #tpu.memory_space<vmem>>
      %dma_wait3A_1729 = tpu.memref_squeeze %dma_wait3A_1728 : memref<1x8x768xf32, #tpu.memory_space<vmem>> -> memref<8x768xf32, #tpu.memory_space<vmem>>
      %dma_wait3A_1730 = arith.constant 0 : i32
      %dma_wait3A_1731 = tpu.memref_slice %arg5[%dma_wait3A_1730] : memref<2464xi32, #tpu.memory_space<vmem>> -> memref<8xi32, #tpu.memory_space<vmem>>
      %dma_wait3A_1732 = arith.constant 0 : i32
      %dma_wait3A_1733 = arith.constant 0 : i32
      %dma_wait3A_1734 = tpu.memref_slice %arg3[%dma_wait3A_1732, %dma_wait3A_1733] : memref<49408x768xf32, #tpu.memory_space<hbm>> -> memref<49408x768xf32, #tpu.memory_space<hbm>>
      %dma_wait3A_1735 = tpu.memref_slice %arg7[%dma_wait3A_1725] : memref<14x!tpu.dma_semaphore, #tpu.memory_space<semaphore_mem>> -> memref<1x!tpu.dma_semaphore, #tpu.memory_space<semaphore_mem>>
      %dma_wait3A_1736 = tpu.memref_squeeze %dma_wait3A_1735 : memref<1x!tpu.dma_semaphore, #tpu.memory_space<semaphore_mem>> -> memref<!tpu.dma_semaphore, #tpu.memory_space<semaphore_mem>>
      tpu.wait_indirect_dma semaphore(%dma_wait3A_1736 : memref<!tpu.dma_semaphore, #tpu.memory_space<semaphore_mem>>) src(%dma_wait3A_1734 : memref<49408x768xf32, #tpu.memory_space<hbm>>) dst(%dma_wait3A_1729 : memref<8x768xf32, #tpu.memory_space<vmem>>)
      %mul3A_1737 = arith.constant 8 : i32
      %mul3A_1738 = arith.muli %add3A_1691, %mul3A_1737 : i32
      %add3A_1739 = arith.addi %mul3A_2, %mul3A_1738 : i32
      %dma_start3A_1740 = arith.constant 5 : i32
      %dma_start3A_1741 = arith.constant 5 : i32
      %dma_start3A_1742 = arith.constant 0 : i32
      %dma_start3A_1743 = arith.constant 0 : i32
      %dma_start3A_1744 = tpu.memref_slice %arg6[%dma_start3A_1740, %dma_start3A_1742, %dma_start3A_1743] : memref<14x8x768xf32, #tpu.memory_space<vmem>> -> memref<1x8x768xf32, #tpu.memory_space<vmem>>
      %dma_start3A_1745 = tpu.memref_squeeze %dma_start3A_1744 : memref<1x8x768xf32, #tpu.memory_space<vmem>> -> memref<8x768xf32, #tpu.memory_space<vmem>>
      %dma_start3A_1746 = arith.constant 0 : i32
      %dma_start3A_1747 = tpu.memref_slice %arg4[%add3A_1739, %dma_start3A_1746] : memref<78848x768xf32, #tpu.memory_space<hbm>> -> memref<8x768xf32, #tpu.memory_space<hbm>>
      %dma_start3A_1748 = tpu.memref_slice %arg8[%dma_start3A_1741] : memref<14x!tpu.dma_semaphore, #tpu.memory_space<semaphore_mem>> -> memref<1x!tpu.dma_semaphore, #tpu.memory_space<semaphore_mem>>
      %dma_start3A_1749 = tpu.memref_squeeze %dma_start3A_1748 : memref<1x!tpu.dma_semaphore, #tpu.memory_space<semaphore_mem>> -> memref<!tpu.dma_semaphore, #tpu.memory_space<semaphore_mem>>
      %dma_start3A_1750 = arith.constant 0 : i32
      %dma_start3A_1751 = tpu.memref_slice %arg4[%add3A_1739, %dma_start3A_1750] : memref<78848x768xf32, #tpu.memory_space<hbm>> -> memref<8x768xf32, #tpu.memory_space<hbm>>
      %dma_start3A_1752 = arith.constant 0 : i32
      %dma_start3A_1753 = arith.constant 0 : i32
      %dma_start3A_1754 = tpu.memref_slice %arg6[%dma_start3A_1740, %dma_start3A_1752, %dma_start3A_1753] : memref<14x8x768xf32, #tpu.memory_space<vmem>> -> memref<1x8x768xf32, #tpu.memory_space<vmem>>
      %dma_start3A_1755 = tpu.memref_squeeze %dma_start3A_1754 : memref<1x8x768xf32, #tpu.memory_space<vmem>> -> memref<8x768xf32, #tpu.memory_space<vmem>>
      tpu.enqueue_dma source(%dma_start3A_1755 : memref<8x768xf32, #tpu.memory_space<vmem>>) target(%dma_start3A_1751 : memref<8x768xf32, #tpu.memory_space<hbm>>) target_semaphore(%dma_start3A_1749 : memref<!tpu.dma_semaphore, #tpu.memory_space<semaphore_mem>>)
      %mul3A_1756 = arith.constant 14 : i32
      %mul3A_1757 = arith.muli %mul3A_1756, %scan3A_845 : i32
      %add3A_1758 = arith.constant 7 : i32
      %add3A_1759 = arith.addi %add3A_1758, %mul3A_1757 : i32
      %add3A_1760 = arith.constant 13 : i32
      %add3A_1761 = arith.addi %add3A_1759, %add3A_1760 : i32
      %dma_wait3A_1762 = arith.constant 13 : i32
      %dma_wait3A_1763 = arith.constant 13 : i32
      %dma_wait3A_1764 = arith.constant 0 : i32
      %dma_wait3A_1765 = arith.constant 0 : i32
      %dma_wait3A_1766 = tpu.memref_slice %arg6[%dma_wait3A_1762, %dma_wait3A_1764, %dma_wait3A_1765] : memref<14x8x768xf32, #tpu.memory_space<vmem>> -> memref<1x8x768xf32, #tpu.memory_space<vmem>>
      %dma_wait3A_1767 = tpu.memref_squeeze %dma_wait3A_1766 : memref<1x8x768xf32, #tpu.memory_space<vmem>> -> memref<8x768xf32, #tpu.memory_space<vmem>>
      %dma_wait3A_1768 = arith.constant 0 : i32
      %dma_wait3A_1769 = tpu.memref_slice %arg4[%mul3A_2, %dma_wait3A_1768] : memref<78848x768xf32, #tpu.memory_space<hbm>> -> memref<8x768xf32, #tpu.memory_space<hbm>>
      %dma_wait3A_1770 = tpu.memref_slice %arg8[%dma_wait3A_1763] : memref<14x!tpu.dma_semaphore, #tpu.memory_space<semaphore_mem>> -> memref<1x!tpu.dma_semaphore, #tpu.memory_space<semaphore_mem>>
      %dma_wait3A_1771 = tpu.memref_squeeze %dma_wait3A_1770 : memref<1x!tpu.dma_semaphore, #tpu.memory_space<semaphore_mem>> -> memref<!tpu.dma_semaphore, #tpu.memory_space<semaphore_mem>>
      %dma_wait3A_1772 = arith.constant 0 : i32
      %dma_wait3A_1773 = tpu.memref_slice %arg4[%mul3A_2, %dma_wait3A_1772] : memref<78848x768xf32, #tpu.memory_space<hbm>> -> memref<8x768xf32, #tpu.memory_space<hbm>>
      %dma_wait3A_1774 = arith.constant 0 : i32
      %dma_wait3A_1775 = arith.constant 0 : i32
      %dma_wait3A_1776 = tpu.memref_slice %arg6[%dma_wait3A_1762, %dma_wait3A_1774, %dma_wait3A_1775] : memref<14x8x768xf32, #tpu.memory_space<vmem>> -> memref<1x8x768xf32, #tpu.memory_space<vmem>>
      %dma_wait3A_1777 = tpu.memref_squeeze %dma_wait3A_1776 : memref<1x8x768xf32, #tpu.memory_space<vmem>> -> memref<8x768xf32, #tpu.memory_space<vmem>>
      tpu.wait_dma2 semaphore(%dma_wait3A_1771 : memref<!tpu.dma_semaphore, #tpu.memory_space<semaphore_mem>>) src(%dma_wait3A_1777 : memref<8x768xf32, #tpu.memory_space<vmem>>) dst(%dma_wait3A_1773 : memref<8x768xf32, #tpu.memory_space<hbm>>)
      %add3A_1778 = arith.constant 7 : i32
      %add3A_1779 = arith.addi %add3A_1761, %add3A_1778 : i32
      %mul3A_1780 = arith.constant 8 : i32
      %mul3A_1781 = arith.muli %add3A_1779, %mul3A_1780 : i32
      %dma_start3A_1782 = arith.constant 13 : i32
      %dma_start3A_1783 = arith.constant 13 : i32
      %dma_start3A_1784 = arith.constant 0 : i32
      %dma_start3A_1785 = arith.constant 0 : i32
      %dma_start3A_1786 = tpu.memref_slice %arg6[%dma_start3A_1782, %dma_start3A_1784, %dma_start3A_1785] : memref<14x8x768xf32, #tpu.memory_space<vmem>> -> memref<1x8x768xf32, #tpu.memory_space<vmem>>
      %dma_start3A_1787 = tpu.memref_squeeze %dma_start3A_1786 : memref<1x8x768xf32, #tpu.memory_space<vmem>> -> memref<8x768xf32, #tpu.memory_space<vmem>>
      %dma_start3A_1788 = tpu.memref_slice %arg5[%mul3A_1781] : memref<2464xi32, #tpu.memory_space<vmem>> -> memref<8xi32, #tpu.memory_space<vmem>>
      %dma_start3A_1789 = arith.constant 0 : i32
      %dma_start3A_1790 = arith.constant 0 : i32
      %dma_start3A_1791 = tpu.memref_slice %arg3[%dma_start3A_1789, %dma_start3A_1790] : memref<49408x768xf32, #tpu.memory_space<hbm>> -> memref<49408x768xf32, #tpu.memory_space<hbm>>
      %dma_start3A_1792 = tpu.memref_slice %arg7[%dma_start3A_1783] : memref<14x!tpu.dma_semaphore, #tpu.memory_space<semaphore_mem>> -> memref<1x!tpu.dma_semaphore, #tpu.memory_space<semaphore_mem>>
      %dma_start3A_1793 = tpu.memref_squeeze %dma_start3A_1792 : memref<1x!tpu.dma_semaphore, #tpu.memory_space<semaphore_mem>> -> memref<!tpu.dma_semaphore, #tpu.memory_space<semaphore_mem>>
      tpu.enqueue_indirect_dma source(%dma_start3A_1791 : memref<49408x768xf32, #tpu.memory_space<hbm>>) target(%dma_start3A_1787 : memref<8x768xf32, #tpu.memory_space<vmem>>) offsets(%dma_start3A_1788 : memref<8xi32, #tpu.memory_space<vmem>>) semaphore(%dma_start3A_1793 : memref<!tpu.dma_semaphore, #tpu.memory_space<semaphore_mem>>)
      %dma_wait3A_1794 = arith.constant 6 : i32
      %dma_wait3A_1795 = arith.constant 6 : i32
      %dma_wait3A_1796 = arith.constant 0 : i32
      %dma_wait3A_1797 = arith.constant 0 : i32
      %dma_wait3A_1798 = tpu.memref_slice %arg6[%dma_wait3A_1794, %dma_wait3A_1796, %dma_wait3A_1797] : memref<14x8x768xf32, #tpu.memory_space<vmem>> -> memref<1x8x768xf32, #tpu.memory_space<vmem>>
      %dma_wait3A_1799 = tpu.memref_squeeze %dma_wait3A_1798 : memref<1x8x768xf32, #tpu.memory_space<vmem>> -> memref<8x768xf32, #tpu.memory_space<vmem>>
      %dma_wait3A_1800 = arith.constant 0 : i32
      %dma_wait3A_1801 = tpu.memref_slice %arg5[%dma_wait3A_1800] : memref<2464xi32, #tpu.memory_space<vmem>> -> memref<8xi32, #tpu.memory_space<vmem>>
      %dma_wait3A_1802 = arith.constant 0 : i32
      %dma_wait3A_1803 = arith.constant 0 : i32
      %dma_wait3A_1804 = tpu.memref_slice %arg3[%dma_wait3A_1802, %dma_wait3A_1803] : memref<49408x768xf32, #tpu.memory_space<hbm>> -> memref<49408x768xf32, #tpu.memory_space<hbm>>
      %dma_wait3A_1805 = tpu.memref_slice %arg7[%dma_wait3A_1795] : memref<14x!tpu.dma_semaphore, #tpu.memory_space<semaphore_mem>> -> memref<1x!tpu.dma_semaphore, #tpu.memory_space<semaphore_mem>>
      %dma_wait3A_1806 = tpu.memref_squeeze %dma_wait3A_1805 : memref<1x!tpu.dma_semaphore, #tpu.memory_space<semaphore_mem>> -> memref<!tpu.dma_semaphore, #tpu.memory_space<semaphore_mem>>
      tpu.wait_indirect_dma semaphore(%dma_wait3A_1806 : memref<!tpu.dma_semaphore, #tpu.memory_space<semaphore_mem>>) src(%dma_wait3A_1804 : memref<49408x768xf32, #tpu.memory_space<hbm>>) dst(%dma_wait3A_1799 : memref<8x768xf32, #tpu.memory_space<vmem>>)
      %mul3A_1807 = arith.constant 8 : i32
      %mul3A_1808 = arith.muli %add3A_1761, %mul3A_1807 : i32
      %add3A_1809 = arith.addi %mul3A_2, %mul3A_1808 : i32
      %dma_start3A_1810 = arith.constant 6 : i32
      %dma_start3A_1811 = arith.constant 6 : i32
      %dma_start3A_1812 = arith.constant 0 : i32
      %dma_start3A_1813 = arith.constant 0 : i32
      %dma_start3A_1814 = tpu.memref_slice %arg6[%dma_start3A_1810, %dma_start3A_1812, %dma_start3A_1813] : memref<14x8x768xf32, #tpu.memory_space<vmem>> -> memref<1x8x768xf32, #tpu.memory_space<vmem>>
      %dma_start3A_1815 = tpu.memref_squeeze %dma_start3A_1814 : memref<1x8x768xf32, #tpu.memory_space<vmem>> -> memref<8x768xf32, #tpu.memory_space<vmem>>
      %dma_start3A_1816 = arith.constant 0 : i32
      %dma_start3A_1817 = tpu.memref_slice %arg4[%add3A_1809, %dma_start3A_1816] : memref<78848x768xf32, #tpu.memory_space<hbm>> -> memref<8x768xf32, #tpu.memory_space<hbm>>
      %dma_start3A_1818 = tpu.memref_slice %arg8[%dma_start3A_1811] : memref<14x!tpu.dma_semaphore, #tpu.memory_space<semaphore_mem>> -> memref<1x!tpu.dma_semaphore, #tpu.memory_space<semaphore_mem>>
      %dma_start3A_1819 = tpu.memref_squeeze %dma_start3A_1818 : memref<1x!tpu.dma_semaphore, #tpu.memory_space<semaphore_mem>> -> memref<!tpu.dma_semaphore, #tpu.memory_space<semaphore_mem>>
      %dma_start3A_1820 = arith.constant 0 : i32
      %dma_start3A_1821 = tpu.memref_slice %arg4[%add3A_1809, %dma_start3A_1820] : memref<78848x768xf32, #tpu.memory_space<hbm>> -> memref<8x768xf32, #tpu.memory_space<hbm>>
      %dma_start3A_1822 = arith.constant 0 : i32
      %dma_start3A_1823 = arith.constant 0 : i32
      %dma_start3A_1824 = tpu.memref_slice %arg6[%dma_start3A_1810, %dma_start3A_1822, %dma_start3A_1823] : memref<14x8x768xf32, #tpu.memory_space<vmem>> -> memref<1x8x768xf32, #tpu.memory_space<vmem>>
      %dma_start3A_1825 = tpu.memref_squeeze %dma_start3A_1824 : memref<1x8x768xf32, #tpu.memory_space<vmem>> -> memref<8x768xf32, #tpu.memory_space<vmem>>
      tpu.enqueue_dma source(%dma_start3A_1825 : memref<8x768xf32, #tpu.memory_space<vmem>>) target(%dma_start3A_1821 : memref<8x768xf32, #tpu.memory_space<hbm>>) target_semaphore(%dma_start3A_1819 : memref<!tpu.dma_semaphore, #tpu.memory_space<semaphore_mem>>)
    }
    %scan3A_403 = arith.constant 21 : i32
    %dma_wait3A_404 = arith.constant 7 : i32
    %dma_wait3A_405 = arith.constant 7 : i32
    %dma_wait3A_406 = arith.constant 0 : i32
    %dma_wait3A_407 = arith.constant 0 : i32
    %dma_wait3A_408 = tpu.memref_slice %arg6[%dma_wait3A_404, %dma_wait3A_406, %dma_wait3A_407] : memref<14x8x768xf32, #tpu.memory_space<vmem>> -> memref<1x8x768xf32, #tpu.memory_space<vmem>>
    %dma_wait3A_409 = tpu.memref_squeeze %dma_wait3A_408 : memref<1x8x768xf32, #tpu.memory_space<vmem>> -> memref<8x768xf32, #tpu.memory_space<vmem>>
    %dma_wait3A_410 = arith.constant 0 : i32
    %dma_wait3A_411 = tpu.memref_slice %arg5[%dma_wait3A_410] : memref<2464xi32, #tpu.memory_space<vmem>> -> memref<8xi32, #tpu.memory_space<vmem>>
    %dma_wait3A_412 = arith.constant 0 : i32
    %dma_wait3A_413 = arith.constant 0 : i32
    %dma_wait3A_414 = tpu.memref_slice %arg3[%dma_wait3A_412, %dma_wait3A_413] : memref<49408x768xf32, #tpu.memory_space<hbm>> -> memref<49408x768xf32, #tpu.memory_space<hbm>>
    %dma_wait3A_415 = tpu.memref_slice %arg7[%dma_wait3A_405] : memref<14x!tpu.dma_semaphore, #tpu.memory_space<semaphore_mem>> -> memref<1x!tpu.dma_semaphore, #tpu.memory_space<semaphore_mem>>
    %dma_wait3A_416 = tpu.memref_squeeze %dma_wait3A_415 : memref<1x!tpu.dma_semaphore, #tpu.memory_space<semaphore_mem>> -> memref<!tpu.dma_semaphore, #tpu.memory_space<semaphore_mem>>
    tpu.wait_indirect_dma semaphore(%dma_wait3A_416 : memref<!tpu.dma_semaphore, #tpu.memory_space<semaphore_mem>>) src(%dma_wait3A_414 : memref<49408x768xf32, #tpu.memory_space<hbm>>) dst(%dma_wait3A_409 : memref<8x768xf32, #tpu.memory_space<vmem>>)
    %add3A_417 = arith.constant 2408 : i32
    %add3A_418 = arith.addi %mul3A_2, %add3A_417 : i32
    %dma_start3A_419 = arith.constant 7 : i32
    %dma_start3A_420 = arith.constant 7 : i32
    %dma_start3A_421 = arith.constant 0 : i32
    %dma_start3A_422 = arith.constant 0 : i32
    %dma_start3A_423 = tpu.memref_slice %arg6[%dma_start3A_419, %dma_start3A_421, %dma_start3A_422] : memref<14x8x768xf32, #tpu.memory_space<vmem>> -> memref<1x8x768xf32, #tpu.memory_space<vmem>>
    %dma_start3A_424 = tpu.memref_squeeze %dma_start3A_423 : memref<1x8x768xf32, #tpu.memory_space<vmem>> -> memref<8x768xf32, #tpu.memory_space<vmem>>
    %dma_start3A_425 = arith.constant 0 : i32
    %dma_start3A_426 = tpu.memref_slice %arg4[%add3A_418, %dma_start3A_425] : memref<78848x768xf32, #tpu.memory_space<hbm>> -> memref<8x768xf32, #tpu.memory_space<hbm>>
    %dma_start3A_427 = tpu.memref_slice %arg8[%dma_start3A_420] : memref<14x!tpu.dma_semaphore, #tpu.memory_space<semaphore_mem>> -> memref<1x!tpu.dma_semaphore, #tpu.memory_space<semaphore_mem>>
    %dma_start3A_428 = tpu.memref_squeeze %dma_start3A_427 : memref<1x!tpu.dma_semaphore, #tpu.memory_space<semaphore_mem>> -> memref<!tpu.dma_semaphore, #tpu.memory_space<semaphore_mem>>
    %dma_start3A_429 = arith.constant 0 : i32
    %dma_start3A_430 = tpu.memref_slice %arg4[%add3A_418, %dma_start3A_429] : memref<78848x768xf32, #tpu.memory_space<hbm>> -> memref<8x768xf32, #tpu.memory_space<hbm>>
    %dma_start3A_431 = arith.constant 0 : i32
    %dma_start3A_432 = arith.constant 0 : i32
    %dma_start3A_433 = tpu.memref_slice %arg6[%dma_start3A_419, %dma_start3A_431, %dma_start3A_432] : memref<14x8x768xf32, #tpu.memory_space<vmem>> -> memref<1x8x768xf32, #tpu.memory_space<vmem>>
    %dma_start3A_434 = tpu.memref_squeeze %dma_start3A_433 : memref<1x8x768xf32, #tpu.memory_space<vmem>> -> memref<8x768xf32, #tpu.memory_space<vmem>>
    tpu.enqueue_dma source(%dma_start3A_434 : memref<8x768xf32, #tpu.memory_space<vmem>>) target(%dma_start3A_430 : memref<8x768xf32, #tpu.memory_space<hbm>>) target_semaphore(%dma_start3A_428 : memref<!tpu.dma_semaphore, #tpu.memory_space<semaphore_mem>>)
    %dma_wait3A_435 = arith.constant 8 : i32
    %dma_wait3A_436 = arith.constant 8 : i32
    %dma_wait3A_437 = arith.constant 0 : i32
    %dma_wait3A_438 = arith.constant 0 : i32
    %dma_wait3A_439 = tpu.memref_slice %arg6[%dma_wait3A_435, %dma_wait3A_437, %dma_wait3A_438] : memref<14x8x768xf32, #tpu.memory_space<vmem>> -> memref<1x8x768xf32, #tpu.memory_space<vmem>>
    %dma_wait3A_440 = tpu.memref_squeeze %dma_wait3A_439 : memref<1x8x768xf32, #tpu.memory_space<vmem>> -> memref<8x768xf32, #tpu.memory_space<vmem>>
    %dma_wait3A_441 = arith.constant 0 : i32
    %dma_wait3A_442 = tpu.memref_slice %arg5[%dma_wait3A_441] : memref<2464xi32, #tpu.memory_space<vmem>> -> memref<8xi32, #tpu.memory_space<vmem>>
    %dma_wait3A_443 = arith.constant 0 : i32
    %dma_wait3A_444 = arith.constant 0 : i32
    %dma_wait3A_445 = tpu.memref_slice %arg3[%dma_wait3A_443, %dma_wait3A_444] : memref<49408x768xf32, #tpu.memory_space<hbm>> -> memref<49408x768xf32, #tpu.memory_space<hbm>>
    %dma_wait3A_446 = tpu.memref_slice %arg7[%dma_wait3A_436] : memref<14x!tpu.dma_semaphore, #tpu.memory_space<semaphore_mem>> -> memref<1x!tpu.dma_semaphore, #tpu.memory_space<semaphore_mem>>
    %dma_wait3A_447 = tpu.memref_squeeze %dma_wait3A_446 : memref<1x!tpu.dma_semaphore, #tpu.memory_space<semaphore_mem>> -> memref<!tpu.dma_semaphore, #tpu.memory_space<semaphore_mem>>
    tpu.wait_indirect_dma semaphore(%dma_wait3A_447 : memref<!tpu.dma_semaphore, #tpu.memory_space<semaphore_mem>>) src(%dma_wait3A_445 : memref<49408x768xf32, #tpu.memory_space<hbm>>) dst(%dma_wait3A_440 : memref<8x768xf32, #tpu.memory_space<vmem>>)
    %add3A_448 = arith.constant 2416 : i32
    %add3A_449 = arith.addi %mul3A_2, %add3A_448 : i32
    %dma_start3A_450 = arith.constant 8 : i32
    %dma_start3A_451 = arith.constant 8 : i32
    %dma_start3A_452 = arith.constant 0 : i32
    %dma_start3A_453 = arith.constant 0 : i32
    %dma_start3A_454 = tpu.memref_slice %arg6[%dma_start3A_450, %dma_start3A_452, %dma_start3A_453] : memref<14x8x768xf32, #tpu.memory_space<vmem>> -> memref<1x8x768xf32, #tpu.memory_space<vmem>>
    %dma_start3A_455 = tpu.memref_squeeze %dma_start3A_454 : memref<1x8x768xf32, #tpu.memory_space<vmem>> -> memref<8x768xf32, #tpu.memory_space<vmem>>
    %dma_start3A_456 = arith.constant 0 : i32
    %dma_start3A_457 = tpu.memref_slice %arg4[%add3A_449, %dma_start3A_456] : memref<78848x768xf32, #tpu.memory_space<hbm>> -> memref<8x768xf32, #tpu.memory_space<hbm>>
    %dma_start3A_458 = tpu.memref_slice %arg8[%dma_start3A_451] : memref<14x!tpu.dma_semaphore, #tpu.memory_space<semaphore_mem>> -> memref<1x!tpu.dma_semaphore, #tpu.memory_space<semaphore_mem>>
    %dma_start3A_459 = tpu.memref_squeeze %dma_start3A_458 : memref<1x!tpu.dma_semaphore, #tpu.memory_space<semaphore_mem>> -> memref<!tpu.dma_semaphore, #tpu.memory_space<semaphore_mem>>
    %dma_start3A_460 = arith.constant 0 : i32
    %dma_start3A_461 = tpu.memref_slice %arg4[%add3A_449, %dma_start3A_460] : memref<78848x768xf32, #tpu.memory_space<hbm>> -> memref<8x768xf32, #tpu.memory_space<hbm>>
    %dma_start3A_462 = arith.constant 0 : i32
    %dma_start3A_463 = arith.constant 0 : i32
    %dma_start3A_464 = tpu.memref_slice %arg6[%dma_start3A_450, %dma_start3A_462, %dma_start3A_463] : memref<14x8x768xf32, #tpu.memory_space<vmem>> -> memref<1x8x768xf32, #tpu.memory_space<vmem>>
    %dma_start3A_465 = tpu.memref_squeeze %dma_start3A_464 : memref<1x8x768xf32, #tpu.memory_space<vmem>> -> memref<8x768xf32, #tpu.memory_space<vmem>>
    tpu.enqueue_dma source(%dma_start3A_465 : memref<8x768xf32, #tpu.memory_space<vmem>>) target(%dma_start3A_461 : memref<8x768xf32, #tpu.memory_space<hbm>>) target_semaphore(%dma_start3A_459 : memref<!tpu.dma_semaphore, #tpu.memory_space<semaphore_mem>>)
    %dma_wait3A_466 = arith.constant 9 : i32
    %dma_wait3A_467 = arith.constant 9 : i32
    %dma_wait3A_468 = arith.constant 0 : i32
    %dma_wait3A_469 = arith.constant 0 : i32
    %dma_wait3A_470 = tpu.memref_slice %arg6[%dma_wait3A_466, %dma_wait3A_468, %dma_wait3A_469] : memref<14x8x768xf32, #tpu.memory_space<vmem>> -> memref<1x8x768xf32, #tpu.memory_space<vmem>>
    %dma_wait3A_471 = tpu.memref_squeeze %dma_wait3A_470 : memref<1x8x768xf32, #tpu.memory_space<vmem>> -> memref<8x768xf32, #tpu.memory_space<vmem>>
    %dma_wait3A_472 = arith.constant 0 : i32
    %dma_wait3A_473 = tpu.memref_slice %arg5[%dma_wait3A_472] : memref<2464xi32, #tpu.memory_space<vmem>> -> memref<8xi32, #tpu.memory_space<vmem>>
    %dma_wait3A_474 = arith.constant 0 : i32
    %dma_wait3A_475 = arith.constant 0 : i32
    %dma_wait3A_476 = tpu.memref_slice %arg3[%dma_wait3A_474, %dma_wait3A_475] : memref<49408x768xf32, #tpu.memory_space<hbm>> -> memref<49408x768xf32, #tpu.memory_space<hbm>>
    %dma_wait3A_477 = tpu.memref_slice %arg7[%dma_wait3A_467] : memref<14x!tpu.dma_semaphore, #tpu.memory_space<semaphore_mem>> -> memref<1x!tpu.dma_semaphore, #tpu.memory_space<semaphore_mem>>
    %dma_wait3A_478 = tpu.memref_squeeze %dma_wait3A_477 : memref<1x!tpu.dma_semaphore, #tpu.memory_space<semaphore_mem>> -> memref<!tpu.dma_semaphore, #tpu.memory_space<semaphore_mem>>
    tpu.wait_indirect_dma semaphore(%dma_wait3A_478 : memref<!tpu.dma_semaphore, #tpu.memory_space<semaphore_mem>>) src(%dma_wait3A_476 : memref<49408x768xf32, #tpu.memory_space<hbm>>) dst(%dma_wait3A_471 : memref<8x768xf32, #tpu.memory_space<vmem>>)
    %add3A_479 = arith.constant 2424 : i32
    %add3A_480 = arith.addi %mul3A_2, %add3A_479 : i32
    %dma_start3A_481 = arith.constant 9 : i32
    %dma_start3A_482 = arith.constant 9 : i32
    %dma_start3A_483 = arith.constant 0 : i32
    %dma_start3A_484 = arith.constant 0 : i32
    %dma_start3A_485 = tpu.memref_slice %arg6[%dma_start3A_481, %dma_start3A_483, %dma_start3A_484] : memref<14x8x768xf32, #tpu.memory_space<vmem>> -> memref<1x8x768xf32, #tpu.memory_space<vmem>>
    %dma_start3A_486 = tpu.memref_squeeze %dma_start3A_485 : memref<1x8x768xf32, #tpu.memory_space<vmem>> -> memref<8x768xf32, #tpu.memory_space<vmem>>
    %dma_start3A_487 = arith.constant 0 : i32
    %dma_start3A_488 = tpu.memref_slice %arg4[%add3A_480, %dma_start3A_487] : memref<78848x768xf32, #tpu.memory_space<hbm>> -> memref<8x768xf32, #tpu.memory_space<hbm>>
    %dma_start3A_489 = tpu.memref_slice %arg8[%dma_start3A_482] : memref<14x!tpu.dma_semaphore, #tpu.memory_space<semaphore_mem>> -> memref<1x!tpu.dma_semaphore, #tpu.memory_space<semaphore_mem>>
    %dma_start3A_490 = tpu.memref_squeeze %dma_start3A_489 : memref<1x!tpu.dma_semaphore, #tpu.memory_space<semaphore_mem>> -> memref<!tpu.dma_semaphore, #tpu.memory_space<semaphore_mem>>
    %dma_start3A_491 = arith.constant 0 : i32
    %dma_start3A_492 = tpu.memref_slice %arg4[%add3A_480, %dma_start3A_491] : memref<78848x768xf32, #tpu.memory_space<hbm>> -> memref<8x768xf32, #tpu.memory_space<hbm>>
    %dma_start3A_493 = arith.constant 0 : i32
    %dma_start3A_494 = arith.constant 0 : i32
    %dma_start3A_495 = tpu.memref_slice %arg6[%dma_start3A_481, %dma_start3A_493, %dma_start3A_494] : memref<14x8x768xf32, #tpu.memory_space<vmem>> -> memref<1x8x768xf32, #tpu.memory_space<vmem>>
    %dma_start3A_496 = tpu.memref_squeeze %dma_start3A_495 : memref<1x8x768xf32, #tpu.memory_space<vmem>> -> memref<8x768xf32, #tpu.memory_space<vmem>>
    tpu.enqueue_dma source(%dma_start3A_496 : memref<8x768xf32, #tpu.memory_space<vmem>>) target(%dma_start3A_492 : memref<8x768xf32, #tpu.memory_space<hbm>>) target_semaphore(%dma_start3A_490 : memref<!tpu.dma_semaphore, #tpu.memory_space<semaphore_mem>>)
    %dma_wait3A_497 = arith.constant 10 : i32
    %dma_wait3A_498 = arith.constant 10 : i32
    %dma_wait3A_499 = arith.constant 0 : i32
    %dma_wait3A_500 = arith.constant 0 : i32
    %dma_wait3A_501 = tpu.memref_slice %arg6[%dma_wait3A_497, %dma_wait3A_499, %dma_wait3A_500] : memref<14x8x768xf32, #tpu.memory_space<vmem>> -> memref<1x8x768xf32, #tpu.memory_space<vmem>>
    %dma_wait3A_502 = tpu.memref_squeeze %dma_wait3A_501 : memref<1x8x768xf32, #tpu.memory_space<vmem>> -> memref<8x768xf32, #tpu.memory_space<vmem>>
    %dma_wait3A_503 = arith.constant 0 : i32
    %dma_wait3A_504 = tpu.memref_slice %arg5[%dma_wait3A_503] : memref<2464xi32, #tpu.memory_space<vmem>> -> memref<8xi32, #tpu.memory_space<vmem>>
    %dma_wait3A_505 = arith.constant 0 : i32
    %dma_wait3A_506 = arith.constant 0 : i32
    %dma_wait3A_507 = tpu.memref_slice %arg3[%dma_wait3A_505, %dma_wait3A_506] : memref<49408x768xf32, #tpu.memory_space<hbm>> -> memref<49408x768xf32, #tpu.memory_space<hbm>>
    %dma_wait3A_508 = tpu.memref_slice %arg7[%dma_wait3A_498] : memref<14x!tpu.dma_semaphore, #tpu.memory_space<semaphore_mem>> -> memref<1x!tpu.dma_semaphore, #tpu.memory_space<semaphore_mem>>
    %dma_wait3A_509 = tpu.memref_squeeze %dma_wait3A_508 : memref<1x!tpu.dma_semaphore, #tpu.memory_space<semaphore_mem>> -> memref<!tpu.dma_semaphore, #tpu.memory_space<semaphore_mem>>
    tpu.wait_indirect_dma semaphore(%dma_wait3A_509 : memref<!tpu.dma_semaphore, #tpu.memory_space<semaphore_mem>>) src(%dma_wait3A_507 : memref<49408x768xf32, #tpu.memory_space<hbm>>) dst(%dma_wait3A_502 : memref<8x768xf32, #tpu.memory_space<vmem>>)
    %add3A_510 = arith.constant 2432 : i32
    %add3A_511 = arith.addi %mul3A_2, %add3A_510 : i32
    %dma_start3A_512 = arith.constant 10 : i32
    %dma_start3A_513 = arith.constant 10 : i32
    %dma_start3A_514 = arith.constant 0 : i32
    %dma_start3A_515 = arith.constant 0 : i32
    %dma_start3A_516 = tpu.memref_slice %arg6[%dma_start3A_512, %dma_start3A_514, %dma_start3A_515] : memref<14x8x768xf32, #tpu.memory_space<vmem>> -> memref<1x8x768xf32, #tpu.memory_space<vmem>>
    %dma_start3A_517 = tpu.memref_squeeze %dma_start3A_516 : memref<1x8x768xf32, #tpu.memory_space<vmem>> -> memref<8x768xf32, #tpu.memory_space<vmem>>
    %dma_start3A_518 = arith.constant 0 : i32
    %dma_start3A_519 = tpu.memref_slice %arg4[%add3A_511, %dma_start3A_518] : memref<78848x768xf32, #tpu.memory_space<hbm>> -> memref<8x768xf32, #tpu.memory_space<hbm>>
    %dma_start3A_520 = tpu.memref_slice %arg8[%dma_start3A_513] : memref<14x!tpu.dma_semaphore, #tpu.memory_space<semaphore_mem>> -> memref<1x!tpu.dma_semaphore, #tpu.memory_space<semaphore_mem>>
    %dma_start3A_521 = tpu.memref_squeeze %dma_start3A_520 : memref<1x!tpu.dma_semaphore, #tpu.memory_space<semaphore_mem>> -> memref<!tpu.dma_semaphore, #tpu.memory_space<semaphore_mem>>
    %dma_start3A_522 = arith.constant 0 : i32
    %dma_start3A_523 = tpu.memref_slice %arg4[%add3A_511, %dma_start3A_522] : memref<78848x768xf32, #tpu.memory_space<hbm>> -> memref<8x768xf32, #tpu.memory_space<hbm>>
    %dma_start3A_524 = arith.constant 0 : i32
    %dma_start3A_525 = arith.constant 0 : i32
    %dma_start3A_526 = tpu.memref_slice %arg6[%dma_start3A_512, %dma_start3A_524, %dma_start3A_525] : memref<14x8x768xf32, #tpu.memory_space<vmem>> -> memref<1x8x768xf32, #tpu.memory_space<vmem>>
    %dma_start3A_527 = tpu.memref_squeeze %dma_start3A_526 : memref<1x8x768xf32, #tpu.memory_space<vmem>> -> memref<8x768xf32, #tpu.memory_space<vmem>>
    tpu.enqueue_dma source(%dma_start3A_527 : memref<8x768xf32, #tpu.memory_space<vmem>>) target(%dma_start3A_523 : memref<8x768xf32, #tpu.memory_space<hbm>>) target_semaphore(%dma_start3A_521 : memref<!tpu.dma_semaphore, #tpu.memory_space<semaphore_mem>>)
    %dma_wait3A_528 = arith.constant 11 : i32
    %dma_wait3A_529 = arith.constant 11 : i32
    %dma_wait3A_530 = arith.constant 0 : i32
    %dma_wait3A_531 = arith.constant 0 : i32
    %dma_wait3A_532 = tpu.memref_slice %arg6[%dma_wait3A_528, %dma_wait3A_530, %dma_wait3A_531] : memref<14x8x768xf32, #tpu.memory_space<vmem>> -> memref<1x8x768xf32, #tpu.memory_space<vmem>>
    %dma_wait3A_533 = tpu.memref_squeeze %dma_wait3A_532 : memref<1x8x768xf32, #tpu.memory_space<vmem>> -> memref<8x768xf32, #tpu.memory_space<vmem>>
    %dma_wait3A_534 = arith.constant 0 : i32
    %dma_wait3A_535 = tpu.memref_slice %arg5[%dma_wait3A_534] : memref<2464xi32, #tpu.memory_space<vmem>> -> memref<8xi32, #tpu.memory_space<vmem>>
    %dma_wait3A_536 = arith.constant 0 : i32
    %dma_wait3A_537 = arith.constant 0 : i32
    %dma_wait3A_538 = tpu.memref_slice %arg3[%dma_wait3A_536, %dma_wait3A_537] : memref<49408x768xf32, #tpu.memory_space<hbm>> -> memref<49408x768xf32, #tpu.memory_space<hbm>>
    %dma_wait3A_539 = tpu.memref_slice %arg7[%dma_wait3A_529] : memref<14x!tpu.dma_semaphore, #tpu.memory_space<semaphore_mem>> -> memref<1x!tpu.dma_semaphore, #tpu.memory_space<semaphore_mem>>
    %dma_wait3A_540 = tpu.memref_squeeze %dma_wait3A_539 : memref<1x!tpu.dma_semaphore, #tpu.memory_space<semaphore_mem>> -> memref<!tpu.dma_semaphore, #tpu.memory_space<semaphore_mem>>
    tpu.wait_indirect_dma semaphore(%dma_wait3A_540 : memref<!tpu.dma_semaphore, #tpu.memory_space<semaphore_mem>>) src(%dma_wait3A_538 : memref<49408x768xf32, #tpu.memory_space<hbm>>) dst(%dma_wait3A_533 : memref<8x768xf32, #tpu.memory_space<vmem>>)
    %add3A_541 = arith.constant 2440 : i32
    %add3A_542 = arith.addi %mul3A_2, %add3A_541 : i32
    %dma_start3A_543 = arith.constant 11 : i32
    %dma_start3A_544 = arith.constant 11 : i32
    %dma_start3A_545 = arith.constant 0 : i32
    %dma_start3A_546 = arith.constant 0 : i32
    %dma_start3A_547 = tpu.memref_slice %arg6[%dma_start3A_543, %dma_start3A_545, %dma_start3A_546] : memref<14x8x768xf32, #tpu.memory_space<vmem>> -> memref<1x8x768xf32, #tpu.memory_space<vmem>>
    %dma_start3A_548 = tpu.memref_squeeze %dma_start3A_547 : memref<1x8x768xf32, #tpu.memory_space<vmem>> -> memref<8x768xf32, #tpu.memory_space<vmem>>
    %dma_start3A_549 = arith.constant 0 : i32
    %dma_start3A_550 = tpu.memref_slice %arg4[%add3A_542, %dma_start3A_549] : memref<78848x768xf32, #tpu.memory_space<hbm>> -> memref<8x768xf32, #tpu.memory_space<hbm>>
    %dma_start3A_551 = tpu.memref_slice %arg8[%dma_start3A_544] : memref<14x!tpu.dma_semaphore, #tpu.memory_space<semaphore_mem>> -> memref<1x!tpu.dma_semaphore, #tpu.memory_space<semaphore_mem>>
    %dma_start3A_552 = tpu.memref_squeeze %dma_start3A_551 : memref<1x!tpu.dma_semaphore, #tpu.memory_space<semaphore_mem>> -> memref<!tpu.dma_semaphore, #tpu.memory_space<semaphore_mem>>
    %dma_start3A_553 = arith.constant 0 : i32
    %dma_start3A_554 = tpu.memref_slice %arg4[%add3A_542, %dma_start3A_553] : memref<78848x768xf32, #tpu.memory_space<hbm>> -> memref<8x768xf32, #tpu.memory_space<hbm>>
    %dma_start3A_555 = arith.constant 0 : i32
    %dma_start3A_556 = arith.constant 0 : i32
    %dma_start3A_557 = tpu.memref_slice %arg6[%dma_start3A_543, %dma_start3A_555, %dma_start3A_556] : memref<14x8x768xf32, #tpu.memory_space<vmem>> -> memref<1x8x768xf32, #tpu.memory_space<vmem>>
    %dma_start3A_558 = tpu.memref_squeeze %dma_start3A_557 : memref<1x8x768xf32, #tpu.memory_space<vmem>> -> memref<8x768xf32, #tpu.memory_space<vmem>>
    tpu.enqueue_dma source(%dma_start3A_558 : memref<8x768xf32, #tpu.memory_space<vmem>>) target(%dma_start3A_554 : memref<8x768xf32, #tpu.memory_space<hbm>>) target_semaphore(%dma_start3A_552 : memref<!tpu.dma_semaphore, #tpu.memory_space<semaphore_mem>>)
    %dma_wait3A_559 = arith.constant 12 : i32
    %dma_wait3A_560 = arith.constant 12 : i32
    %dma_wait3A_561 = arith.constant 0 : i32
    %dma_wait3A_562 = arith.constant 0 : i32
    %dma_wait3A_563 = tpu.memref_slice %arg6[%dma_wait3A_559, %dma_wait3A_561, %dma_wait3A_562] : memref<14x8x768xf32, #tpu.memory_space<vmem>> -> memref<1x8x768xf32, #tpu.memory_space<vmem>>
    %dma_wait3A_564 = tpu.memref_squeeze %dma_wait3A_563 : memref<1x8x768xf32, #tpu.memory_space<vmem>> -> memref<8x768xf32, #tpu.memory_space<vmem>>
    %dma_wait3A_565 = arith.constant 0 : i32
    %dma_wait3A_566 = tpu.memref_slice %arg5[%dma_wait3A_565] : memref<2464xi32, #tpu.memory_space<vmem>> -> memref<8xi32, #tpu.memory_space<vmem>>
    %dma_wait3A_567 = arith.constant 0 : i32
    %dma_wait3A_568 = arith.constant 0 : i32
    %dma_wait3A_569 = tpu.memref_slice %arg3[%dma_wait3A_567, %dma_wait3A_568] : memref<49408x768xf32, #tpu.memory_space<hbm>> -> memref<49408x768xf32, #tpu.memory_space<hbm>>
    %dma_wait3A_570 = tpu.memref_slice %arg7[%dma_wait3A_560] : memref<14x!tpu.dma_semaphore, #tpu.memory_space<semaphore_mem>> -> memref<1x!tpu.dma_semaphore, #tpu.memory_space<semaphore_mem>>
    %dma_wait3A_571 = tpu.memref_squeeze %dma_wait3A_570 : memref<1x!tpu.dma_semaphore, #tpu.memory_space<semaphore_mem>> -> memref<!tpu.dma_semaphore, #tpu.memory_space<semaphore_mem>>
    tpu.wait_indirect_dma semaphore(%dma_wait3A_571 : memref<!tpu.dma_semaphore, #tpu.memory_space<semaphore_mem>>) src(%dma_wait3A_569 : memref<49408x768xf32, #tpu.memory_space<hbm>>) dst(%dma_wait3A_564 : memref<8x768xf32, #tpu.memory_space<vmem>>)
    %add3A_572 = arith.constant 2448 : i32
    %add3A_573 = arith.addi %mul3A_2, %add3A_572 : i32
    %dma_start3A_574 = arith.constant 12 : i32
    %dma_start3A_575 = arith.constant 12 : i32
    %dma_start3A_576 = arith.constant 0 : i32
    %dma_start3A_577 = arith.constant 0 : i32
    %dma_start3A_578 = tpu.memref_slice %arg6[%dma_start3A_574, %dma_start3A_576, %dma_start3A_577] : memref<14x8x768xf32, #tpu.memory_space<vmem>> -> memref<1x8x768xf32, #tpu.memory_space<vmem>>
    %dma_start3A_579 = tpu.memref_squeeze %dma_start3A_578 : memref<1x8x768xf32, #tpu.memory_space<vmem>> -> memref<8x768xf32, #tpu.memory_space<vmem>>
    %dma_start3A_580 = arith.constant 0 : i32
    %dma_start3A_581 = tpu.memref_slice %arg4[%add3A_573, %dma_start3A_580] : memref<78848x768xf32, #tpu.memory_space<hbm>> -> memref<8x768xf32, #tpu.memory_space<hbm>>
    %dma_start3A_582 = tpu.memref_slice %arg8[%dma_start3A_575] : memref<14x!tpu.dma_semaphore, #tpu.memory_space<semaphore_mem>> -> memref<1x!tpu.dma_semaphore, #tpu.memory_space<semaphore_mem>>
    %dma_start3A_583 = tpu.memref_squeeze %dma_start3A_582 : memref<1x!tpu.dma_semaphore, #tpu.memory_space<semaphore_mem>> -> memref<!tpu.dma_semaphore, #tpu.memory_space<semaphore_mem>>
    %dma_start3A_584 = arith.constant 0 : i32
    %dma_start3A_585 = tpu.memref_slice %arg4[%add3A_573, %dma_start3A_584] : memref<78848x768xf32, #tpu.memory_space<hbm>> -> memref<8x768xf32, #tpu.memory_space<hbm>>
    %dma_start3A_586 = arith.constant 0 : i32
    %dma_start3A_587 = arith.constant 0 : i32
    %dma_start3A_588 = tpu.memref_slice %arg6[%dma_start3A_574, %dma_start3A_586, %dma_start3A_587] : memref<14x8x768xf32, #tpu.memory_space<vmem>> -> memref<1x8x768xf32, #tpu.memory_space<vmem>>
    %dma_start3A_589 = tpu.memref_squeeze %dma_start3A_588 : memref<1x8x768xf32, #tpu.memory_space<vmem>> -> memref<8x768xf32, #tpu.memory_space<vmem>>
    tpu.enqueue_dma source(%dma_start3A_589 : memref<8x768xf32, #tpu.memory_space<vmem>>) target(%dma_start3A_585 : memref<8x768xf32, #tpu.memory_space<hbm>>) target_semaphore(%dma_start3A_583 : memref<!tpu.dma_semaphore, #tpu.memory_space<semaphore_mem>>)
    %dma_wait3A_590 = arith.constant 13 : i32
    %dma_wait3A_591 = arith.constant 13 : i32
    %dma_wait3A_592 = arith.constant 0 : i32
    %dma_wait3A_593 = arith.constant 0 : i32
    %dma_wait3A_594 = tpu.memref_slice %arg6[%dma_wait3A_590, %dma_wait3A_592, %dma_wait3A_593] : memref<14x8x768xf32, #tpu.memory_space<vmem>> -> memref<1x8x768xf32, #tpu.memory_space<vmem>>
    %dma_wait3A_595 = tpu.memref_squeeze %dma_wait3A_594 : memref<1x8x768xf32, #tpu.memory_space<vmem>> -> memref<8x768xf32, #tpu.memory_space<vmem>>
    %dma_wait3A_596 = arith.constant 0 : i32
    %dma_wait3A_597 = tpu.memref_slice %arg5[%dma_wait3A_596] : memref<2464xi32, #tpu.memory_space<vmem>> -> memref<8xi32, #tpu.memory_space<vmem>>
    %dma_wait3A_598 = arith.constant 0 : i32
    %dma_wait3A_599 = arith.constant 0 : i32
    %dma_wait3A_600 = tpu.memref_slice %arg3[%dma_wait3A_598, %dma_wait3A_599] : memref<49408x768xf32, #tpu.memory_space<hbm>> -> memref<49408x768xf32, #tpu.memory_space<hbm>>
    %dma_wait3A_601 = tpu.memref_slice %arg7[%dma_wait3A_591] : memref<14x!tpu.dma_semaphore, #tpu.memory_space<semaphore_mem>> -> memref<1x!tpu.dma_semaphore, #tpu.memory_space<semaphore_mem>>
    %dma_wait3A_602 = tpu.memref_squeeze %dma_wait3A_601 : memref<1x!tpu.dma_semaphore, #tpu.memory_space<semaphore_mem>> -> memref<!tpu.dma_semaphore, #tpu.memory_space<semaphore_mem>>
    tpu.wait_indirect_dma semaphore(%dma_wait3A_602 : memref<!tpu.dma_semaphore, #tpu.memory_space<semaphore_mem>>) src(%dma_wait3A_600 : memref<49408x768xf32, #tpu.memory_space<hbm>>) dst(%dma_wait3A_595 : memref<8x768xf32, #tpu.memory_space<vmem>>)
    %add3A_603 = arith.constant 2456 : i32
    %add3A_604 = arith.addi %mul3A_2, %add3A_603 : i32
    %dma_start3A_605 = arith.constant 13 : i32
    %dma_start3A_606 = arith.constant 13 : i32
    %dma_start3A_607 = arith.constant 0 : i32
    %dma_start3A_608 = arith.constant 0 : i32
    %dma_start3A_609 = tpu.memref_slice %arg6[%dma_start3A_605, %dma_start3A_607, %dma_start3A_608] : memref<14x8x768xf32, #tpu.memory_space<vmem>> -> memref<1x8x768xf32, #tpu.memory_space<vmem>>
    %dma_start3A_610 = tpu.memref_squeeze %dma_start3A_609 : memref<1x8x768xf32, #tpu.memory_space<vmem>> -> memref<8x768xf32, #tpu.memory_space<vmem>>
    %dma_start3A_611 = arith.constant 0 : i32
    %dma_start3A_612 = tpu.memref_slice %arg4[%add3A_604, %dma_start3A_611] : memref<78848x768xf32, #tpu.memory_space<hbm>> -> memref<8x768xf32, #tpu.memory_space<hbm>>
    %dma_start3A_613 = tpu.memref_slice %arg8[%dma_start3A_606] : memref<14x!tpu.dma_semaphore, #tpu.memory_space<semaphore_mem>> -> memref<1x!tpu.dma_semaphore, #tpu.memory_space<semaphore_mem>>
    %dma_start3A_614 = tpu.memref_squeeze %dma_start3A_613 : memref<1x!tpu.dma_semaphore, #tpu.memory_space<semaphore_mem>> -> memref<!tpu.dma_semaphore, #tpu.memory_space<semaphore_mem>>
    %dma_start3A_615 = arith.constant 0 : i32
    %dma_start3A_616 = tpu.memref_slice %arg4[%add3A_604, %dma_start3A_615] : memref<78848x768xf32, #tpu.memory_space<hbm>> -> memref<8x768xf32, #tpu.memory_space<hbm>>
    %dma_start3A_617 = arith.constant 0 : i32
    %dma_start3A_618 = arith.constant 0 : i32
    %dma_start3A_619 = tpu.memref_slice %arg6[%dma_start3A_605, %dma_start3A_617, %dma_start3A_618] : memref<14x8x768xf32, #tpu.memory_space<vmem>> -> memref<1x8x768xf32, #tpu.memory_space<vmem>>
    %dma_start3A_620 = tpu.memref_squeeze %dma_start3A_619 : memref<1x8x768xf32, #tpu.memory_space<vmem>> -> memref<8x768xf32, #tpu.memory_space<vmem>>
    tpu.enqueue_dma source(%dma_start3A_620 : memref<8x768xf32, #tpu.memory_space<vmem>>) target(%dma_start3A_616 : memref<8x768xf32, #tpu.memory_space<hbm>>) target_semaphore(%dma_start3A_614 : memref<!tpu.dma_semaphore, #tpu.memory_space<semaphore_mem>>)
    %dma_wait3A_621 = arith.constant 0 : i32
    %dma_wait3A_622 = arith.constant 0 : i32
    %dma_wait3A_623 = arith.constant 0 : i32
    %dma_wait3A_624 = arith.constant 0 : i32
    %dma_wait3A_625 = tpu.memref_slice %arg6[%dma_wait3A_621, %dma_wait3A_623, %dma_wait3A_624] : memref<14x8x768xf32, #tpu.memory_space<vmem>> -> memref<1x8x768xf32, #tpu.memory_space<vmem>>
    %dma_wait3A_626 = tpu.memref_squeeze %dma_wait3A_625 : memref<1x8x768xf32, #tpu.memory_space<vmem>> -> memref<8x768xf32, #tpu.memory_space<vmem>>
    %dma_wait3A_627 = arith.constant 0 : i32
    %dma_wait3A_628 = tpu.memref_slice %arg4[%mul3A_2, %dma_wait3A_627] : memref<78848x768xf32, #tpu.memory_space<hbm>> -> memref<8x768xf32, #tpu.memory_space<hbm>>
    %dma_wait3A_629 = tpu.memref_slice %arg8[%dma_wait3A_622] : memref<14x!tpu.dma_semaphore, #tpu.memory_space<semaphore_mem>> -> memref<1x!tpu.dma_semaphore, #tpu.memory_space<semaphore_mem>>
    %dma_wait3A_630 = tpu.memref_squeeze %dma_wait3A_629 : memref<1x!tpu.dma_semaphore, #tpu.memory_space<semaphore_mem>> -> memref<!tpu.dma_semaphore, #tpu.memory_space<semaphore_mem>>
    %dma_wait3A_631 = arith.constant 0 : i32
    %dma_wait3A_632 = tpu.memref_slice %arg4[%mul3A_2, %dma_wait3A_631] : memref<78848x768xf32, #tpu.memory_space<hbm>> -> memref<8x768xf32, #tpu.memory_space<hbm>>
    %dma_wait3A_633 = arith.constant 0 : i32
    %dma_wait3A_634 = arith.constant 0 : i32
    %dma_wait3A_635 = tpu.memref_slice %arg6[%dma_wait3A_621, %dma_wait3A_633, %dma_wait3A_634] : memref<14x8x768xf32, #tpu.memory_space<vmem>> -> memref<1x8x768xf32, #tpu.memory_space<vmem>>
    %dma_wait3A_636 = tpu.memref_squeeze %dma_wait3A_635 : memref<1x8x768xf32, #tpu.memory_space<vmem>> -> memref<8x768xf32, #tpu.memory_space<vmem>>
    tpu.wait_dma2 semaphore(%dma_wait3A_630 : memref<!tpu.dma_semaphore, #tpu.memory_space<semaphore_mem>>) src(%dma_wait3A_636 : memref<8x768xf32, #tpu.memory_space<vmem>>) dst(%dma_wait3A_632 : memref<8x768xf32, #tpu.memory_space<hbm>>)
    %dma_wait3A_637 = arith.constant 1 : i32
    %dma_wait3A_638 = arith.constant 1 : i32
    %dma_wait3A_639 = arith.constant 0 : i32
    %dma_wait3A_640 = arith.constant 0 : i32
    %dma_wait3A_641 = tpu.memref_slice %arg6[%dma_wait3A_637, %dma_wait3A_639, %dma_wait3A_640] : memref<14x8x768xf32, #tpu.memory_space<vmem>> -> memref<1x8x768xf32, #tpu.memory_space<vmem>>
    %dma_wait3A_642 = tpu.memref_squeeze %dma_wait3A_641 : memref<1x8x768xf32, #tpu.memory_space<vmem>> -> memref<8x768xf32, #tpu.memory_space<vmem>>
    %dma_wait3A_643 = arith.constant 0 : i32
    %dma_wait3A_644 = tpu.memref_slice %arg4[%mul3A_2, %dma_wait3A_643] : memref<78848x768xf32, #tpu.memory_space<hbm>> -> memref<8x768xf32, #tpu.memory_space<hbm>>
    %dma_wait3A_645 = tpu.memref_slice %arg8[%dma_wait3A_638] : memref<14x!tpu.dma_semaphore, #tpu.memory_space<semaphore_mem>> -> memref<1x!tpu.dma_semaphore, #tpu.memory_space<semaphore_mem>>
    %dma_wait3A_646 = tpu.memref_squeeze %dma_wait3A_645 : memref<1x!tpu.dma_semaphore, #tpu.memory_space<semaphore_mem>> -> memref<!tpu.dma_semaphore, #tpu.memory_space<semaphore_mem>>
    %dma_wait3A_647 = arith.constant 0 : i32
    %dma_wait3A_648 = tpu.memref_slice %arg4[%mul3A_2, %dma_wait3A_647] : memref<78848x768xf32, #tpu.memory_space<hbm>> -> memref<8x768xf32, #tpu.memory_space<hbm>>
    %dma_wait3A_649 = arith.constant 0 : i32
    %dma_wait3A_650 = arith.constant 0 : i32
    %dma_wait3A_651 = tpu.memref_slice %arg6[%dma_wait3A_637, %dma_wait3A_649, %dma_wait3A_650] : memref<14x8x768xf32, #tpu.memory_space<vmem>> -> memref<1x8x768xf32, #tpu.memory_space<vmem>>
    %dma_wait3A_652 = tpu.memref_squeeze %dma_wait3A_651 : memref<1x8x768xf32, #tpu.memory_space<vmem>> -> memref<8x768xf32, #tpu.memory_space<vmem>>
    tpu.wait_dma2 semaphore(%dma_wait3A_646 : memref<!tpu.dma_semaphore, #tpu.memory_space<semaphore_mem>>) src(%dma_wait3A_652 : memref<8x768xf32, #tpu.memory_space<vmem>>) dst(%dma_wait3A_648 : memref<8x768xf32, #tpu.memory_space<hbm>>)
    %dma_wait3A_653 = arith.constant 2 : i32
    %dma_wait3A_654 = arith.constant 2 : i32
    %dma_wait3A_655 = arith.constant 0 : i32
    %dma_wait3A_656 = arith.constant 0 : i32
    %dma_wait3A_657 = tpu.memref_slice %arg6[%dma_wait3A_653, %dma_wait3A_655, %dma_wait3A_656] : memref<14x8x768xf32, #tpu.memory_space<vmem>> -> memref<1x8x768xf32, #tpu.memory_space<vmem>>
    %dma_wait3A_658 = tpu.memref_squeeze %dma_wait3A_657 : memref<1x8x768xf32, #tpu.memory_space<vmem>> -> memref<8x768xf32, #tpu.memory_space<vmem>>
    %dma_wait3A_659 = arith.constant 0 : i32
    %dma_wait3A_660 = tpu.memref_slice %arg4[%mul3A_2, %dma_wait3A_659] : memref<78848x768xf32, #tpu.memory_space<hbm>> -> memref<8x768xf32, #tpu.memory_space<hbm>>
    %dma_wait3A_661 = tpu.memref_slice %arg8[%dma_wait3A_654] : memref<14x!tpu.dma_semaphore, #tpu.memory_space<semaphore_mem>> -> memref<1x!tpu.dma_semaphore, #tpu.memory_space<semaphore_mem>>
    %dma_wait3A_662 = tpu.memref_squeeze %dma_wait3A_661 : memref<1x!tpu.dma_semaphore, #tpu.memory_space<semaphore_mem>> -> memref<!tpu.dma_semaphore, #tpu.memory_space<semaphore_mem>>
    %dma_wait3A_663 = arith.constant 0 : i32
    %dma_wait3A_664 = tpu.memref_slice %arg4[%mul3A_2, %dma_wait3A_663] : memref<78848x768xf32, #tpu.memory_space<hbm>> -> memref<8x768xf32, #tpu.memory_space<hbm>>
    %dma_wait3A_665 = arith.constant 0 : i32
    %dma_wait3A_666 = arith.constant 0 : i32
    %dma_wait3A_667 = tpu.memref_slice %arg6[%dma_wait3A_653, %dma_wait3A_665, %dma_wait3A_666] : memref<14x8x768xf32, #tpu.memory_space<vmem>> -> memref<1x8x768xf32, #tpu.memory_space<vmem>>
    %dma_wait3A_668 = tpu.memref_squeeze %dma_wait3A_667 : memref<1x8x768xf32, #tpu.memory_space<vmem>> -> memref<8x768xf32, #tpu.memory_space<vmem>>
    tpu.wait_dma2 semaphore(%dma_wait3A_662 : memref<!tpu.dma_semaphore, #tpu.memory_space<semaphore_mem>>) src(%dma_wait3A_668 : memref<8x768xf32, #tpu.memory_space<vmem>>) dst(%dma_wait3A_664 : memref<8x768xf32, #tpu.memory_space<hbm>>)
    %dma_wait3A_669 = arith.constant 3 : i32
    %dma_wait3A_670 = arith.constant 3 : i32
    %dma_wait3A_671 = arith.constant 0 : i32
    %dma_wait3A_672 = arith.constant 0 : i32
    %dma_wait3A_673 = tpu.memref_slice %arg6[%dma_wait3A_669, %dma_wait3A_671, %dma_wait3A_672] : memref<14x8x768xf32, #tpu.memory_space<vmem>> -> memref<1x8x768xf32, #tpu.memory_space<vmem>>
    %dma_wait3A_674 = tpu.memref_squeeze %dma_wait3A_673 : memref<1x8x768xf32, #tpu.memory_space<vmem>> -> memref<8x768xf32, #tpu.memory_space<vmem>>
    %dma_wait3A_675 = arith.constant 0 : i32
    %dma_wait3A_676 = tpu.memref_slice %arg4[%mul3A_2, %dma_wait3A_675] : memref<78848x768xf32, #tpu.memory_space<hbm>> -> memref<8x768xf32, #tpu.memory_space<hbm>>
    %dma_wait3A_677 = tpu.memref_slice %arg8[%dma_wait3A_670] : memref<14x!tpu.dma_semaphore, #tpu.memory_space<semaphore_mem>> -> memref<1x!tpu.dma_semaphore, #tpu.memory_space<semaphore_mem>>
    %dma_wait3A_678 = tpu.memref_squeeze %dma_wait3A_677 : memref<1x!tpu.dma_semaphore, #tpu.memory_space<semaphore_mem>> -> memref<!tpu.dma_semaphore, #tpu.memory_space<semaphore_mem>>
    %dma_wait3A_679 = arith.constant 0 : i32
    %dma_wait3A_680 = tpu.memref_slice %arg4[%mul3A_2, %dma_wait3A_679] : memref<78848x768xf32, #tpu.memory_space<hbm>> -> memref<8x768xf32, #tpu.memory_space<hbm>>
    %dma_wait3A_681 = arith.constant 0 : i32
    %dma_wait3A_682 = arith.constant 0 : i32
    %dma_wait3A_683 = tpu.memref_slice %arg6[%dma_wait3A_669, %dma_wait3A_681, %dma_wait3A_682] : memref<14x8x768xf32, #tpu.memory_space<vmem>> -> memref<1x8x768xf32, #tpu.memory_space<vmem>>
    %dma_wait3A_684 = tpu.memref_squeeze %dma_wait3A_683 : memref<1x8x768xf32, #tpu.memory_space<vmem>> -> memref<8x768xf32, #tpu.memory_space<vmem>>
    tpu.wait_dma2 semaphore(%dma_wait3A_678 : memref<!tpu.dma_semaphore, #tpu.memory_space<semaphore_mem>>) src(%dma_wait3A_684 : memref<8x768xf32, #tpu.memory_space<vmem>>) dst(%dma_wait3A_680 : memref<8x768xf32, #tpu.memory_space<hbm>>)
    %dma_wait3A_685 = arith.constant 4 : i32
    %dma_wait3A_686 = arith.constant 4 : i32
    %dma_wait3A_687 = arith.constant 0 : i32
    %dma_wait3A_688 = arith.constant 0 : i32
    %dma_wait3A_689 = tpu.memref_slice %arg6[%dma_wait3A_685, %dma_wait3A_687, %dma_wait3A_688] : memref<14x8x768xf32, #tpu.memory_space<vmem>> -> memref<1x8x768xf32, #tpu.memory_space<vmem>>
    %dma_wait3A_690 = tpu.memref_squeeze %dma_wait3A_689 : memref<1x8x768xf32, #tpu.memory_space<vmem>> -> memref<8x768xf32, #tpu.memory_space<vmem>>
    %dma_wait3A_691 = arith.constant 0 : i32
    %dma_wait3A_692 = tpu.memref_slice %arg4[%mul3A_2, %dma_wait3A_691] : memref<78848x768xf32, #tpu.memory_space<hbm>> -> memref<8x768xf32, #tpu.memory_space<hbm>>
    %dma_wait3A_693 = tpu.memref_slice %arg8[%dma_wait3A_686] : memref<14x!tpu.dma_semaphore, #tpu.memory_space<semaphore_mem>> -> memref<1x!tpu.dma_semaphore, #tpu.memory_space<semaphore_mem>>
    %dma_wait3A_694 = tpu.memref_squeeze %dma_wait3A_693 : memref<1x!tpu.dma_semaphore, #tpu.memory_space<semaphore_mem>> -> memref<!tpu.dma_semaphore, #tpu.memory_space<semaphore_mem>>
    %dma_wait3A_695 = arith.constant 0 : i32
    %dma_wait3A_696 = tpu.memref_slice %arg4[%mul3A_2, %dma_wait3A_695] : memref<78848x768xf32, #tpu.memory_space<hbm>> -> memref<8x768xf32, #tpu.memory_space<hbm>>
    %dma_wait3A_697 = arith.constant 0 : i32
    %dma_wait3A_698 = arith.constant 0 : i32
    %dma_wait3A_699 = tpu.memref_slice %arg6[%dma_wait3A_685, %dma_wait3A_697, %dma_wait3A_698] : memref<14x8x768xf32, #tpu.memory_space<vmem>> -> memref<1x8x768xf32, #tpu.memory_space<vmem>>
    %dma_wait3A_700 = tpu.memref_squeeze %dma_wait3A_699 : memref<1x8x768xf32, #tpu.memory_space<vmem>> -> memref<8x768xf32, #tpu.memory_space<vmem>>
    tpu.wait_dma2 semaphore(%dma_wait3A_694 : memref<!tpu.dma_semaphore, #tpu.memory_space<semaphore_mem>>) src(%dma_wait3A_700 : memref<8x768xf32, #tpu.memory_space<vmem>>) dst(%dma_wait3A_696 : memref<8x768xf32, #tpu.memory_space<hbm>>)
    %dma_wait3A_701 = arith.constant 5 : i32
    %dma_wait3A_702 = arith.constant 5 : i32
    %dma_wait3A_703 = arith.constant 0 : i32
    %dma_wait3A_704 = arith.constant 0 : i32
    %dma_wait3A_705 = tpu.memref_slice %arg6[%dma_wait3A_701, %dma_wait3A_703, %dma_wait3A_704] : memref<14x8x768xf32, #tpu.memory_space<vmem>> -> memref<1x8x768xf32, #tpu.memory_space<vmem>>
    %dma_wait3A_706 = tpu.memref_squeeze %dma_wait3A_705 : memref<1x8x768xf32, #tpu.memory_space<vmem>> -> memref<8x768xf32, #tpu.memory_space<vmem>>
    %dma_wait3A_707 = arith.constant 0 : i32
    %dma_wait3A_708 = tpu.memref_slice %arg4[%mul3A_2, %dma_wait3A_707] : memref<78848x768xf32, #tpu.memory_space<hbm>> -> memref<8x768xf32, #tpu.memory_space<hbm>>
    %dma_wait3A_709 = tpu.memref_slice %arg8[%dma_wait3A_702] : memref<14x!tpu.dma_semaphore, #tpu.memory_space<semaphore_mem>> -> memref<1x!tpu.dma_semaphore, #tpu.memory_space<semaphore_mem>>
    %dma_wait3A_710 = tpu.memref_squeeze %dma_wait3A_709 : memref<1x!tpu.dma_semaphore, #tpu.memory_space<semaphore_mem>> -> memref<!tpu.dma_semaphore, #tpu.memory_space<semaphore_mem>>
    %dma_wait3A_711 = arith.constant 0 : i32
    %dma_wait3A_712 = tpu.memref_slice %arg4[%mul3A_2, %dma_wait3A_711] : memref<78848x768xf32, #tpu.memory_space<hbm>> -> memref<8x768xf32, #tpu.memory_space<hbm>>
    %dma_wait3A_713 = arith.constant 0 : i32
    %dma_wait3A_714 = arith.constant 0 : i32
    %dma_wait3A_715 = tpu.memref_slice %arg6[%dma_wait3A_701, %dma_wait3A_713, %dma_wait3A_714] : memref<14x8x768xf32, #tpu.memory_space<vmem>> -> memref<1x8x768xf32, #tpu.memory_space<vmem>>
    %dma_wait3A_716 = tpu.memref_squeeze %dma_wait3A_715 : memref<1x8x768xf32, #tpu.memory_space<vmem>> -> memref<8x768xf32, #tpu.memory_space<vmem>>
    tpu.wait_dma2 semaphore(%dma_wait3A_710 : memref<!tpu.dma_semaphore, #tpu.memory_space<semaphore_mem>>) src(%dma_wait3A_716 : memref<8x768xf32, #tpu.memory_space<vmem>>) dst(%dma_wait3A_712 : memref<8x768xf32, #tpu.memory_space<hbm>>)
    %dma_wait3A_717 = arith.constant 6 : i32
    %dma_wait3A_718 = arith.constant 6 : i32
    %dma_wait3A_719 = arith.constant 0 : i32
    %dma_wait3A_720 = arith.constant 0 : i32
    %dma_wait3A_721 = tpu.memref_slice %arg6[%dma_wait3A_717, %dma_wait3A_719, %dma_wait3A_720] : memref<14x8x768xf32, #tpu.memory_space<vmem>> -> memref<1x8x768xf32, #tpu.memory_space<vmem>>
    %dma_wait3A_722 = tpu.memref_squeeze %dma_wait3A_721 : memref<1x8x768xf32, #tpu.memory_space<vmem>> -> memref<8x768xf32, #tpu.memory_space<vmem>>
    %dma_wait3A_723 = arith.constant 0 : i32
    %dma_wait3A_724 = tpu.memref_slice %arg4[%mul3A_2, %dma_wait3A_723] : memref<78848x768xf32, #tpu.memory_space<hbm>> -> memref<8x768xf32, #tpu.memory_space<hbm>>
    %dma_wait3A_725 = tpu.memref_slice %arg8[%dma_wait3A_718] : memref<14x!tpu.dma_semaphore, #tpu.memory_space<semaphore_mem>> -> memref<1x!tpu.dma_semaphore, #tpu.memory_space<semaphore_mem>>
    %dma_wait3A_726 = tpu.memref_squeeze %dma_wait3A_725 : memref<1x!tpu.dma_semaphore, #tpu.memory_space<semaphore_mem>> -> memref<!tpu.dma_semaphore, #tpu.memory_space<semaphore_mem>>
    %dma_wait3A_727 = arith.constant 0 : i32
    %dma_wait3A_728 = tpu.memref_slice %arg4[%mul3A_2, %dma_wait3A_727] : memref<78848x768xf32, #tpu.memory_space<hbm>> -> memref<8x768xf32, #tpu.memory_space<hbm>>
    %dma_wait3A_729 = arith.constant 0 : i32
    %dma_wait3A_730 = arith.constant 0 : i32
    %dma_wait3A_731 = tpu.memref_slice %arg6[%dma_wait3A_717, %dma_wait3A_729, %dma_wait3A_730] : memref<14x8x768xf32, #tpu.memory_space<vmem>> -> memref<1x8x768xf32, #tpu.memory_space<vmem>>
    %dma_wait3A_732 = tpu.memref_squeeze %dma_wait3A_731 : memref<1x8x768xf32, #tpu.memory_space<vmem>> -> memref<8x768xf32, #tpu.memory_space<vmem>>
    tpu.wait_dma2 semaphore(%dma_wait3A_726 : memref<!tpu.dma_semaphore, #tpu.memory_space<semaphore_mem>>) src(%dma_wait3A_732 : memref<8x768xf32, #tpu.memory_space<vmem>>) dst(%dma_wait3A_728 : memref<8x768xf32, #tpu.memory_space<hbm>>)
    %dma_wait3A_733 = arith.constant 7 : i32
    %dma_wait3A_734 = arith.constant 7 : i32
    %dma_wait3A_735 = arith.constant 0 : i32
    %dma_wait3A_736 = arith.constant 0 : i32
    %dma_wait3A_737 = tpu.memref_slice %arg6[%dma_wait3A_733, %dma_wait3A_735, %dma_wait3A_736] : memref<14x8x768xf32, #tpu.memory_space<vmem>> -> memref<1x8x768xf32, #tpu.memory_space<vmem>>
    %dma_wait3A_738 = tpu.memref_squeeze %dma_wait3A_737 : memref<1x8x768xf32, #tpu.memory_space<vmem>> -> memref<8x768xf32, #tpu.memory_space<vmem>>
    %dma_wait3A_739 = arith.constant 0 : i32
    %dma_wait3A_740 = tpu.memref_slice %arg4[%mul3A_2, %dma_wait3A_739] : memref<78848x768xf32, #tpu.memory_space<hbm>> -> memref<8x768xf32, #tpu.memory_space<hbm>>
    %dma_wait3A_741 = tpu.memref_slice %arg8[%dma_wait3A_734] : memref<14x!tpu.dma_semaphore, #tpu.memory_space<semaphore_mem>> -> memref<1x!tpu.dma_semaphore, #tpu.memory_space<semaphore_mem>>
    %dma_wait3A_742 = tpu.memref_squeeze %dma_wait3A_741 : memref<1x!tpu.dma_semaphore, #tpu.memory_space<semaphore_mem>> -> memref<!tpu.dma_semaphore, #tpu.memory_space<semaphore_mem>>
    %dma_wait3A_743 = arith.constant 0 : i32
    %dma_wait3A_744 = tpu.memref_slice %arg4[%mul3A_2, %dma_wait3A_743] : memref<78848x768xf32, #tpu.memory_space<hbm>> -> memref<8x768xf32, #tpu.memory_space<hbm>>
    %dma_wait3A_745 = arith.constant 0 : i32
    %dma_wait3A_746 = arith.constant 0 : i32
    %dma_wait3A_747 = tpu.memref_slice %arg6[%dma_wait3A_733, %dma_wait3A_745, %dma_wait3A_746] : memref<14x8x768xf32, #tpu.memory_space<vmem>> -> memref<1x8x768xf32, #tpu.memory_space<vmem>>
    %dma_wait3A_748 = tpu.memref_squeeze %dma_wait3A_747 : memref<1x8x768xf32, #tpu.memory_space<vmem>> -> memref<8x768xf32, #tpu.memory_space<vmem>>
    tpu.wait_dma2 semaphore(%dma_wait3A_742 : memref<!tpu.dma_semaphore, #tpu.memory_space<semaphore_mem>>) src(%dma_wait3A_748 : memref<8x768xf32, #tpu.memory_space<vmem>>) dst(%dma_wait3A_744 : memref<8x768xf32, #tpu.memory_space<hbm>>)
    %dma_wait3A_749 = arith.constant 8 : i32
    %dma_wait3A_750 = arith.constant 8 : i32
    %dma_wait3A_751 = arith.constant 0 : i32
    %dma_wait3A_752 = arith.constant 0 : i32
    %dma_wait3A_753 = tpu.memref_slice %arg6[%dma_wait3A_749, %dma_wait3A_751, %dma_wait3A_752] : memref<14x8x768xf32, #tpu.memory_space<vmem>> -> memref<1x8x768xf32, #tpu.memory_space<vmem>>
    %dma_wait3A_754 = tpu.memref_squeeze %dma_wait3A_753 : memref<1x8x768xf32, #tpu.memory_space<vmem>> -> memref<8x768xf32, #tpu.memory_space<vmem>>
    %dma_wait3A_755 = arith.constant 0 : i32
    %dma_wait3A_756 = tpu.memref_slice %arg4[%mul3A_2, %dma_wait3A_755] : memref<78848x768xf32, #tpu.memory_space<hbm>> -> memref<8x768xf32, #tpu.memory_space<hbm>>
    %dma_wait3A_757 = tpu.memref_slice %arg8[%dma_wait3A_750] : memref<14x!tpu.dma_semaphore, #tpu.memory_space<semaphore_mem>> -> memref<1x!tpu.dma_semaphore, #tpu.memory_space<semaphore_mem>>
    %dma_wait3A_758 = tpu.memref_squeeze %dma_wait3A_757 : memref<1x!tpu.dma_semaphore, #tpu.memory_space<semaphore_mem>> -> memref<!tpu.dma_semaphore, #tpu.memory_space<semaphore_mem>>
    %dma_wait3A_759 = arith.constant 0 : i32
    %dma_wait3A_760 = tpu.memref_slice %arg4[%mul3A_2, %dma_wait3A_759] : memref<78848x768xf32, #tpu.memory_space<hbm>> -> memref<8x768xf32, #tpu.memory_space<hbm>>
    %dma_wait3A_761 = arith.constant 0 : i32
    %dma_wait3A_762 = arith.constant 0 : i32
    %dma_wait3A_763 = tpu.memref_slice %arg6[%dma_wait3A_749, %dma_wait3A_761, %dma_wait3A_762] : memref<14x8x768xf32, #tpu.memory_space<vmem>> -> memref<1x8x768xf32, #tpu.memory_space<vmem>>
    %dma_wait3A_764 = tpu.memref_squeeze %dma_wait3A_763 : memref<1x8x768xf32, #tpu.memory_space<vmem>> -> memref<8x768xf32, #tpu.memory_space<vmem>>
    tpu.wait_dma2 semaphore(%dma_wait3A_758 : memref<!tpu.dma_semaphore, #tpu.memory_space<semaphore_mem>>) src(%dma_wait3A_764 : memref<8x768xf32, #tpu.memory_space<vmem>>) dst(%dma_wait3A_760 : memref<8x768xf32, #tpu.memory_space<hbm>>)
    %dma_wait3A_765 = arith.constant 9 : i32
    %dma_wait3A_766 = arith.constant 9 : i32
    %dma_wait3A_767 = arith.constant 0 : i32
    %dma_wait3A_768 = arith.constant 0 : i32
    %dma_wait3A_769 = tpu.memref_slice %arg6[%dma_wait3A_765, %dma_wait3A_767, %dma_wait3A_768] : memref<14x8x768xf32, #tpu.memory_space<vmem>> -> memref<1x8x768xf32, #tpu.memory_space<vmem>>
    %dma_wait3A_770 = tpu.memref_squeeze %dma_wait3A_769 : memref<1x8x768xf32, #tpu.memory_space<vmem>> -> memref<8x768xf32, #tpu.memory_space<vmem>>
    %dma_wait3A_771 = arith.constant 0 : i32
    %dma_wait3A_772 = tpu.memref_slice %arg4[%mul3A_2, %dma_wait3A_771] : memref<78848x768xf32, #tpu.memory_space<hbm>> -> memref<8x768xf32, #tpu.memory_space<hbm>>
    %dma_wait3A_773 = tpu.memref_slice %arg8[%dma_wait3A_766] : memref<14x!tpu.dma_semaphore, #tpu.memory_space<semaphore_mem>> -> memref<1x!tpu.dma_semaphore, #tpu.memory_space<semaphore_mem>>
    %dma_wait3A_774 = tpu.memref_squeeze %dma_wait3A_773 : memref<1x!tpu.dma_semaphore, #tpu.memory_space<semaphore_mem>> -> memref<!tpu.dma_semaphore, #tpu.memory_space<semaphore_mem>>
    %dma_wait3A_775 = arith.constant 0 : i32
    %dma_wait3A_776 = tpu.memref_slice %arg4[%mul3A_2, %dma_wait3A_775] : memref<78848x768xf32, #tpu.memory_space<hbm>> -> memref<8x768xf32, #tpu.memory_space<hbm>>
    %dma_wait3A_777 = arith.constant 0 : i32
    %dma_wait3A_778 = arith.constant 0 : i32
    %dma_wait3A_779 = tpu.memref_slice %arg6[%dma_wait3A_765, %dma_wait3A_777, %dma_wait3A_778] : memref<14x8x768xf32, #tpu.memory_space<vmem>> -> memref<1x8x768xf32, #tpu.memory_space<vmem>>
    %dma_wait3A_780 = tpu.memref_squeeze %dma_wait3A_779 : memref<1x8x768xf32, #tpu.memory_space<vmem>> -> memref<8x768xf32, #tpu.memory_space<vmem>>
    tpu.wait_dma2 semaphore(%dma_wait3A_774 : memref<!tpu.dma_semaphore, #tpu.memory_space<semaphore_mem>>) src(%dma_wait3A_780 : memref<8x768xf32, #tpu.memory_space<vmem>>) dst(%dma_wait3A_776 : memref<8x768xf32, #tpu.memory_space<hbm>>)
    %dma_wait3A_781 = arith.constant 10 : i32
    %dma_wait3A_782 = arith.constant 10 : i32
    %dma_wait3A_783 = arith.constant 0 : i32
    %dma_wait3A_784 = arith.constant 0 : i32
    %dma_wait3A_785 = tpu.memref_slice %arg6[%dma_wait3A_781, %dma_wait3A_783, %dma_wait3A_784] : memref<14x8x768xf32, #tpu.memory_space<vmem>> -> memref<1x8x768xf32, #tpu.memory_space<vmem>>
    %dma_wait3A_786 = tpu.memref_squeeze %dma_wait3A_785 : memref<1x8x768xf32, #tpu.memory_space<vmem>> -> memref<8x768xf32, #tpu.memory_space<vmem>>
    %dma_wait3A_787 = arith.constant 0 : i32
    %dma_wait3A_788 = tpu.memref_slice %arg4[%mul3A_2, %dma_wait3A_787] : memref<78848x768xf32, #tpu.memory_space<hbm>> -> memref<8x768xf32, #tpu.memory_space<hbm>>
    %dma_wait3A_789 = tpu.memref_slice %arg8[%dma_wait3A_782] : memref<14x!tpu.dma_semaphore, #tpu.memory_space<semaphore_mem>> -> memref<1x!tpu.dma_semaphore, #tpu.memory_space<semaphore_mem>>
    %dma_wait3A_790 = tpu.memref_squeeze %dma_wait3A_789 : memref<1x!tpu.dma_semaphore, #tpu.memory_space<semaphore_mem>> -> memref<!tpu.dma_semaphore, #tpu.memory_space<semaphore_mem>>
    %dma_wait3A_791 = arith.constant 0 : i32
    %dma_wait3A_792 = tpu.memref_slice %arg4[%mul3A_2, %dma_wait3A_791] : memref<78848x768xf32, #tpu.memory_space<hbm>> -> memref<8x768xf32, #tpu.memory_space<hbm>>
    %dma_wait3A_793 = arith.constant 0 : i32
    %dma_wait3A_794 = arith.constant 0 : i32
    %dma_wait3A_795 = tpu.memref_slice %arg6[%dma_wait3A_781, %dma_wait3A_793, %dma_wait3A_794] : memref<14x8x768xf32, #tpu.memory_space<vmem>> -> memref<1x8x768xf32, #tpu.memory_space<vmem>>
    %dma_wait3A_796 = tpu.memref_squeeze %dma_wait3A_795 : memref<1x8x768xf32, #tpu.memory_space<vmem>> -> memref<8x768xf32, #tpu.memory_space<vmem>>
    tpu.wait_dma2 semaphore(%dma_wait3A_790 : memref<!tpu.dma_semaphore, #tpu.memory_space<semaphore_mem>>) src(%dma_wait3A_796 : memref<8x768xf32, #tpu.memory_space<vmem>>) dst(%dma_wait3A_792 : memref<8x768xf32, #tpu.memory_space<hbm>>)
    %dma_wait3A_797 = arith.constant 11 : i32
    %dma_wait3A_798 = arith.constant 11 : i32
    %dma_wait3A_799 = arith.constant 0 : i32
    %dma_wait3A_800 = arith.constant 0 : i32
    %dma_wait3A_801 = tpu.memref_slice %arg6[%dma_wait3A_797, %dma_wait3A_799, %dma_wait3A_800] : memref<14x8x768xf32, #tpu.memory_space<vmem>> -> memref<1x8x768xf32, #tpu.memory_space<vmem>>
    %dma_wait3A_802 = tpu.memref_squeeze %dma_wait3A_801 : memref<1x8x768xf32, #tpu.memory_space<vmem>> -> memref<8x768xf32, #tpu.memory_space<vmem>>
    %dma_wait3A_803 = arith.constant 0 : i32
    %dma_wait3A_804 = tpu.memref_slice %arg4[%mul3A_2, %dma_wait3A_803] : memref<78848x768xf32, #tpu.memory_space<hbm>> -> memref<8x768xf32, #tpu.memory_space<hbm>>
    %dma_wait3A_805 = tpu.memref_slice %arg8[%dma_wait3A_798] : memref<14x!tpu.dma_semaphore, #tpu.memory_space<semaphore_mem>> -> memref<1x!tpu.dma_semaphore, #tpu.memory_space<semaphore_mem>>
    %dma_wait3A_806 = tpu.memref_squeeze %dma_wait3A_805 : memref<1x!tpu.dma_semaphore, #tpu.memory_space<semaphore_mem>> -> memref<!tpu.dma_semaphore, #tpu.memory_space<semaphore_mem>>
    %dma_wait3A_807 = arith.constant 0 : i32
    %dma_wait3A_808 = tpu.memref_slice %arg4[%mul3A_2, %dma_wait3A_807] : memref<78848x768xf32, #tpu.memory_space<hbm>> -> memref<8x768xf32, #tpu.memory_space<hbm>>
    %dma_wait3A_809 = arith.constant 0 : i32
    %dma_wait3A_810 = arith.constant 0 : i32
    %dma_wait3A_811 = tpu.memref_slice %arg6[%dma_wait3A_797, %dma_wait3A_809, %dma_wait3A_810] : memref<14x8x768xf32, #tpu.memory_space<vmem>> -> memref<1x8x768xf32, #tpu.memory_space<vmem>>
    %dma_wait3A_812 = tpu.memref_squeeze %dma_wait3A_811 : memref<1x8x768xf32, #tpu.memory_space<vmem>> -> memref<8x768xf32, #tpu.memory_space<vmem>>
    tpu.wait_dma2 semaphore(%dma_wait3A_806 : memref<!tpu.dma_semaphore, #tpu.memory_space<semaphore_mem>>) src(%dma_wait3A_812 : memref<8x768xf32, #tpu.memory_space<vmem>>) dst(%dma_wait3A_808 : memref<8x768xf32, #tpu.memory_space<hbm>>)
    %dma_wait3A_813 = arith.constant 12 : i32
    %dma_wait3A_814 = arith.constant 12 : i32
    %dma_wait3A_815 = arith.constant 0 : i32
    %dma_wait3A_816 = arith.constant 0 : i32
    %dma_wait3A_817 = tpu.memref_slice %arg6[%dma_wait3A_813, %dma_wait3A_815, %dma_wait3A_816] : memref<14x8x768xf32, #tpu.memory_space<vmem>> -> memref<1x8x768xf32, #tpu.memory_space<vmem>>
    %dma_wait3A_818 = tpu.memref_squeeze %dma_wait3A_817 : memref<1x8x768xf32, #tpu.memory_space<vmem>> -> memref<8x768xf32, #tpu.memory_space<vmem>>
    %dma_wait3A_819 = arith.constant 0 : i32
    %dma_wait3A_820 = tpu.memref_slice %arg4[%mul3A_2, %dma_wait3A_819] : memref<78848x768xf32, #tpu.memory_space<hbm>> -> memref<8x768xf32, #tpu.memory_space<hbm>>
    %dma_wait3A_821 = tpu.memref_slice %arg8[%dma_wait3A_814] : memref<14x!tpu.dma_semaphore, #tpu.memory_space<semaphore_mem>> -> memref<1x!tpu.dma_semaphore, #tpu.memory_space<semaphore_mem>>
    %dma_wait3A_822 = tpu.memref_squeeze %dma_wait3A_821 : memref<1x!tpu.dma_semaphore, #tpu.memory_space<semaphore_mem>> -> memref<!tpu.dma_semaphore, #tpu.memory_space<semaphore_mem>>
    %dma_wait3A_823 = arith.constant 0 : i32
    %dma_wait3A_824 = tpu.memref_slice %arg4[%mul3A_2, %dma_wait3A_823] : memref<78848x768xf32, #tpu.memory_space<hbm>> -> memref<8x768xf32, #tpu.memory_space<hbm>>
    %dma_wait3A_825 = arith.constant 0 : i32
    %dma_wait3A_826 = arith.constant 0 : i32
    %dma_wait3A_827 = tpu.memref_slice %arg6[%dma_wait3A_813, %dma_wait3A_825, %dma_wait3A_826] : memref<14x8x768xf32, #tpu.memory_space<vmem>> -> memref<1x8x768xf32, #tpu.memory_space<vmem>>
    %dma_wait3A_828 = tpu.memref_squeeze %dma_wait3A_827 : memref<1x8x768xf32, #tpu.memory_space<vmem>> -> memref<8x768xf32, #tpu.memory_space<vmem>>
    tpu.wait_dma2 semaphore(%dma_wait3A_822 : memref<!tpu.dma_semaphore, #tpu.memory_space<semaphore_mem>>) src(%dma_wait3A_828 : memref<8x768xf32, #tpu.memory_space<vmem>>) dst(%dma_wait3A_824 : memref<8x768xf32, #tpu.memory_space<hbm>>)
    %dma_wait3A_829 = arith.constant 13 : i32
    %dma_wait3A_830 = arith.constant 13 : i32
    %dma_wait3A_831 = arith.constant 0 : i32
    %dma_wait3A_832 = arith.constant 0 : i32
    %dma_wait3A_833 = tpu.memref_slice %arg6[%dma_wait3A_829, %dma_wait3A_831, %dma_wait3A_832] : memref<14x8x768xf32, #tpu.memory_space<vmem>> -> memref<1x8x768xf32, #tpu.memory_space<vmem>>
    %dma_wait3A_834 = tpu.memref_squeeze %dma_wait3A_833 : memref<1x8x768xf32, #tpu.memory_space<vmem>> -> memref<8x768xf32, #tpu.memory_space<vmem>>
    %dma_wait3A_835 = arith.constant 0 : i32
    %dma_wait3A_836 = tpu.memref_slice %arg4[%mul3A_2, %dma_wait3A_835] : memref<78848x768xf32, #tpu.memory_space<hbm>> -> memref<8x768xf32, #tpu.memory_space<hbm>>
    %dma_wait3A_837 = tpu.memref_slice %arg8[%dma_wait3A_830] : memref<14x!tpu.dma_semaphore, #tpu.memory_space<semaphore_mem>> -> memref<1x!tpu.dma_semaphore, #tpu.memory_space<semaphore_mem>>
    %dma_wait3A_838 = tpu.memref_squeeze %dma_wait3A_837 : memref<1x!tpu.dma_semaphore, #tpu.memory_space<semaphore_mem>> -> memref<!tpu.dma_semaphore, #tpu.memory_space<semaphore_mem>>
    %dma_wait3A_839 = arith.constant 0 : i32
    %dma_wait3A_840 = tpu.memref_slice %arg4[%mul3A_2, %dma_wait3A_839] : memref<78848x768xf32, #tpu.memory_space<hbm>> -> memref<8x768xf32, #tpu.memory_space<hbm>>
    %dma_wait3A_841 = arith.constant 0 : i32
    %dma_wait3A_842 = arith.constant 0 : i32
    %dma_wait3A_843 = tpu.memref_slice %arg6[%dma_wait3A_829, %dma_wait3A_841, %dma_wait3A_842] : memref<14x8x768xf32, #tpu.memory_space<vmem>> -> memref<1x8x768xf32, #tpu.memory_space<vmem>>
    %dma_wait3A_844 = tpu.memref_squeeze %dma_wait3A_843 : memref<1x8x768xf32, #tpu.memory_space<vmem>> -> memref<8x768xf32, #tpu.memory_space<vmem>>
    tpu.wait_dma2 semaphore(%dma_wait3A_838 : memref<!tpu.dma_semaphore, #tpu.memory_space<semaphore_mem>>) src(%dma_wait3A_844 : memref<8x768xf32, #tpu.memory_space<vmem>>) dst(%dma_wait3A_840 : memref<8x768xf32, #tpu.memory_space<hbm>>)
    return
  }
}

</mosaic_0001>

<sc_bundles>
// kernel: kernel.3.cloned.1.call-start
scs
__scs_entry_jumppad:
0x0: {  	(pc) =	sbr.rel $0x88, $3  }
0x1: {  	(tag) =	ssettag $0x0;
	lr =	simm.s32 $0x1  }
0x2: {  	[smem:$0x3F9F] =	sst lr;
	_ =	strace $0xD0000000  }
0x3: {  	_ = 	snop  }
0x4: {  	_ = 	snop  }
0x5: {  	_ = 	snop  }
0x6: {  	_ = 	snop  }
0x7: {  	_ = 	snop  }
__scs_overlays_trampoline_lowered:
0x8: {  	[smem:$0x3FAE] =	sst s0  }
0x9: {  	[smem:$0x3FAF] =	sst s1  }
0xa: {  	[smem:$0x3FB0] =	sst s2  }
0xb: {  	[smem:$0x3FB1] =	sst s3  }
0xc: {  	[smem:$0x3FB2] =	sst s4  }
0xd: {  	[smem:$0x3FB3] =	sst s5  }
0xe: {  	[smem:$0x3FB4] =	sst s6  }
0xf: {  	[smem:$0x3FB5] =	sst s7  }
0x10: {  	[smem:$0x3FB6] =	sst s8  }
0x11: {  	[smem:$0x3FB7] =	sst s9;
	s0 =	simm.s32 @!p0 $0x0  }
0x12: {  	s1 =	sld [smem:$0x3F9D];
	s0 =	simm.s32 @p0 $0x1  }
0x13: {  	[smem:$0x3FB8] =	sst s0;
	s0 =	simm.s32 @!p1 $0x0  }
0x14: {  	s2 =	sld [smem:$0x3F9C];
	s0 =	simm.s32 @p1 $0x1  }
0x15: {  	[smem:$0x3FB9] =	sst s0;
	s0 =	simm.s32 @!p2 $0x0  }
0x16: {  	s3 =	sld [smem:$0x3FDB];
	s0 =	simm.s32 @p2 $0x1  }
0x17: {  	s4 =	simm.s32 $0x1BF5;
	[smem:$0x3FBB] =	sst s0  }
0x18: {  	s0 =	sld [smem:$0x3F9E];
	_ =	swait.ge [sflag:s4], $0x0  }
0x19: {  	s7 =	sld [smem:$0x3F9F]  }
0x1a: {  	s8 =	sadd.s32 $0xFFFFE003, lr  }
0x1b: {  	s9 =	sadd.s32 $0xFFFFFEF7, lr;
	s5 =	simm.s32 $0xFFFFFFFF;
	p2 =	slt.u32 s8, $0xFFFFF086  }
0x1c: {  	p1 =	slt.u32 s9, $0xF7A;
	s5 =	simm.s32 @!p2 $0x0  }
0x1d: {  	s5 =	simm.s32 @p1 $0x1;
	p0 =	seq.s32 s7, s2  }
0x1e: {  	s7 =	smul.u32 @!p0 $0xF7A, s2;
	p2 =	seq.s32 @!p0 s5, $0x0  }
0x1f: {  	s9 =	smul.u32 $0xF7A, s1;
	s8 =	simm.s32 @!p0 $0x1BF5;
	p2 =	por !p2, p0  }
0x20: {  	[sflag:s8] =	ssyncset.s32 @!p0 $0xFFFFF086;
	s6 =	sadd.s32 @!p0 s3, s7;
	s7 =	simm.s32 @!p0 $0x108  }
0x21: {  	s3 =	sadd.s32 s3, s9;
	s6 =	sadd.s32 @!p0 $0x88, s6;
	s7 =	simm.s32 @p2 $0x1082  }
0x22: {  	[simem:s7], [sflag:s8] =	dma.local @!p0 [hbm:s6], $0xF7A  }
0x23: {  	s9 =	sor.u32 $0xD0000000, s2;
	s6 =	simm.s32 $0x108;
	_ =	swait.ge @!p0 [sflag:s8], $0x0  }
0x24: {  	s3 =	sadd.s32 $0x88, s3;
	s6 =	simm.s32 @!p1 $0x1082;
	[sflag:s4] =	ssyncset.s32 $0xFFFFF086  }
0x25: {  	[simem:s6], [sflag:s4] =	dma.local [hbm:s3], $0xF7A  }
0x26: {  	[smem:$0x3F9F] =	sst s1;
	(tag) =	ssettag s2;
	_ =	strace s9  }
0x27: {  	s1 =	sld [smem:$0x3FAF]  }
0x28: {  	s2 =	sld [smem:$0x3FB0]  }
0x29: {  	s4 =	sld [smem:$0x3FB2]  }
0x2a: {  	p0 =	seq.s32 s5, $0x0;
	s5 =	sld [smem:$0x3FB3]  }
0x2b: {  	s6 =	sld [smem:$0x3FB4]  }
0x2c: {  	s7 =	sld [smem:$0x3FB5]  }
0x2d: {  	s3 =	simm.s32 $0x108;
	s8 =	sld [smem:$0x3FB6]  }
0x2e: {  	s3 =	simm.s32 @!p0 $0x1082;
	s9 =	sld [smem:$0x3FB7]  }
0x2f: {  	lr =	sadd.s32 s0, s3;
	s0 =	sld [smem:$0x3FAE]  }
0x30: {  	s3 =	sld [smem:$0x3FB1]  }
0x31: {  	[smem:$0x3FBA] =	sst s10  }
0x32: {  	s10 =	sld [smem:$0x3FB8];
	_ =	sdelay $0x3  }
0x33: {  	p0 =	seq.s32 s10, $0x1;
	s10 =	sld [smem:$0x3FBA];
	_ =	sdelay $0x3  }
0x34: {  	[smem:$0x3FBA] =	sst s10  }
0x35: {  	s10 =	sld [smem:$0x3FB9];
	_ =	sdelay $0x3  }
0x36: {  	p1 =	seq.s32 s10, $0x1;
	s10 =	sld [smem:$0x3FBA];
	_ =	sdelay $0x3  }
0x37: {  	[smem:$0x3FBA] =	sst s10  }
0x38: {  	s10 =	sld [smem:$0x3FBB]  }
0x39: {  	_ = 	snop;
	(pc) =	sbr.ind lr, $3  }
0x3a: {  	_ = 	snop  }
0x3b: {  	_ = 	snop  }
0x3c: {  	p2 =	seq.s32 s10, $0x1;
	s10 =	sld [smem:$0x3FBA]  }
0x3d: {  	_ =	shalt  }
0x3e: {  	_ =	shalt  }
0x3f: {  	_ =	shalt  }
0x40: {  	_ =	shalt  }
0x41: {  	_ =	shalt  }
0x42: {  	_ =	shalt  }
0x43: {  	_ =	shalt  }
0x44: {  	_ =	shalt  }
0x45: {  	_ =	shalt  }
0x46: {  	_ =	shalt  }
0x47: {  	_ =	shalt  }
0x48: {  	_ =	shalt  }
0x49: {  	_ =	shalt  }
0x4a: {  	_ =	shalt  }
0x4b: {  	_ =	shalt  }
0x4c: {  	_ =	shalt  }
0x4d: {  	_ =	shalt  }
0x4e: {  	_ =	shalt  }
0x4f: {  	_ =	shalt  }
0x50: {  	_ =	shalt  }
0x51: {  	_ =	shalt  }
0x52: {  	_ =	shalt  }
0x53: {  	_ =	shalt  }
0x54: {  	_ =	shalt  }
0x55: {  	_ =	shalt  }
0x56: {  	_ =	shalt  }
0x57: {  	_ =	shalt  }
0x58: {  	_ =	shalt  }
0x59: {  	_ =	shalt  }
0x5a: {  	_ =	shalt  }
0x5b: {  	_ =	shalt  }
0x5c: {  	_ =	shalt  }
0x5d: {  	_ =	shalt  }
0x5e: {  	_ =	shalt  }
0x5f: {  	_ =	shalt  }
0x60: {  	_ =	shalt  }
0x61: {  	_ =	shalt  }
0x62: {  	_ =	shalt  }
0x63: {  	_ =	shalt  }
0x64: {  	_ =	shalt  }
0x65: {  	_ =	shalt  }
0x66: {  	_ =	shalt  }
0x67: {  	_ =	shalt  }
0x68: {  	_ =	shalt  }
0x69: {  	_ =	shalt  }
0x6a: {  	_ =	shalt  }
0x6b: {  	_ =	shalt  }
0x6c: {  	_ =	shalt  }
0x6d: {  	_ =	shalt  }
0x6e: {  	_ =	shalt  }
0x6f: {  	_ =	shalt  }
0x70: {  	_ =	shalt  }
0x71: {  	_ =	shalt  }
0x72: {  	_ =	shalt  }
0x73: {  	_ =	shalt  }
0x74: {  	_ =	shalt  }
0x75: {  	_ =	shalt  }
0x76: {  	_ =	shalt  }
0x77: {  	_ =	shalt  }
0x78: {  	_ =	shalt  }
0x79: {  	_ =	shalt  }
0x7a: {  	_ =	shalt  }
0x7b: {  	_ =	shalt  }
0x7c: {  	_ =	shalt  }
0x7d: {  	_ =	shalt  }
0x7e: {  	_ =	shalt  }
0x7f: {  	_ =	shalt  }
0x80: {  	_ =	shalt  }
0x81: {  	_ =	shalt  }
0x82: {  	_ =	shalt  }
0x83: {  	_ =	shalt  }
0x84: {  	_ =	shalt  }
0x85: {  	_ =	shalt  }
0x86: {  	_ =	shalt  }
0x87: {  	_ =	shalt  }
.Lfunc_end0:
.L_simem_size_0:
called_computation_lowered:
.L_overlay_start_0:
0x88: {  	s2 =	sld [smem:$0x3FD9]  }
0x89: {  	s3 =	sld [smem:$0x3FFE];
	_ =	sdelay $0x1  }
0x8a: {  	s1 =	srdreg.scid  }
0x8b: {  	s0 =	sand.u32 $0x1, s1  }
0x8c: {  	s17 =	sshll.u32 s0, $0xA;
	s2 =	sadd.s32 s3, s2  }
0x8d: {  	s2 =	sadd.s32 s2, s17  }
0x8e: {  	[smem:$0x3FC6] =	sst s2  }
0x8f: {  	_ = 	snop  }
0x90: {  	s2 =	sld [smem:$0x3FC8]  }
0x91: {  	s18 =	sld [smem:$0x3FD0];
	(tm) =	ssettm $0x1  }
0x92: {  	s4 =	sld [smem:$0x3FFB];
	_ =	sdelay $0x3  }
0x93: {  	_ =	strace s4  }
0x94: {  	s4 =	sld [smem:$0x3FFC];
	_ =	sdelay $0x3  }
0x95: {  	_ =	strace s4  }
0x96: {  	s4 =	sld [smem:$0x3FFD];
	_ =	sdelay $0x3  }
0x97: {  	_ =	strace s4  }
0x98: {  	_ =	strace $0x8FFFFFFF  }
0x99: {  	s19 =	sld [smem:$0x3FDB];
	_ =	sdelay $0x1  }
0x9a: {  	s5 =	simm.s32 $_scs_section_size  }
0x9b: {  	s6 =	simm.s32 $_size__tile_overlayer_lowered;
	s7 =	simm.s32 $_tile_overlayer_lowered  }
0x9c: {  	s22 =	simm.s32 $0x1BFF;
	s21 =	sshll.u32 s7, $0x1;
	s4 =	sadd.s32 s5, s19  }
0x9d: {  	s8 =	simm.s32 $0x0;
	s20 =	sshll.u32 s6, $0x1;
	s6 =	sadd.s32 s21, s4  }
0x9e: {  	[timem:s8], [sflag:s22] =	dma.local [hbm:s6], s20  }
0x9f: {  	_ =	swait.ge [sflag:s22], s20  }
0xa0: {  	s5 =	ssub.s32 $0x0, s20;
	[sflag:s22] =	ssyncset.done $0x0  }
0xa1: {  	[sflag:s22] =	ssyncadd.s32 s5;
	_ =	sdelay $0x1  }
0xa2: {  	s23 =	simm.s32 $0x1B8B  }
0xa3: {  	_ =	swait.ge [sflag:s23], $0x1  }
0xa4: {  	[sflag:s23] =	ssyncset.done $0x0  }
0xa5: {  	s25 =	simm.s32 $0x1B8E;
	s24 =	sld [smem:$0x3FFE];
	[sflag:s23] =	ssyncadd.s32 $0xFFFFFFFF  }
0xa6: {  	s26 =	simm.s32 $execute0_lowered;
	[smem:$0x3FD2] =	sst s25  }
0xa7: {  	s6 =	sshll.u32 s26, $0x1;
	_ =	strace $0x80000046;
	[dreg:$0x1] =	wrdreg $0xFFFFFFFF  }
0xa8: {  	s28 =	simm.s32 $_size_execute0_lowered;
	s4 =	sadd.s32 s4, s6;
	[dreg:$0x0] =	wrdreg $0x0  }
0xa9: {  	s6 =	sshll.u32 s28, $0x1;
	[dreg:$0x2] =	wrdreg s4  }
0xaa: {  	[dreg:$0x3] =	wrdreg s6  }
0xab: {  	[dreg:$0x4] =	wrdreg $0xC0  }
0xac: {  	_ =	task [dreg:s8], $0x5FFFF  }
0xad: {  	[dreg:$0x1] =	wrdreg $0xFFFFFFFF  }
0xae: {  	[dreg:$0x0] =	wrdreg $0x60  }
0xaf: {  	[dreg:$0x2] =	wrdreg s24  }
0xb0: {  	[dreg:$0x3] =	wrdreg s2  }
0xb1: {  	[dreg:$0x4] =	wrdreg s18  }
0xb2: {  	[dreg:$0x5] =	wrdreg $0x9  }
0xb3: {  	_ =	task.clear_ibuf [dreg:s8], $0x6FFFF;
	_ =	strace $0x90000046  }
0xb4: {  	s29 =	simm.s32 $0x9;
	_ =	strace $0x80000048  }
0xb5: {  	_ =	swait.ge [sflag:s29], $0x1  }
0xb6: {  	[sflag:s29] =	ssyncadd.s32 $0xFFFFFFFF  }
0xb7: {  	_ =	strace $0x90000048  }
0xb8: {  	_ =	sfence  }
0xb9: {  	s30 =	sld [smem:$0x0];
	_ =	sdelay $0x2  }
0xba: {  	s31 =	sshll.u32 s1, $0xD;
	s1 =	sshrl.u32 s1, $0x2  }
0xbb: {  	s3 =	sand.u32 $0x4000, s31;
	s1 =	sadd.s32 s1, s30  }
0xbc: {  	s0 =	sor.u32 s3, s0;
	s1 =	sshll.u32 s1, $0x11  }
0xbd: {  	s0 =	sor.u32 s1, s0  }
0xbe: {  	s0 =	sadd.s32 $0x8F2B, s0  }
0xbf: {  	[sflag:s0] =	ssyncadd.remote.s32 $0x1  }
0xc0: {  	_ =	sfence.sel $0xFFFF  }
0xc1: {  	[dreg:$0x0] =	wrdreg $0xFFFFFFFF;
	(pc) =	sbr.abs _section_cstart, $3  }
0xc2: {  	[dreg:$0x1] =	wrdreg $0xFFFFFFFF  }
0xc3: {  	_ =	task.clear_ibuf [dreg:s8], $0x2FFFF;
	_ =	strace $0x9FFFFFFF  }
0xc4: {  	(tm) =	ssettm $0x7FFFFFFF  }
0xc5: {  	_ =	shalt  }
tec
execute0_lowered:
.L_overlay_start_1:
0x0: {  	(tag) =	ssettag $0x1  }
0x1: {  	s0 =	srdreg.scid;
	s1 =	rddreg [dreg:$0x0]  }
0x2: {  	s11 =	stileid.u32;
	s2 =	rddreg [dreg:$0x1]  }
0x3: {  	s12 =	rddreg [dreg:$0x2];
	s4 =	simm.s32 $0x0;
	s28 =	simm.s32 $0x2A00  }
0x4: {  	s29 =	simm.s32 $0xEA00;
	s30 =	simm.s32 $0x12A00;
	s31 =	simm.s32 $0x14A00  }
0x5: {  	s3 =	sand.u32 $0x1, s0;
	s21 =	sshll.u32 s11, $0x1;
	[smem:$0x7FF] =	sst s4  }
0x6: {  	s14 =	smul.u32 $0x1340, s11;
	s0 =	sor.u32 s3, s21;
	s22 =	ssub.s32 $0x2, s3  }
0x7: {  	_ =	strace $0x80000047;
	s5 =	smul.u32 $0x9A0, s0;
	s6 =	sshrl.u32 s22, $0x1  }
0x8: {  	s16 =	smul.u32 $0x9A0, s3;
	s0 =	ssub.s32 s22, s6;
	s6 =	sadd.s32 $0x100, s2  }
0x9: {  	s7 =	sshrl.u32 s5, $0x3;
	s8 =	sadd.s32 $0x28, s5;
	s10 =	sadd.s32 $0x968, s5  }
0xa: {  	s21 =	sadd.s32 $0x978, s5;
	s0 =	smax.u32 s0, $0x1;
	s23 =	smul.u32 $0x300, s7  }
0xb: {  	s1 =	sadd.s32 s7, s1;
	s9 =	smul.u32 $0x1800, s7;
	s8 =	sshrl.u32 s8, $0x3  }
0xc: {  	s7 =	sadd.s32 $0x200, s2;
	s10 =	sshrl.u32 s10, $0x3;
	s3 =	sshrl.u32 s21, $0x3  }
0xd: {  	[smem:$0x7FC] =	sst s0;
	s0 =	simm.s32 $0xD200;
	s1 =	sadd.s32 $0x400, s1  }
0xe: {  	s8 =	smul.u32 $0x300, s8;
	[dreg:$0x11] =	wrdreg s1;
	s13 =	sadd.s32 s12, s23  }
0xf: {  	s25 =	smul.u32 $0x300, s10;
	s26 =	sadd.s32 $0x300, s13;
	[dreg:$0x12] =	wrdreg s13  }
0x10: {  	s3 =	smul.u32 $0x300, s3;
	s17 =	sadd.s32 $0xC00, s13;
	[dreg:$0x13] =	wrdreg s26  }
0x11: {  	s24 =	sshrl.u32 s9, $0x3;
	s18 =	sadd.s32 s12, s8;
	[dreg:$0x16] =	wrdreg s17  }
0x12: {  	s1 =	sadd.s32 s12, s24;
	s19 =	sadd.s32 $0x1200, s13;
	[dreg:$0x17] =	wrdreg s18  }
0x13: {  	s20 =	sadd.s32 s12, s25;
	s22 =	sadd.s32 $0x38A00, s13;
	[dreg:$0x18] =	wrdreg s19  }
0x14: {  	s25 =	sadd.s32 $0x988, s5;
	s3 =	sadd.s32 s12, s3;
	[dreg:$0x19] =	wrdreg s20  }
0x15: {  	s5 =	sadd.s32 $0x998, s5;
	s15 =	sadd.s32 $0x600, s1;
	[dreg:$0x1a] =	wrdreg s22  }
0x16: {  	s1 =	sadd.s32 $0x900, s1;
	[dreg:$0x1b] =	wrdreg s3;
	s26 =	sshrl.u32 s25, $0x3  }
0x17: {  	s5 =	sshrl.u32 s5, $0x3;
	[dreg:$0x14] =	wrdreg s15;
	s3 =	smul.u32 $0x300, s26  }
0x18: {  	[dreg:$0x15] =	wrdreg s1;
	s1 =	sadd.s32 s16, s14;
	s5 =	smul.u32 $0x300, s5  }
0x19: {  	s23 =	sadd.s32 $0x78, s1;
	s24 =	sadd.s32 $0x80, s1;
	s11 =	sadd.s32 $0x88, s1  }
0x1a: {  	s15 =	sadd.s32 $0x90, s1;
	s16 =	sadd.s32 $0x98, s1;
	s17 =	sadd.s32 $0x68, s1  }
0x1b: {  	s22 =	sadd.s32 $0x60, s1;
	s25 =	sadd.s32 $0x50, s1;
	s26 =	sadd.s32 $0x48, s1  }
0x1c: {  	s8 =	sshrl.u32 s23, $0x3;
	s9 =	sshrl.u32 s24, $0x3;
	s14 =	sshrl.u32 s11, $0x3  }
0x1d: {  	s11 =	sshrl.u32 s17, $0x3;
	s23 =	sshrl.u32 s22, $0x3;
	s8 =	smul.u32 $0x300, s8  }
0x1e: {  	s24 =	sadd.s32 $0x58, s1;
	s3 =	sadd.s32 s12, s3;
	s9 =	smul.u32 $0x300, s9  }
0x1f: {  	s5 =	sadd.s32 s12, s5;
	s19 =	smul.u32 $0x300, s11;
	[dreg:$0x1d] =	wrdreg s3  }
0x20: {  	s11 =	sshrl.u32 s26, $0x3;
	[dreg:$0x1f] =	wrdreg s5;
	s26 =	sadd.s32 $0x70, s1  }
0x21: {  	s3 =	simm.s32 $0xCA00;
	s11 =	smul.u32 $0x300, s11;
	[smem:$0x7FD] =	sst s26  }
0x22: {  	s26 =	simm.s32 $0x1A00;
	s8 =	sadd.s32 s8, s12;
	s10 =	sadd.s32 s9, s12  }
0x23: {  	s9 =	sshrl.u32 s15, $0x3;
	s21 =	sadd.s32 s19, s12;
	[dreg:$0x4] =	wrdreg s8  }
0x24: {  	s19 =	sadd.s32 $0xA0, s1;
	[dreg:$0x5] =	wrdreg s10;
	s8 =	smul.u32 $0x300, s14  }
0x25: {  	s9 =	smul.u32 $0x300, s9;
	s10 =	sshrl.u32 s16, $0x3;
	[dreg:$0x9] =	wrdreg s21  }
0x26: {  	s15 =	sadd.s32 s11, s12;
	s16 =	sadd.s32 $0x40, s1;
	s11 =	simm.s32 $0x2  }
0x27: {  	s10 =	smul.u32 $0x300, s10;
	[dreg:$0xd] =	wrdreg s15;
	s17 =	sshrl.u32 s16, $0x3  }
0x28: {  	s15 =	simm.s32 $0x4;
	s8 =	sadd.s32 s8, s12;
	s18 =	sadd.s32 s9, s12  }
0x29: {  	s9 =	sshrl.u32 s24, $0x3;
	[dreg:$0x6] =	wrdreg s8;
	s8 =	smul.u32 $0x300, s23  }
0x2a: {  	[dreg:$0x7] =	wrdreg s18;
	s20 =	sadd.s32 s10, s12;
	s9 =	smul.u32 $0x300, s9  }
0x2b: {  	s10 =	sshrl.u32 s25, $0x3;
	s23 =	sadd.s32 $0x39600, s13;
	[dreg:$0x8] =	wrdreg s20  }
0x2c: {  	s18 =	sadd.s32 $0x38, s1;
	s20 =	sadd.s32 $0x39000, s13;
	[dreg:$0x1e] =	wrdreg s23  }
0x2d: {  	s1 =	simm.s32 $0x0;
	s8 =	sadd.s32 s8, s12;
	[dreg:$0x1c] =	wrdreg s20  }
0x2e: {  	s10 =	smul.u32 $0x300, s10;
	s9 =	sadd.s32 s9, s12;
	[dreg:$0xa] =	wrdreg s8  }
0x2f: {  	s13 =	simm.s32 $0x2200;
	s20 =	simm.s32 $0x1200;
	[dreg:$0xb] =	wrdreg s9  }
0x30: {  	s14 =	sadd.s32 s10, s12;
	s8 =	smul.u32 $0x300, s17;
	s9 =	sshrl.u32 s18, $0x3  }
0x31: {  	s10 =	sshrl.u32 s19, $0x3;
	s17 =	simm.s32 $0xB200;
	s19 =	simm.s32 $0xBA00  }
0x32: {  	s18 =	simm.s32 $0x11200;
	[dreg:$0xc] =	wrdreg s14;
	s9 =	smul.u32 $0x300, s9  }
0x33: {  	s22 =	smul.u32 $0x300, s10;
	s14 =	simm.s32 $0xA00;
	s21 =	sadd.s32 s8, s12  }
0x34: {  	s10 =	simm.s32 $0x13200;
	[dreg:$0xe] =	wrdreg s21;
	s24 =	sadd.s32 s9, s12  }
0x35: {  	v0 =	vlaneseq.u32;
	s25 =	sadd.s32 s22, s12;
	s9 =	simm.s32 $0xFA00;
	s12 =	simm.s32 $0x10200  }
0x36: {  	v1 =	vshrl.u32 v0, $0x3;
	s21 =	simm.s32 $0x11A00;
	s22 =	simm.s32 $0x14200;
	[dreg:$0xf] =	wrdreg s24  }
0x37: {  	vm0 =	vmmov $0xffff;
	v0 =	vand.u32 $0x7, v0;
	v1 =	vmul.u32 $0x8, v1;
	[dreg:$0x10] =	wrdreg s25;
	s25 =	simm.s32 $0xE200;
	s24 =	simm.s32 $0x5  }
.LBB2_1:
0x38: {  	[smem:$0x7FB] =	sst s1  }
0x39: {  	s5 =	rddreg [dreg:$0x11];
	s1 =	simm.s32 $0x1D  }
0x3a: {  	[tilespmem:s4], [sflag:$0x1D] =	stream.linear.gather [hbm4b:s5+s4], $0x9A0, $0x38;
	[tilespmem:$0x15A00] =	vst v63  }
0x3b: {  	_ =	swait.ge [sflag:s1], $0x9A0  }
0x3c: {  	[sflag:s1] =	ssyncset.done $0x0  }
0x3d: {  	[sflag:s1] =	ssyncadd.s32 $0xFFFFF660  }
0x3e: {  	v2 =	vld.msk [tilespmem:$0x0], $0xff;
	_ =	sdelay $0x4  }
0x3f: {  	v3 =	vshrl.u32 v2, $0x3  }
0x40: {  	v3 =	vmul.u32 $0x30, v3  }
0x41: {  	v2 =	vand.u32 $0x7, v2  }
0x42: {  	v2 =	vor.u32 v2, v3  }
0x43: {  	v2 =	vperm.xlane v2, v0;
	_ =	sdelay $0x1  }
0x44: {  	v2 =	vadd.s32 v1, v2;
	_ =	sdelay $0x4  }
0x45: {  	[tilespmem:s14], [sflag:$0x1] =	stream.indirect_vreg.gather [hbm4b:s2+s4], $0x80, v2, vm0, $0xb8;
	[tilespmem:$0x15A00] =	vst v63  }
0x46: {  	_ = 	snop  }
0x47: {  	[tilespmem:s20], [sflag:$0x1] =	stream.indirect_vreg.gather [hbm4b:s6+s4], $0x80, v2, vm0, $0xb8;
	[tilespmem:$0x15A00] =	vst v63  }
0x48: {  	_ = 	snop  }
0x49: {  	[tilespmem:s26], [sflag:$0x1] =	stream.indirect_vreg.gather [hbm4b:s7+s4], $0x80, v2, vm0, $0xb8;
	[tilespmem:$0x15A00] =	vst v63  }
0x4a: {  	v2 =	vld.msk [tilespmem:$0x8], $0xff;
	_ =	sdelay $0x4  }
0x4b: {  	v3 =	vshrl.u32 v2, $0x3  }
0x4c: {  	v3 =	vmul.u32 $0x30, v3  }
0x4d: {  	v2 =	vand.u32 $0x7, v2  }
0x4e: {  	v2 =	vor.u32 v2, v3  }
0x4f: {  	v2 =	vperm.xlane v2, v0;
	_ =	sdelay $0x1  }
0x50: {  	v2 =	vadd.s32 v1, v2;
	_ =	sdelay $0x4  }
0x51: {  	[tilespmem:s13], [sflag:$0x2] =	stream.indirect_vreg.gather [hbm4b:s2+s4], $0x80, v2, vm0, $0xb8;
	[tilespmem:$0x15A00] =	vst v63  }
0x52: {  	_ = 	snop  }
0x53: {  	[tilespmem:s28], [sflag:$0x2] =	stream.indirect_vreg.gather [hbm4b:s6+s4], $0x80, v2, vm0, $0xb8;
	[tilespmem:$0x15A00] =	vst v63  }
0x54: {  	s8 =	simm.s32 $0x3200  }
0x55: {  	[tilespmem:s8], [sflag:$0x2] =	stream.indirect_vreg.gather [hbm4b:s7+s4], $0x80, v2, vm0, $0xb8;
	[tilespmem:$0x15A00] =	vst v63  }
0x56: {  	v2 =	vld.msk [tilespmem:$0x10], $0xff;
	_ =	sdelay $0x4  }
0x57: {  	v3 =	vshrl.u32 v2, $0x3  }
0x58: {  	v3 =	vmul.u32 $0x30, v3  }
0x59: {  	v2 =	vand.u32 $0x7, v2  }
0x5a: {  	v2 =	vor.u32 v2, v3  }
0x5b: {  	v2 =	vperm.xlane v2, v0;
	_ =	sdelay $0x1  }
0x5c: {  	v2 =	vadd.s32 v1, v2;
	_ =	sdelay $0x3  }
0x5d: {  	s8 =	simm.s32 $0x3A00  }
0x5e: {  	[tilespmem:s8], [sflag:$0x3] =	stream.indirect_vreg.gather [hbm4b:s2+s4], $0x80, v2, vm0, $0xb8;
	[tilespmem:$0x15A00] =	vst v63  }
0x5f: {  	s16 =	simm.s32 $0x4200  }
0x60: {  	[tilespmem:s16], [sflag:$0x3] =	stream.indirect_vreg.gather [hbm4b:s6+s4], $0x80, v2, vm0, $0xb8;
	[tilespmem:$0x15A00] =	vst v63  }
0x61: {  	s20 =	simm.s32 $0x4A00  }
0x62: {  	[tilespmem:s20], [sflag:$0x3] =	stream.indirect_vreg.gather [hbm4b:s7+s4], $0x80, v2, vm0, $0xb8;
	[tilespmem:$0x15A00] =	vst v63  }
0x63: {  	v2 =	vld.msk [tilespmem:$0x18], $0xff;
	_ =	sdelay $0x4  }
0x64: {  	v3 =	vshrl.u32 v2, $0x3  }
0x65: {  	v3 =	vmul.u32 $0x30, v3  }
0x66: {  	v2 =	vand.u32 $0x7, v2  }
0x67: {  	v2 =	vor.u32 v2, v3  }
0x68: {  	v2 =	vperm.xlane v2, v0;
	_ =	sdelay $0x1  }
0x69: {  	v2 =	vadd.s32 v1, v2;
	_ =	sdelay $0x3  }
0x6a: {  	s16 =	simm.s32 $0x5200  }
0x6b: {  	[tilespmem:s16], [sflag:$0x4] =	stream.indirect_vreg.gather [hbm4b:s2+s4], $0x80, v2, vm0, $0xb8;
	[tilespmem:$0x15A00] =	vst v63  }
0x6c: {  	s23 =	simm.s32 $0x5A00  }
0x6d: {  	[tilespmem:s23], [sflag:$0x4] =	stream.indirect_vreg.gather [hbm4b:s6+s4], $0x80, v2, vm0, $0xb8;
	[tilespmem:$0x15A00] =	vst v63  }
0x6e: {  	s26 =	simm.s32 $0x6200  }
0x6f: {  	[tilespmem:s26], [sflag:$0x4] =	stream.indirect_vreg.gather [hbm4b:s7+s4], $0x80, v2, vm0, $0xb8;
	[tilespmem:$0x15A00] =	vst v63  }
0x70: {  	v2 =	vld.msk [tilespmem:$0x20], $0xff;
	_ =	sdelay $0x4  }
0x71: {  	v3 =	vshrl.u32 v2, $0x3  }
0x72: {  	v3 =	vmul.u32 $0x30, v3  }
0x73: {  	v2 =	vand.u32 $0x7, v2  }
0x74: {  	v2 =	vor.u32 v2, v3  }
0x75: {  	v2 =	vperm.xlane v2, v0;
	_ =	sdelay $0x1  }
0x76: {  	v2 =	vadd.s32 v1, v2;
	_ =	sdelay $0x3  }
0x77: {  	s20 =	simm.s32 $0x6A00  }
0x78: {  	[tilespmem:s20], [sflag:$0x5] =	stream.indirect_vreg.gather [hbm4b:s2+s4], $0x80, v2, vm0, $0xb8;
	[tilespmem:$0x15A00] =	vst v63  }
0x79: {  	s5 =	simm.s32 $0x7200  }
0x7a: {  	[tilespmem:s5], [sflag:$0x5] =	stream.indirect_vreg.gather [hbm4b:s6+s4], $0x80, v2, vm0, $0xb8;
	[tilespmem:$0x15A00] =	vst v63  }
0x7b: {  	s23 =	simm.s32 $0x7A00  }
0x7c: {  	[tilespmem:s23], [sflag:$0x5] =	stream.indirect_vreg.gather [hbm4b:s7+s4], $0x80, v2, vm0, $0xb8;
	[tilespmem:$0x15A00] =	vst v63  }
0x7d: {  	v2 =	vld.msk [tilespmem:$0x28], $0xff;
	_ =	sdelay $0x4  }
0x7e: {  	v3 =	vshrl.u32 v2, $0x3  }
0x7f: {  	v3 =	vmul.u32 $0x30, v3  }
0x80: {  	v2 =	vand.u32 $0x7, v2  }
0x81: {  	v2 =	vor.u32 v2, v3  }
0x82: {  	v2 =	vperm.xlane v2, v0;
	_ =	sdelay $0x1  }
0x83: {  	v2 =	vadd.s32 v1, v2;
	_ =	sdelay $0x3  }
0x84: {  	s23 =	simm.s32 $0x8200  }
0x85: {  	[tilespmem:s23], [sflag:$0x6] =	stream.indirect_vreg.gather [hbm4b:s2+s4], $0x80, v2, vm0, $0xb8;
	[tilespmem:$0x15A00] =	vst v63  }
0x86: {  	s26 =	simm.s32 $0x8A00  }
0x87: {  	[tilespmem:s26], [sflag:$0x6] =	stream.indirect_vreg.gather [hbm4b:s6+s4], $0x80, v2, vm0, $0xb8;
	[tilespmem:$0x15A00] =	vst v63  }
0x88: {  	s5 =	simm.s32 $0x9200  }
0x89: {  	[tilespmem:s5], [sflag:$0x6] =	stream.indirect_vreg.gather [hbm4b:s7+s4], $0x80, v2, vm0, $0xb8;
	[tilespmem:$0x15A00] =	vst v63  }
0x8a: {  	v2 =	vld.msk [tilespmem:$0x30], $0xff;
	_ =	sdelay $0x4  }
0x8b: {  	v3 =	vshrl.u32 v2, $0x3  }
0x8c: {  	v3 =	vmul.u32 $0x30, v3  }
0x8d: {  	v2 =	vand.u32 $0x7, v2  }
0x8e: {  	v2 =	vor.u32 v2, v3  }
0x8f: {  	v2 =	vperm.xlane v2, v0;
	_ =	sdelay $0x1  }
0x90: {  	v2 =	vadd.s32 v1, v2;
	_ =	sdelay $0x3  }
0x91: {  	s28 =	simm.s32 $0x9A00  }
0x92: {  	[tilespmem:s28], [sflag:$0x7] =	stream.indirect_vreg.gather [hbm4b:s2+s4], $0x80, v2, vm0, $0xb8;
	[tilespmem:$0x15A00] =	vst v63  }
0x93: {  	s26 =	simm.s32 $0xA200  }
0x94: {  	[tilespmem:s26], [sflag:$0x7] =	stream.indirect_vreg.gather [hbm4b:s6+s4], $0x80, v2, vm0, $0xb8;
	[tilespmem:$0x15A00] =	vst v63  }
0x95: {  	s5 =	simm.s32 $0xAA00  }
0x96: {  	[tilespmem:s5], [sflag:$0x7] =	stream.indirect_vreg.gather [hbm4b:s7+s4], $0x80, v2, vm0, $0xb8;
	[tilespmem:$0x15A00] =	vst v63  }
0x97: {  	v2 =	vld.msk [tilespmem:$0x38], $0xff;
	_ =	sdelay $0x4  }
0x98: {  	v3 =	vshrl.u32 v2, $0x3  }
0x99: {  	v3 =	vmul.u32 $0x30, v3  }
0x9a: {  	v2 =	vand.u32 $0x7, v2  }
0x9b: {  	v2 =	vor.u32 v2, v3  }
0x9c: {  	v2 =	vperm.xlane v2, v0;
	_ =	sdelay $0x1  }
0x9d: {  	v2 =	vadd.s32 v1, v2;
	_ =	sdelay $0x4  }
0x9e: {  	[tilespmem:s17], [sflag:$0x8] =	stream.indirect_vreg.gather [hbm4b:s2+s4], $0x80, v2, vm0, $0xb8;
	[tilespmem:$0x15A00] =	vst v63  }
0x9f: {  	_ = 	snop  }
0xa0: {  	[tilespmem:s19], [sflag:$0x8] =	stream.indirect_vreg.gather [hbm4b:s6+s4], $0x80, v2, vm0, $0xb8;
	[tilespmem:$0x15A00] =	vst v63  }
0xa1: {  	s17 =	simm.s32 $0xC200;
	s19 =	simm.s32 $0x1  }
0xa2: {  	[tilespmem:s17], [sflag:$0x8] =	stream.indirect_vreg.gather [hbm4b:s7+s4], $0x80, v2, vm0, $0xb8;
	[tilespmem:$0x15A00] =	vst v63  }
0xa3: {  	_ =	swait.ge [sflag:s19], $0x1800  }
0xa4: {  	[sflag:s19] =	ssyncset.done $0x0  }
0xa5: {  	s26 =	rddreg [dreg:$0x12];
	[sflag:s19] =	ssyncadd.s32 $0xFFFFE800  }
0xa6: {  	[hbm4b:s26+s4] =	stream.linear.scatter [tilespmem:s14], [sflag:$0xF], $0x1800, $0x38;
	[tilespmem:$0x15A00] =	vst v63  }
0xa7: {  	v2 =	vld.msk [tilespmem:$0x40], $0xff;
	_ =	sdelay $0x4  }
0xa8: {  	v3 =	vshrl.u32 v2, $0x3  }
0xa9: {  	v3 =	vmul.u32 $0x30, v3  }
0xaa: {  	v2 =	vand.u32 $0x7, v2  }
0xab: {  	v2 =	vor.u32 v2, v3  }
0xac: {  	v2 =	vperm.xlane v2, v0;
	_ =	sdelay $0x1  }
0xad: {  	v2 =	vadd.s32 v1, v2;
	_ =	sdelay $0x4  }
0xae: {  	[tilespmem:s3], [sflag:$0x9] =	stream.indirect_vreg.gather [hbm4b:s2+s4], $0x80, v2, vm0, $0xb8;
	[tilespmem:$0x15A00] =	vst v63  }
0xaf: {  	_ = 	snop  }
0xb0: {  	[tilespmem:s0], [sflag:$0x9] =	stream.indirect_vreg.gather [hbm4b:s6+s4], $0x80, v2, vm0, $0xb8;
	[tilespmem:$0x15A00] =	vst v63  }
0xb1: {  	s1 =	simm.s32 $0xDA00  }
0xb2: {  	[tilespmem:s1], [sflag:$0x9] =	stream.indirect_vreg.gather [hbm4b:s7+s4], $0x80, v2, vm0, $0xb8;
	[tilespmem:$0x15A00] =	vst v63  }
0xb3: {  	_ =	swait.ge [sflag:s11], $0x1800  }
0xb4: {  	[sflag:s11] =	ssyncset.done $0x0  }
0xb5: {  	s3 =	rddreg [dreg:$0x13];
	[sflag:s11] =	ssyncadd.s32 $0xFFFFE800  }
0xb6: {  	[hbm4b:s3+s4] =	stream.linear.scatter [tilespmem:s13], [sflag:$0x10], $0x1800, $0x38;
	[tilespmem:$0x15A00] =	vst v63  }
0xb7: {  	v2 =	vld.msk [tilespmem:$0x48], $0xff;
	_ =	sdelay $0x4  }
0xb8: {  	v3 =	vshrl.u32 v2, $0x3  }
0xb9: {  	v3 =	vmul.u32 $0x30, v3  }
0xba: {  	v2 =	vand.u32 $0x7, v2  }
0xbb: {  	v2 =	vor.u32 v2, v3  }
0xbc: {  	v2 =	vperm.xlane v2, v0;
	_ =	sdelay $0x1  }
0xbd: {  	v2 =	vadd.s32 v1, v2;
	_ =	sdelay $0x4  }
0xbe: {  	[tilespmem:s25], [sflag:$0xA] =	stream.indirect_vreg.gather [hbm4b:s2+s4], $0x80, v2, vm0, $0xb8;
	[tilespmem:$0x15A00] =	vst v63  }
0xbf: {  	_ = 	snop  }
0xc0: {  	[tilespmem:s29], [sflag:$0xA] =	stream.indirect_vreg.gather [hbm4b:s6+s4], $0x80, v2, vm0, $0xb8;
	[tilespmem:$0x15A00] =	vst v63  }
0xc1: {  	s5 =	simm.s32 $0xF200;
	s1 =	simm.s32 $0x3  }
0xc2: {  	[tilespmem:s5], [sflag:$0xA] =	stream.indirect_vreg.gather [hbm4b:s7+s4], $0x80, v2, vm0, $0xb8;
	[tilespmem:$0x15A00] =	vst v63  }
0xc3: {  	_ =	swait.ge [sflag:s1], $0x1800  }
0xc4: {  	[sflag:s1] =	ssyncset.done $0x0  }
0xc5: {  	s13 =	rddreg [dreg:$0x14];
	[sflag:s1] =	ssyncadd.s32 $0xFFFFE800  }
0xc6: {  	[hbm4b:s13+s4] =	stream.linear.scatter [tilespmem:s8], [sflag:$0x11], $0x1800, $0x38;
	[tilespmem:$0x15A00] =	vst v63  }
0xc7: {  	v2 =	vld.msk [tilespmem:$0x50], $0xff;
	_ =	sdelay $0x4  }
0xc8: {  	v3 =	vshrl.u32 v2, $0x3  }
0xc9: {  	v3 =	vmul.u32 $0x30, v3  }
0xca: {  	v2 =	vand.u32 $0x7, v2  }
0xcb: {  	v2 =	vor.u32 v2, v3  }
0xcc: {  	v2 =	vperm.xlane v2, v0;
	_ =	sdelay $0x1  }
0xcd: {  	v2 =	vadd.s32 v1, v2;
	_ =	sdelay $0x4  }
0xce: {  	[tilespmem:s9], [sflag:$0xB] =	stream.indirect_vreg.gather [hbm4b:s2+s4], $0x80, v2, vm0, $0xb8;
	[tilespmem:$0x15A00] =	vst v63  }
0xcf: {  	_ = 	snop  }
0xd0: {  	[tilespmem:s12], [sflag:$0xB] =	stream.indirect_vreg.gather [hbm4b:s6+s4], $0x80, v2, vm0, $0xb8;
	[tilespmem:$0x15A00] =	vst v63  }
0xd1: {  	s14 =	simm.s32 $0x10A00  }
0xd2: {  	[tilespmem:s14], [sflag:$0xB] =	stream.indirect_vreg.gather [hbm4b:s7+s4], $0x80, v2, vm0, $0xb8;
	[tilespmem:$0x15A00] =	vst v63  }
0xd3: {  	_ =	swait.ge [sflag:s15], $0x1800  }
0xd4: {  	[sflag:s15] =	ssyncset.done $0x0  }
0xd5: {  	s17 =	rddreg [dreg:$0x15];
	[sflag:s15] =	ssyncadd.s32 $0xFFFFE800  }
0xd6: {  	[hbm4b:s17+s4] =	stream.linear.scatter [tilespmem:s16], [sflag:$0x12], $0x1800, $0x38;
	[tilespmem:$0x15A00] =	vst v63  }
0xd7: {  	v2 =	vld.msk [tilespmem:$0x58], $0xff;
	_ =	sdelay $0x4  }
0xd8: {  	v3 =	vshrl.u32 v2, $0x3  }
0xd9: {  	v3 =	vmul.u32 $0x30, v3  }
0xda: {  	v2 =	vand.u32 $0x7, v2  }
0xdb: {  	v2 =	vor.u32 v2, v3  }
0xdc: {  	v2 =	vperm.xlane v2, v0;
	_ =	sdelay $0x1  }
0xdd: {  	v2 =	vadd.s32 v1, v2;
	_ =	sdelay $0x4  }
0xde: {  	[tilespmem:s18], [sflag:$0xC] =	stream.indirect_vreg.gather [hbm4b:s2+s4], $0x80, v2, vm0, $0xb8;
	[tilespmem:$0x15A00] =	vst v63  }
0xdf: {  	_ = 	snop  }
0xe0: {  	[tilespmem:s21], [sflag:$0xC] =	stream.indirect_vreg.gather [hbm4b:s6+s4], $0x80, v2, vm0, $0xb8;
	[tilespmem:$0x15A00] =	vst v63  }
0xe1: {  	s19 =	simm.s32 $0x12200  }
0xe2: {  	[tilespmem:s19], [sflag:$0xC] =	stream.indirect_vreg.gather [hbm4b:s7+s4], $0x80, v2, vm0, $0xb8;
	[tilespmem:$0x15A00] =	vst v63  }
0xe3: {  	_ =	swait.ge [sflag:s24], $0x1800  }
0xe4: {  	[sflag:s24] =	ssyncset.done $0x0  }
0xe5: {  	s21 =	rddreg [dreg:$0x16];
	[sflag:s24] =	ssyncadd.s32 $0xFFFFE800  }
0xe6: {  	[hbm4b:s21+s4] =	stream.linear.scatter [tilespmem:s20], [sflag:$0x13], $0x1800, $0x38;
	[tilespmem:$0x15A00] =	vst v63  }
0xe7: {  	v2 =	vld.msk [tilespmem:$0x60], $0xff;
	_ =	sdelay $0x4  }
0xe8: {  	v3 =	vshrl.u32 v2, $0x3  }
0xe9: {  	v3 =	vmul.u32 $0x30, v3  }
0xea: {  	v2 =	vand.u32 $0x7, v2  }
0xeb: {  	v2 =	vor.u32 v2, v3  }
0xec: {  	v2 =	vperm.xlane v2, v0;
	_ =	sdelay $0x1  }
0xed: {  	v2 =	vadd.s32 v1, v2;
	_ =	sdelay $0x4  }
0xee: {  	[tilespmem:s30], [sflag:$0xD] =	stream.indirect_vreg.gather [hbm4b:s2+s4], $0x80, v2, vm0, $0xb8;
	[tilespmem:$0x15A00] =	vst v63  }
0xef: {  	_ = 	snop  }
0xf0: {  	[tilespmem:s10], [sflag:$0xD] =	stream.indirect_vreg.gather [hbm4b:s6+s4], $0x80, v2, vm0, $0xb8;
	[tilespmem:$0x15A00] =	vst v63  }
0xf1: {  	s25 =	simm.s32 $0x13A00;
	s16 =	simm.s32 $0x6  }
0xf2: {  	[tilespmem:s25], [sflag:$0xD] =	stream.indirect_vreg.gather [hbm4b:s7+s4], $0x80, v2, vm0, $0xb8;
	[tilespmem:$0x15A00] =	vst v63  }
0xf3: {  	_ =	swait.ge [sflag:s16], $0x1800  }
0xf4: {  	[sflag:s16] =	ssyncset.done $0x0  }
0xf5: {  	s29 =	rddreg [dreg:$0x17];
	[sflag:s16] =	ssyncadd.s32 $0xFFFFE800  }
0xf6: {  	[hbm4b:s29+s4] =	stream.linear.scatter [tilespmem:s23], [sflag:$0x14], $0x1800, $0x38;
	[tilespmem:$0x15A00] =	vst v63  }
0xf7: {  	v2 =	vld.msk [tilespmem:$0x68], $0xff;
	_ =	sdelay $0x4  }
0xf8: {  	v3 =	vshrl.u32 v2, $0x3  }
0xf9: {  	v3 =	vmul.u32 $0x30, v3  }
0xfa: {  	v2 =	vand.u32 $0x7, v2  }
0xfb: {  	v2 =	vor.u32 v2, v3  }
0xfc: {  	v2 =	vperm.xlane v2, v0;
	_ =	sdelay $0x1  }
0xfd: {  	v2 =	vadd.s32 v1, v2;
	_ =	sdelay $0x4  }
0xfe: {  	[tilespmem:s22], [sflag:$0xE] =	stream.indirect_vreg.gather [hbm4b:s2+s4], $0x80, v2, vm0, $0xb8;
	[tilespmem:$0x15A00] =	vst v63  }
0xff: {  	_ = 	snop  }
0x100: {  	[tilespmem:s31], [sflag:$0xE] =	stream.indirect_vreg.gather [hbm4b:s6+s4], $0x80, v2, vm0, $0xb8;
	[tilespmem:$0x15A00] =	vst v63  }
0x101: {  	s8 =	simm.s32 $0x7;
	s30 =	simm.s32 $0x15200  }
0x102: {  	[tilespmem:s30], [sflag:$0xE] =	stream.indirect_vreg.gather [hbm4b:s7+s4], $0x80, v2, vm0, $0xb8;
	[tilespmem:$0x15A00] =	vst v63  }
0x103: {  	_ =	swait.ge [sflag:s8], $0x1800  }
0x104: {  	[sflag:s8] =	ssyncset.done $0x0  }
0x105: {  	s26 =	simm.s32 $0x8;
	s31 =	rddreg [dreg:$0x18];
	[sflag:s8] =	ssyncadd.s32 $0xFFFFE800  }
0x106: {  	[hbm4b:s31+s4] =	stream.linear.scatter [tilespmem:s28], [sflag:$0x15], $0x1800, $0x38;
	[tilespmem:$0x15A00] =	vst v63  }
0x107: {  	s14 =	simm.s32 $0x0;
	s5 =	sld [smem:$0x7FD];
	s28 =	simm.s32 $0xD8  }
.LBB2_2:
0x108: {  	s0 =	simm.s32 $0xF  }
0x109: {  	_ =	swait.ge [sflag:s0], $0x1800  }
0x10a: {  	[sflag:s0] =	ssyncset.done $0x0  }
0x10b: {  	[sflag:s0] =	ssyncadd.s32 $0xFFFFE800  }
0x10c: {  	v2 =	vld.msk [tilespmem:s28+$0xFFFFFF98], $0xff;
	_ =	sdelay $0x4  }
0x10d: {  	v3 =	vshrl.u32 v2, $0x3  }
0x10e: {  	v3 =	vmul.u32 $0x30, v3  }
0x10f: {  	v2 =	vand.u32 $0x7, v2  }
0x110: {  	v2 =	vor.u32 v2, v3  }
0x111: {  	v2 =	vperm.xlane v2, v0;
	_ =	sdelay $0x1  }
0x112: {  	v2 =	vadd.s32 v1, v2;
	_ =	sdelay $0x3  }
0x113: {  	s30 =	simm.s32 $0xA00  }
0x114: {  	[tilespmem:s30], [sflag:$0x1] =	stream.indirect_vreg.gather [hbm4b:s2+s4], $0x80, v2, vm0, $0xb8;
	[tilespmem:$0x15A00] =	vst v63  }
0x115: {  	s23 =	simm.s32 $0x1200  }
0x116: {  	[tilespmem:s23], [sflag:$0x1] =	stream.indirect_vreg.gather [hbm4b:s6+s4], $0x80, v2, vm0, $0xb8;
	[tilespmem:$0x15A00] =	vst v63  }
0x117: {  	s25 =	simm.s32 $0x1A00  }
0x118: {  	[tilespmem:s25], [sflag:$0x1] =	stream.indirect_vreg.gather [hbm4b:s7+s4], $0x80, v2, vm0, $0xb8;
	[tilespmem:$0x15A00] =	vst v63  }
0x119: {  	_ =	swait.ge [sflag:s26], $0x1800  }
0x11a: {  	s19 =	simm.s32 $0xB200;
	s20 =	rddreg [dreg:$0xf];
	[sflag:s26] =	ssyncset.done $0x0  }
0x11b: {  	s3 =	simm.s32 $0x10;
	[sflag:s26] =	ssyncadd.s32 $0xFFFFE800;
	s20 =	sadd.s32 s14, s20  }
0x11c: {  	[hbm4b:s20+s4] =	stream.linear.scatter [tilespmem:s19], [sflag:$0x16], $0x1800, $0x38;
	[tilespmem:$0x15A00] =	vst v63  }
0x11d: {  	_ =	swait.ge [sflag:s3], $0x1800  }
0x11e: {  	[sflag:s3] =	ssyncset.done $0x0  }
0x11f: {  	[sflag:s3] =	ssyncadd.s32 $0xFFFFE800  }
0x120: {  	v2 =	vld.msk [tilespmem:s28+$0xFFFFFFA0], $0xff;
	_ =	sdelay $0x4  }
0x121: {  	v3 =	vshrl.u32 v2, $0x3  }
0x122: {  	v3 =	vmul.u32 $0x30, v3  }
0x123: {  	v2 =	vand.u32 $0x7, v2  }
0x124: {  	v2 =	vor.u32 v2, v3  }
0x125: {  	v2 =	vperm.xlane v2, v0;
	_ =	sdelay $0x1  }
0x126: {  	v2 =	vadd.s32 v1, v2;
	_ =	sdelay $0x3  }
0x127: {  	s25 =	simm.s32 $0x2200  }
0x128: {  	[tilespmem:s25], [sflag:$0x2] =	stream.indirect_vreg.gather [hbm4b:s2+s4], $0x80, v2, vm0, $0xb8;
	[tilespmem:$0x15A00] =	vst v63  }
0x129: {  	s9 =	simm.s32 $0x2A00  }
0x12a: {  	[tilespmem:s9], [sflag:$0x2] =	stream.indirect_vreg.gather [hbm4b:s6+s4], $0x80, v2, vm0, $0xb8;
	[tilespmem:$0x15A00] =	vst v63  }
0x12b: {  	s10 =	simm.s32 $0x3200;
	s12 =	simm.s32 $0x9  }
0x12c: {  	[tilespmem:s10], [sflag:$0x2] =	stream.indirect_vreg.gather [hbm4b:s7+s4], $0x80, v2, vm0, $0xb8;
	[tilespmem:$0x15A00] =	vst v63  }
0x12d: {  	_ =	swait.ge [sflag:s12], $0x1800  }
0x12e: {  	s0 =	simm.s32 $0xCA00;
	s13 =	rddreg [dreg:$0xe];
	[sflag:s12] =	ssyncset.done $0x0  }
0x12f: {  	s3 =	simm.s32 $0x11;
	[sflag:s12] =	ssyncadd.s32 $0xFFFFE800;
	s20 =	sadd.s32 s14, s13  }
0x130: {  	[hbm4b:s20+s4] =	stream.linear.scatter [tilespmem:s0], [sflag:$0x17], $0x1800, $0x38;
	[tilespmem:$0x15A00] =	vst v63  }
0x131: {  	_ =	swait.ge [sflag:s3], $0x1800  }
0x132: {  	[sflag:s3] =	ssyncset.done $0x0  }
0x133: {  	[sflag:s3] =	ssyncadd.s32 $0xFFFFE800  }
0x134: {  	v2 =	vld.msk [tilespmem:s28+$0xFFFFFFA8], $0xff;
	_ =	sdelay $0x4  }
0x135: {  	v3 =	vshrl.u32 v2, $0x3  }
0x136: {  	v3 =	vmul.u32 $0x30, v3  }
0x137: {  	v2 =	vand.u32 $0x7, v2  }
0x138: {  	v2 =	vor.u32 v2, v3  }
0x139: {  	v2 =	vperm.xlane v2, v0;
	_ =	sdelay $0x1  }
0x13a: {  	v2 =	vadd.s32 v1, v2;
	_ =	sdelay $0x3  }
0x13b: {  	s9 =	simm.s32 $0x3A00  }
0x13c: {  	[tilespmem:s9], [sflag:$0x3] =	stream.indirect_vreg.gather [hbm4b:s2+s4], $0x80, v2, vm0, $0xb8;
	[tilespmem:$0x15A00] =	vst v63  }
0x13d: {  	s17 =	simm.s32 $0x4200  }
0x13e: {  	[tilespmem:s17], [sflag:$0x3] =	stream.indirect_vreg.gather [hbm4b:s6+s4], $0x80, v2, vm0, $0xb8;
	[tilespmem:$0x15A00] =	vst v63  }
0x13f: {  	s18 =	simm.s32 $0x4A00;
	s20 =	simm.s32 $0xA  }
0x140: {  	[tilespmem:s18], [sflag:$0x3] =	stream.indirect_vreg.gather [hbm4b:s7+s4], $0x80, v2, vm0, $0xb8;
	[tilespmem:$0x15A00] =	vst v63  }
0x141: {  	_ =	swait.ge [sflag:s20], $0x1800  }
0x142: {  	s29 =	simm.s32 $0xE200;
	s21 =	rddreg [dreg:$0xd];
	[sflag:s20] =	ssyncset.done $0x0  }
0x143: {  	s22 =	simm.s32 $0x12;
	[sflag:s20] =	ssyncadd.s32 $0xFFFFE800;
	s20 =	sadd.s32 s14, s21  }
0x144: {  	[hbm4b:s20+s4] =	stream.linear.scatter [tilespmem:s29], [sflag:$0x18], $0x1800, $0x38;
	[tilespmem:$0x15A00] =	vst v63  }
0x145: {  	_ =	swait.ge [sflag:s22], $0x1800  }
0x146: {  	[sflag:s22] =	ssyncset.done $0x0  }
0x147: {  	[sflag:s22] =	ssyncadd.s32 $0xFFFFE800  }
0x148: {  	v2 =	vld.msk [tilespmem:s28+$0xFFFFFFB0], $0xff;
	_ =	sdelay $0x4  }
0x149: {  	v3 =	vshrl.u32 v2, $0x3  }
0x14a: {  	v3 =	vmul.u32 $0x30, v3  }
0x14b: {  	v2 =	vand.u32 $0x7, v2  }
0x14c: {  	v2 =	vor.u32 v2, v3  }
0x14d: {  	v2 =	vperm.xlane v2, v0;
	_ =	sdelay $0x1  }
0x14e: {  	v2 =	vadd.s32 v1, v2;
	_ =	sdelay $0x3  }
0x14f: {  	s18 =	simm.s32 $0x5200  }
0x150: {  	[tilespmem:s18], [sflag:$0x4] =	stream.indirect_vreg.gather [hbm4b:s2+s4], $0x80, v2, vm0, $0xb8;
	[tilespmem:$0x15A00] =	vst v63  }
0x151: {  	s23 =	simm.s32 $0x5A00  }
0x152: {  	[tilespmem:s23], [sflag:$0x4] =	stream.indirect_vreg.gather [hbm4b:s6+s4], $0x80, v2, vm0, $0xb8;
	[tilespmem:$0x15A00] =	vst v63  }
0x153: {  	s10 =	simm.s32 $0x6200;
	s12 =	simm.s32 $0xB  }
0x154: {  	[tilespmem:s10], [sflag:$0x4] =	stream.indirect_vreg.gather [hbm4b:s7+s4], $0x80, v2, vm0, $0xb8;
	[tilespmem:$0x15A00] =	vst v63  }
0x155: {  	_ =	swait.ge [sflag:s12], $0x1800  }
0x156: {  	s17 =	simm.s32 $0x13;
	s13 =	rddreg [dreg:$0xc];
	[sflag:s12] =	ssyncset.done $0x0  }
0x157: {  	[sflag:s12] =	ssyncadd.s32 $0xFFFFE800;
	s20 =	sadd.s32 s14, s13;
	s12 =	simm.s32 $0xFA00  }
0x158: {  	[hbm4b:s20+s4] =	stream.linear.scatter [tilespmem:s12], [sflag:$0x19], $0x1800, $0x38;
	[tilespmem:$0x15A00] =	vst v63  }
0x159: {  	_ =	swait.ge [sflag:s17], $0x1800  }
0x15a: {  	[sflag:s17] =	ssyncset.done $0x0  }
0x15b: {  	[sflag:s17] =	ssyncadd.s32 $0xFFFFE800  }
0x15c: {  	v2 =	vld.msk [tilespmem:s28+$0xFFFFFFB8], $0xff;
	_ =	sdelay $0x4  }
0x15d: {  	v3 =	vshrl.u32 v2, $0x3  }
0x15e: {  	v3 =	vmul.u32 $0x30, v3  }
0x15f: {  	v2 =	vand.u32 $0x7, v2  }
0x160: {  	v2 =	vor.u32 v2, v3  }
0x161: {  	v2 =	vperm.xlane v2, v0;
	_ =	sdelay $0x1  }
0x162: {  	v2 =	vadd.s32 v1, v2;
	_ =	sdelay $0x3  }
0x163: {  	s22 =	simm.s32 $0x6A00  }
0x164: {  	[tilespmem:s22], [sflag:$0x5] =	stream.indirect_vreg.gather [hbm4b:s2+s4], $0x80, v2, vm0, $0xb8;
	[tilespmem:$0x15A00] =	vst v63  }
0x165: {  	s20 =	simm.s32 $0x7200  }
0x166: {  	[tilespmem:s20], [sflag:$0x5] =	stream.indirect_vreg.gather [hbm4b:s6+s4], $0x80, v2, vm0, $0xb8;
	[tilespmem:$0x15A00] =	vst v63  }
0x167: {  	s21 =	simm.s32 $0x7A00;
	s23 =	simm.s32 $0xC  }
0x168: {  	[tilespmem:s21], [sflag:$0x5] =	stream.indirect_vreg.gather [hbm4b:s7+s4], $0x80, v2, vm0, $0xb8;
	[tilespmem:$0x15A00] =	vst v63  }
0x169: {  	_ =	swait.ge [sflag:s23], $0x1800  }
0x16a: {  	s13 =	simm.s32 $0x14;
	s10 =	rddreg [dreg:$0xb];
	[sflag:s23] =	ssyncset.done $0x0  }
0x16b: {  	s21 =	simm.s32 $0x11200;
	[sflag:s23] =	ssyncadd.s32 $0xFFFFE800;
	s20 =	sadd.s32 s14, s10  }
0x16c: {  	[hbm4b:s20+s4] =	stream.linear.scatter [tilespmem:s21], [sflag:$0x1A], $0x1800, $0x38;
	[tilespmem:$0x15A00] =	vst v63  }
0x16d: {  	_ =	swait.ge [sflag:s13], $0x1800  }
0x16e: {  	[sflag:s13] =	ssyncset.done $0x0  }
0x16f: {  	[sflag:s13] =	ssyncadd.s32 $0xFFFFE800  }
0x170: {  	v2 =	vld.msk [tilespmem:s28+$0xFFFFFFC0], $0xff;
	_ =	sdelay $0x4  }
0x171: {  	v3 =	vshrl.u32 v2, $0x3  }
0x172: {  	v3 =	vmul.u32 $0x30, v3  }
0x173: {  	v2 =	vand.u32 $0x7, v2  }
0x174: {  	v2 =	vor.u32 v2, v3  }
0x175: {  	v2 =	vperm.xlane v2, v0;
	_ =	sdelay $0x1  }
0x176: {  	v2 =	vadd.s32 v1, v2;
	_ =	sdelay $0x3  }
0x177: {  	s23 =	simm.s32 $0x8200  }
0x178: {  	[tilespmem:s23], [sflag:$0x6] =	stream.indirect_vreg.gather [hbm4b:s2+s4], $0x80, v2, vm0, $0xb8;
	[tilespmem:$0x15A00] =	vst v63  }
0x179: {  	s17 =	simm.s32 $0x8A00  }
0x17a: {  	[tilespmem:s17], [sflag:$0x6] =	stream.indirect_vreg.gather [hbm4b:s6+s4], $0x80, v2, vm0, $0xb8;
	[tilespmem:$0x15A00] =	vst v63  }
0x17b: {  	s10 =	simm.s32 $0xD;
	s20 =	simm.s32 $0x9200  }
0x17c: {  	[tilespmem:s20], [sflag:$0x6] =	stream.indirect_vreg.gather [hbm4b:s7+s4], $0x80, v2, vm0, $0xb8;
	[tilespmem:$0x15A00] =	vst v63  }
0x17d: {  	_ =	swait.ge [sflag:s10], $0x1800  }
0x17e: {  	s17 =	simm.s32 $0x15;
	s13 =	rddreg [dreg:$0xa];
	[sflag:s10] =	ssyncset.done $0x0  }
0x17f: {  	[sflag:s10] =	ssyncadd.s32 $0xFFFFE800;
	s20 =	sadd.s32 s14, s13;
	s10 =	simm.s32 $0x12A00  }
0x180: {  	[hbm4b:s20+s4] =	stream.linear.scatter [tilespmem:s10], [sflag:$0x1B], $0x1800, $0x38;
	[tilespmem:$0x15A00] =	vst v63  }
0x181: {  	_ =	swait.ge [sflag:s17], $0x1800  }
0x182: {  	[sflag:s17] =	ssyncset.done $0x0  }
0x183: {  	[sflag:s17] =	ssyncadd.s32 $0xFFFFE800  }
0x184: {  	v2 =	vld.msk [tilespmem:s28+$0xFFFFFFC8], $0xff;
	_ =	sdelay $0x4  }
0x185: {  	v3 =	vshrl.u32 v2, $0x3  }
0x186: {  	v3 =	vmul.u32 $0x30, v3  }
0x187: {  	v2 =	vand.u32 $0x7, v2  }
0x188: {  	v2 =	vor.u32 v2, v3  }
0x189: {  	v2 =	vperm.xlane v2, v0;
	_ =	sdelay $0x1  }
0x18a: {  	v2 =	vadd.s32 v1, v2;
	_ =	sdelay $0x3  }
0x18b: {  	s13 =	simm.s32 $0x9A00  }
0x18c: {  	[tilespmem:s13], [sflag:$0x7] =	stream.indirect_vreg.gather [hbm4b:s2+s4], $0x80, v2, vm0, $0xb8;
	[tilespmem:$0x15A00] =	vst v63  }
0x18d: {  	s20 =	simm.s32 $0xA200  }
0x18e: {  	[tilespmem:s20], [sflag:$0x7] =	stream.indirect_vreg.gather [hbm4b:s6+s4], $0x80, v2, vm0, $0xb8;
	[tilespmem:$0x15A00] =	vst v63  }
0x18f: {  	s17 =	simm.s32 $0xAA00;
	s20 =	simm.s32 $0xE  }
0x190: {  	[tilespmem:s17], [sflag:$0x7] =	stream.indirect_vreg.gather [hbm4b:s7+s4], $0x80, v2, vm0, $0xb8;
	[tilespmem:$0x15A00] =	vst v63  }
0x191: {  	_ =	swait.ge [sflag:s20], $0x1800  }
0x192: {  	s31 =	simm.s32 $0x14200;
	s17 =	rddreg [dreg:$0x9];
	[sflag:s20] =	ssyncset.done $0x0  }
0x193: {  	[sflag:s20] =	ssyncadd.s32 $0xFFFFE800;
	s20 =	sadd.s32 s14, s17;
	s17 =	simm.s32 $0x16  }
0x194: {  	[hbm4b:s20+s4] =	stream.linear.scatter [tilespmem:s31], [sflag:$0x1C], $0x1800, $0x38;
	[tilespmem:$0x15A00] =	vst v63  }
0x195: {  	_ =	swait.ge [sflag:s17], $0x1800  }
0x196: {  	[sflag:s17] =	ssyncset.done $0x0  }
0x197: {  	[sflag:s17] =	ssyncadd.s32 $0xFFFFE800  }
0x198: {  	v2 =	vld.msk [tilespmem:s28+$0xFFFFFFD0], $0xff;
	_ =	sdelay $0x4  }
0x199: {  	v3 =	vshrl.u32 v2, $0x3  }
0x19a: {  	v3 =	vmul.u32 $0x30, v3  }
0x19b: {  	v2 =	vand.u32 $0x7, v2  }
0x19c: {  	v2 =	vor.u32 v2, v3  }
0x19d: {  	v2 =	vperm.xlane v2, v0;
	_ =	sdelay $0x1  }
0x19e: {  	v2 =	vadd.s32 v1, v2;
	_ =	sdelay $0x4  }
0x19f: {  	[tilespmem:s19], [sflag:$0x8] =	stream.indirect_vreg.gather [hbm4b:s2+s4], $0x80, v2, vm0, $0xb8;
	[tilespmem:$0x15A00] =	vst v63  }
0x1a0: {  	s19 =	simm.s32 $0xBA00  }
0x1a1: {  	[tilespmem:s19], [sflag:$0x8] =	stream.indirect_vreg.gather [hbm4b:s6+s4], $0x80, v2, vm0, $0xb8;
	[tilespmem:$0x15A00] =	vst v63  }
0x1a2: {  	s3 =	simm.s32 $0x1;
	s20 =	simm.s32 $0xC200  }
0x1a3: {  	[tilespmem:s20], [sflag:$0x8] =	stream.indirect_vreg.gather [hbm4b:s7+s4], $0x80, v2, vm0, $0xb8;
	[tilespmem:$0x15A00] =	vst v63  }
0x1a4: {  	_ =	swait.ge [sflag:s3], $0x1800  }
0x1a5: {  	s20 =	sshrl.u32 s5, $0x3;
	[sflag:s3] =	ssyncset.done $0x0  }
0x1a6: {  	s20 =	smul.u32 $0x300, s20;
	[sflag:s3] =	ssyncadd.s32 $0xFFFFE800  }
0x1a7: {  	s3 =	rddreg [dreg:$0x2]  }
0x1a8: {  	s20 =	sadd.s32 s3, s20  }
0x1a9: {  	[hbm4b:s20+s4] =	stream.linear.scatter [tilespmem:s30], [sflag:$0xF], $0x1800, $0x38;
	[tilespmem:$0x15A00] =	vst v63  }
0x1aa: {  	s20 =	simm.s32 $0x17  }
0x1ab: {  	_ =	swait.ge [sflag:s20], $0x1800  }
0x1ac: {  	[sflag:s20] =	ssyncset.done $0x0  }
0x1ad: {  	[sflag:s20] =	ssyncadd.s32 $0xFFFFE800  }
0x1ae: {  	v2 =	vld.msk [tilespmem:s28+$0xFFFFFFD8], $0xff;
	_ =	sdelay $0x4  }
0x1af: {  	v3 =	vshrl.u32 v2, $0x3  }
0x1b0: {  	v3 =	vmul.u32 $0x30, v3  }
0x1b1: {  	v2 =	vand.u32 $0x7, v2  }
0x1b2: {  	v2 =	vor.u32 v2, v3  }
0x1b3: {  	v2 =	vperm.xlane v2, v0;
	_ =	sdelay $0x1  }
0x1b4: {  	v2 =	vadd.s32 v1, v2;
	_ =	sdelay $0x4  }
0x1b5: {  	[tilespmem:s0], [sflag:$0x9] =	stream.indirect_vreg.gather [hbm4b:s2+s4], $0x80, v2, vm0, $0xb8;
	[tilespmem:$0x15A00] =	vst v63  }
0x1b6: {  	s0 =	simm.s32 $0xD200  }
0x1b7: {  	[tilespmem:s0], [sflag:$0x9] =	stream.indirect_vreg.gather [hbm4b:s6+s4], $0x80, v2, vm0, $0xb8;
	[tilespmem:$0x15A00] =	vst v63  }
0x1b8: {  	s20 =	simm.s32 $0xDA00  }
0x1b9: {  	[tilespmem:s20], [sflag:$0x9] =	stream.indirect_vreg.gather [hbm4b:s7+s4], $0x80, v2, vm0, $0xb8;
	[tilespmem:$0x15A00] =	vst v63  }
0x1ba: {  	_ =	swait.ge [sflag:s11], $0x1800  }
0x1bb: {  	s20 =	rddreg [dreg:$0x4];
	[sflag:s11] =	ssyncset.done $0x0  }
0x1bc: {  	[sflag:s11] =	ssyncadd.s32 $0xFFFFE800;
	s20 =	sadd.s32 s14, s20  }
0x1bd: {  	[hbm4b:s20+s4] =	stream.linear.scatter [tilespmem:s25], [sflag:$0x10], $0x1800, $0x38;
	[tilespmem:$0x15A00] =	vst v63  }
0x1be: {  	s25 =	simm.s32 $0x18  }
0x1bf: {  	_ =	swait.ge [sflag:s25], $0x1800  }
0x1c0: {  	[sflag:s25] =	ssyncset.done $0x0  }
0x1c1: {  	[sflag:s25] =	ssyncadd.s32 $0xFFFFE800  }
0x1c2: {  	v2 =	vld.msk [tilespmem:s28+$0xFFFFFFE0], $0xff;
	_ =	sdelay $0x4  }
0x1c3: {  	v3 =	vshrl.u32 v2, $0x3  }
0x1c4: {  	v3 =	vmul.u32 $0x30, v3  }
0x1c5: {  	v2 =	vand.u32 $0x7, v2  }
0x1c6: {  	v2 =	vor.u32 v2, v3  }
0x1c7: {  	v2 =	vperm.xlane v2, v0;
	_ =	sdelay $0x1  }
0x1c8: {  	v2 =	vadd.s32 v1, v2;
	_ =	sdelay $0x4  }
0x1c9: {  	[tilespmem:s29], [sflag:$0xA] =	stream.indirect_vreg.gather [hbm4b:s2+s4], $0x80, v2, vm0, $0xb8;
	[tilespmem:$0x15A00] =	vst v63  }
0x1ca: {  	s29 =	simm.s32 $0xEA00  }
0x1cb: {  	[tilespmem:s29], [sflag:$0xA] =	stream.indirect_vreg.gather [hbm4b:s6+s4], $0x80, v2, vm0, $0xb8;
	[tilespmem:$0x15A00] =	vst v63  }
0x1cc: {  	s20 =	simm.s32 $0xF200  }
0x1cd: {  	[tilespmem:s20], [sflag:$0xA] =	stream.indirect_vreg.gather [hbm4b:s7+s4], $0x80, v2, vm0, $0xb8;
	[tilespmem:$0x15A00] =	vst v63  }
0x1ce: {  	_ =	swait.ge [sflag:s1], $0x1800  }
0x1cf: {  	s20 =	rddreg [dreg:$0x5];
	[sflag:s1] =	ssyncset.done $0x0  }
0x1d0: {  	[sflag:s1] =	ssyncadd.s32 $0xFFFFE800;
	s20 =	sadd.s32 s14, s20  }
0x1d1: {  	[hbm4b:s20+s4] =	stream.linear.scatter [tilespmem:s9], [sflag:$0x11], $0x1800, $0x38;
	[tilespmem:$0x15A00] =	vst v63  }
0x1d2: {  	s20 =	simm.s32 $0x19  }
0x1d3: {  	_ =	swait.ge [sflag:s20], $0x1800  }
0x1d4: {  	[sflag:s20] =	ssyncset.done $0x0  }
0x1d5: {  	[sflag:s20] =	ssyncadd.s32 $0xFFFFE800  }
0x1d6: {  	v2 =	vld.msk [tilespmem:s28+$0xFFFFFFE8], $0xff;
	_ =	sdelay $0x4  }
0x1d7: {  	v3 =	vshrl.u32 v2, $0x3  }
0x1d8: {  	v3 =	vmul.u32 $0x30, v3  }
0x1d9: {  	v2 =	vand.u32 $0x7, v2  }
0x1da: {  	v2 =	vor.u32 v2, v3  }
0x1db: {  	v2 =	vperm.xlane v2, v0;
	_ =	sdelay $0x1  }
0x1dc: {  	v2 =	vadd.s32 v1, v2;
	_ =	sdelay $0x4  }
0x1dd: {  	[tilespmem:s12], [sflag:$0xB] =	stream.indirect_vreg.gather [hbm4b:s2+s4], $0x80, v2, vm0, $0xb8;
	[tilespmem:$0x15A00] =	vst v63  }
0x1de: {  	s12 =	simm.s32 $0x10200  }
0x1df: {  	[tilespmem:s12], [sflag:$0xB] =	stream.indirect_vreg.gather [hbm4b:s6+s4], $0x80, v2, vm0, $0xb8;
	[tilespmem:$0x15A00] =	vst v63  }
0x1e0: {  	s20 =	simm.s32 $0x10A00  }
0x1e1: {  	[tilespmem:s20], [sflag:$0xB] =	stream.indirect_vreg.gather [hbm4b:s7+s4], $0x80, v2, vm0, $0xb8;
	[tilespmem:$0x15A00] =	vst v63  }
0x1e2: {  	_ =	swait.ge [sflag:s15], $0x1800  }
0x1e3: {  	s20 =	rddreg [dreg:$0x6];
	[sflag:s15] =	ssyncset.done $0x0  }
0x1e4: {  	[sflag:s15] =	ssyncadd.s32 $0xFFFFE800;
	s20 =	sadd.s32 s14, s20  }
0x1e5: {  	[hbm4b:s20+s4] =	stream.linear.scatter [tilespmem:s18], [sflag:$0x12], $0x1800, $0x38;
	[tilespmem:$0x15A00] =	vst v63  }
0x1e6: {  	s20 =	simm.s32 $0x1A  }
0x1e7: {  	_ =	swait.ge [sflag:s20], $0x1800  }
0x1e8: {  	[sflag:s20] =	ssyncset.done $0x0  }
0x1e9: {  	[sflag:s20] =	ssyncadd.s32 $0xFFFFE800  }
0x1ea: {  	v2 =	vld.msk [tilespmem:s28+$0xFFFFFFF0], $0xff;
	_ =	sdelay $0x4  }
0x1eb: {  	v3 =	vshrl.u32 v2, $0x3  }
0x1ec: {  	v3 =	vmul.u32 $0x30, v3  }
0x1ed: {  	v2 =	vand.u32 $0x7, v2  }
0x1ee: {  	v2 =	vor.u32 v2, v3  }
0x1ef: {  	v2 =	vperm.xlane v2, v0;
	_ =	sdelay $0x1  }
0x1f0: {  	v2 =	vadd.s32 v1, v2;
	_ =	sdelay $0x4  }
0x1f1: {  	[tilespmem:s21], [sflag:$0xC] =	stream.indirect_vreg.gather [hbm4b:s2+s4], $0x80, v2, vm0, $0xb8;
	[tilespmem:$0x15A00] =	vst v63  }
0x1f2: {  	s21 =	simm.s32 $0x11A00  }
0x1f3: {  	[tilespmem:s21], [sflag:$0xC] =	stream.indirect_vreg.gather [hbm4b:s6+s4], $0x80, v2, vm0, $0xb8;
	[tilespmem:$0x15A00] =	vst v63  }
0x1f4: {  	s20 =	simm.s32 $0x12200  }
0x1f5: {  	[tilespmem:s20], [sflag:$0xC] =	stream.indirect_vreg.gather [hbm4b:s7+s4], $0x80, v2, vm0, $0xb8;
	[tilespmem:$0x15A00] =	vst v63  }
0x1f6: {  	_ =	swait.ge [sflag:s24], $0x1800  }
0x1f7: {  	s20 =	rddreg [dreg:$0x7];
	[sflag:s24] =	ssyncset.done $0x0  }
0x1f8: {  	[sflag:s24] =	ssyncadd.s32 $0xFFFFE800;
	s20 =	sadd.s32 s14, s20  }
0x1f9: {  	[hbm4b:s20+s4] =	stream.linear.scatter [tilespmem:s22], [sflag:$0x13], $0x1800, $0x38;
	[tilespmem:$0x15A00] =	vst v63  }
0x1fa: {  	s22 =	simm.s32 $0x1B  }
0x1fb: {  	_ =	swait.ge [sflag:s22], $0x1800  }
0x1fc: {  	[sflag:s22] =	ssyncset.done $0x0  }
0x1fd: {  	[sflag:s22] =	ssyncadd.s32 $0xFFFFE800  }
0x1fe: {  	v2 =	vld.msk [tilespmem:s28+$0xFFFFFFF8], $0xff;
	_ =	sdelay $0x4  }
0x1ff: {  	v3 =	vshrl.u32 v2, $0x3  }
0x200: {  	v3 =	vmul.u32 $0x30, v3  }
0x201: {  	v2 =	vand.u32 $0x7, v2  }
0x202: {  	v2 =	vor.u32 v2, v3  }
0x203: {  	v2 =	vperm.xlane v2, v0;
	_ =	sdelay $0x1  }
0x204: {  	v2 =	vadd.s32 v1, v2;
	_ =	sdelay $0x4  }
0x205: {  	[tilespmem:s10], [sflag:$0xD] =	stream.indirect_vreg.gather [hbm4b:s2+s4], $0x80, v2, vm0, $0xb8;
	[tilespmem:$0x15A00] =	vst v63  }
0x206: {  	s10 =	simm.s32 $0x13200  }
0x207: {  	[tilespmem:s10], [sflag:$0xD] =	stream.indirect_vreg.gather [hbm4b:s6+s4], $0x80, v2, vm0, $0xb8;
	[tilespmem:$0x15A00] =	vst v63  }
0x208: {  	s22 =	simm.s32 $0x13A00  }
0x209: {  	[tilespmem:s22], [sflag:$0xD] =	stream.indirect_vreg.gather [hbm4b:s7+s4], $0x80, v2, vm0, $0xb8;
	[tilespmem:$0x15A00] =	vst v63  }
0x20a: {  	_ =	swait.ge [sflag:s16], $0x1800  }
0x20b: {  	s22 =	rddreg [dreg:$0x8];
	[sflag:s16] =	ssyncset.done $0x0  }
0x20c: {  	[sflag:s16] =	ssyncadd.s32 $0xFFFFE800;
	s20 =	sadd.s32 s14, s22;
	s22 =	simm.s32 $0x1C  }
0x20d: {  	[hbm4b:s20+s4] =	stream.linear.scatter [tilespmem:s23], [sflag:$0x14], $0x1800, $0x38;
	[tilespmem:$0x15A00] =	vst v63  }
0x20e: {  	_ =	swait.ge [sflag:s22], $0x1800  }
0x20f: {  	[sflag:s22] =	ssyncset.done $0x0  }
0x210: {  	[sflag:s22] =	ssyncadd.s32 $0xFFFFE800  }
0x211: {  	v2 =	vld.msk [tilespmem:s28+$0x0], $0xff;
	_ =	sdelay $0x4  }
0x212: {  	v3 =	vshrl.u32 v2, $0x3  }
0x213: {  	v3 =	vmul.u32 $0x30, v3  }
0x214: {  	v2 =	vand.u32 $0x7, v2  }
0x215: {  	v2 =	vor.u32 v2, v3  }
0x216: {  	v2 =	vperm.xlane v2, v0;
	_ =	sdelay $0x1  }
0x217: {  	v2 =	vadd.s32 v1, v2;
	_ =	sdelay $0x3  }
0x218: {  	p0 =	sne.s32 s14, $0x34800  }
0x219: {  	[tilespmem:s31], [sflag:$0xE] =	stream.indirect_vreg.gather [hbm4b:s2+s4], $0x80, v2, vm0, $0xb8;
	[tilespmem:$0x15A00] =	vst v63  }
0x21a: {  	s17 =	simm.s32 $0xB200;
	s5 =	sadd.s32 $0x70, s5;
	s31 =	simm.s32 $0x14A00  }
0x21b: {  	[tilespmem:s31], [sflag:$0xE] =	stream.indirect_vreg.gather [hbm4b:s6+s4], $0x80, v2, vm0, $0xb8;
	[tilespmem:$0x15A00] =	vst v63  }
0x21c: {  	s3 =	simm.s32 $0xCA00;
	s30 =	simm.s32 $0x12A00;
	s23 =	simm.s32 $0x15200  }
0x21d: {  	[tilespmem:s23], [sflag:$0xE] =	stream.indirect_vreg.gather [hbm4b:s7+s4], $0x80, v2, vm0, $0xb8;
	[tilespmem:$0x15A00] =	vst v63  }
.Ltmp0:
0x21e: {  	s25 =	simm.s32 $0xE200;
	s9 =	simm.s32 $0xFA00;
	(pc) =	sbr.rel @p0 .LBB2_2-.Ltmp0, $4  }
0x21f: {  	s18 =	simm.s32 $0x11200;
	s22 =	simm.s32 $0x14200;
	_ =	swait.ge [sflag:s8], $0x1800  }
0x220: {  	s28 =	sadd.s32 $0x70, s28;
	s23 =	rddreg [dreg:$0x10];
	[sflag:s8] =	ssyncset.done $0x0  }
0x221: {  	[sflag:s8] =	ssyncadd.s32 $0xFFFFE800;
	s20 =	sadd.s32 s14, s23;
	s14 =	sadd.s32 $0x2A00, s14  }
0x222: {  	[hbm4b:s20+s4] =	stream.linear.scatter [tilespmem:s13], [sflag:$0x15], $0x1800, $0x38;
	[tilespmem:$0x15A00] =	vst v63  }
0x223: {  	_ =	swait.ge [sflag:s26], $0x1800  }
0x224: {  	[sflag:s26] =	ssyncset.done $0x0  }
0x225: {  	s1 =	simm.s32 $0x9;
	s5 =	rddreg [dreg:$0x19];
	[sflag:s26] =	ssyncadd.s32 $0xFFFFE800  }
0x226: {  	[hbm4b:s5+s4] =	stream.linear.scatter [tilespmem:s17], [sflag:$0x16], $0x1800, $0x38;
	[tilespmem:$0x15A00] =	vst v63  }
0x227: {  	_ =	swait.ge [sflag:s1], $0x1800  }
0x228: {  	[sflag:s1] =	ssyncset.done $0x0  }
0x229: {  	s26 =	simm.s32 $0xA;
	s23 =	rddreg [dreg:$0x1a];
	[sflag:s1] =	ssyncadd.s32 $0xFFFFE800  }
0x22a: {  	[hbm4b:s23+s4] =	stream.linear.scatter [tilespmem:s3], [sflag:$0x17], $0x1800, $0x38;
	[tilespmem:$0x15A00] =	vst v63  }
0x22b: {  	_ =	swait.ge [sflag:s26], $0x1800  }
0x22c: {  	[sflag:s26] =	ssyncset.done $0x0  }
0x22d: {  	s8 =	simm.s32 $0xB;
	s1 =	rddreg [dreg:$0x1b];
	[sflag:s26] =	ssyncadd.s32 $0xFFFFE800  }
0x22e: {  	[hbm4b:s1+s4] =	stream.linear.scatter [tilespmem:s25], [sflag:$0x18], $0x1800, $0x38;
	[tilespmem:$0x15A00] =	vst v63  }
0x22f: {  	_ =	swait.ge [sflag:s8], $0x1800  }
0x230: {  	[sflag:s8] =	ssyncset.done $0x0  }
0x231: {  	s14 =	simm.s32 $0xC;
	s13 =	rddreg [dreg:$0x1c];
	[sflag:s8] =	ssyncadd.s32 $0xFFFFE800  }
0x232: {  	[hbm4b:s13+s4] =	stream.linear.scatter [tilespmem:s9], [sflag:$0x19], $0x1800, $0x38;
	[tilespmem:$0x15A00] =	vst v63  }
0x233: {  	_ =	swait.ge [sflag:s14], $0x1800  }
0x234: {  	[sflag:s14] =	ssyncset.done $0x0  }
0x235: {  	s20 =	simm.s32 $0xD;
	s16 =	rddreg [dreg:$0x1d];
	[sflag:s14] =	ssyncadd.s32 $0xFFFFE800  }
0x236: {  	[hbm4b:s16+s4] =	stream.linear.scatter [tilespmem:s18], [sflag:$0x1A], $0x1800, $0x38;
	[tilespmem:$0x15A00] =	vst v63  }
0x237: {  	_ =	swait.ge [sflag:s20], $0x1800  }
0x238: {  	[sflag:s20] =	ssyncset.done $0x0  }
0x239: {  	s26 =	simm.s32 $0xE;
	s23 =	rddreg [dreg:$0x1e];
	[sflag:s20] =	ssyncadd.s32 $0xFFFFE800  }
0x23a: {  	[hbm4b:s23+s4] =	stream.linear.scatter [tilespmem:s30], [sflag:$0x1B], $0x1800, $0x38;
	[tilespmem:$0x15A00] =	vst v63  }
0x23b: {  	_ =	swait.ge [sflag:s26], $0x1800  }
0x23c: {  	[sflag:s26] =	ssyncset.done $0x0  }
0x23d: {  	s8 =	simm.s32 $0xF;
	s1 =	rddreg [dreg:$0x1f];
	[sflag:s26] =	ssyncadd.s32 $0xFFFFE800  }
0x23e: {  	[hbm4b:s1+s4] =	stream.linear.scatter [tilespmem:s22], [sflag:$0x1C], $0x1800, $0x38;
	[tilespmem:$0x15A00] =	vst v63  }
0x23f: {  	_ =	swait.ge [sflag:s8], $0x1800  }
0x240: {  	[sflag:s8] =	ssyncset.done $0x0  }
0x241: {  	s13 =	simm.s32 $0x10;
	[sflag:s8] =	ssyncadd.s32 $0xFFFFE800  }
0x242: {  	_ =	swait.ge [sflag:s13], $0x1800  }
0x243: {  	[sflag:s13] =	ssyncset.done $0x0  }
0x244: {  	s14 =	simm.s32 $0x11;
	[sflag:s13] =	ssyncadd.s32 $0xFFFFE800  }
0x245: {  	_ =	swait.ge [sflag:s14], $0x1800  }
0x246: {  	[sflag:s14] =	ssyncset.done $0x0  }
0x247: {  	s16 =	simm.s32 $0x12;
	[sflag:s14] =	ssyncadd.s32 $0xFFFFE800  }
0x248: {  	_ =	swait.ge [sflag:s16], $0x1800  }
0x249: {  	[sflag:s16] =	ssyncset.done $0x0  }
0x24a: {  	s20 =	simm.s32 $0x13;
	[sflag:s16] =	ssyncadd.s32 $0xFFFFE800  }
0x24b: {  	_ =	swait.ge [sflag:s20], $0x1800  }
0x24c: {  	[sflag:s20] =	ssyncset.done $0x0  }
0x24d: {  	s23 =	simm.s32 $0x14;
	[sflag:s20] =	ssyncadd.s32 $0xFFFFE800  }
0x24e: {  	_ =	swait.ge [sflag:s23], $0x1800  }
0x24f: {  	[sflag:s23] =	ssyncset.done $0x0  }
0x250: {  	s26 =	simm.s32 $0x15;
	[sflag:s23] =	ssyncadd.s32 $0xFFFFE800  }
0x251: {  	_ =	swait.ge [sflag:s26], $0x1800  }
0x252: {  	[sflag:s26] =	ssyncset.done $0x0  }
0x253: {  	s5 =	simm.s32 $0x16;
	[sflag:s26] =	ssyncadd.s32 $0xFFFFE800  }
0x254: {  	_ =	swait.ge [sflag:s5], $0x1800  }
0x255: {  	[sflag:s5] =	ssyncset.done $0x0  }
0x256: {  	s8 =	simm.s32 $0x17;
	[sflag:s5] =	ssyncadd.s32 $0xFFFFE800  }
0x257: {  	_ =	swait.ge [sflag:s8], $0x1800  }
0x258: {  	[sflag:s8] =	ssyncset.done $0x0  }
0x259: {  	s13 =	simm.s32 $0x18;
	[sflag:s8] =	ssyncadd.s32 $0xFFFFE800  }
0x25a: {  	_ =	swait.ge [sflag:s13], $0x1800  }
0x25b: {  	[sflag:s13] =	ssyncset.done $0x0  }
0x25c: {  	s14 =	simm.s32 $0x19;
	[sflag:s13] =	ssyncadd.s32 $0xFFFFE800  }
0x25d: {  	_ =	swait.ge [sflag:s14], $0x1800  }
0x25e: {  	[sflag:s14] =	ssyncset.done $0x0  }
0x25f: {  	s16 =	simm.s32 $0x1A;
	[sflag:s14] =	ssyncadd.s32 $0xFFFFE800  }
0x260: {  	_ =	swait.ge [sflag:s16], $0x1800  }
0x261: {  	[sflag:s16] =	ssyncset.done $0x0  }
0x262: {  	s20 =	simm.s32 $0x1B;
	[sflag:s16] =	ssyncadd.s32 $0xFFFFE800  }
0x263: {  	_ =	swait.ge [sflag:s20], $0x1800  }
0x264: {  	[sflag:s20] =	ssyncset.done $0x0  }
0x265: {  	s8 =	simm.s32 $0x1C;
	[sflag:s20] =	ssyncadd.s32 $0xFFFFE800  }
0x266: {  	_ =	swait.ge [sflag:s8], $0x1800  }
0x267: {  	s23 =	sld [smem:$0x7FB]  }
0x268: {  	s26 =	sld [smem:$0x7FC];
	_ =	sdelay $0x1  }
0x269: {  	s1 =	sadd.s32 $0x1, s23  }
0x26a: {  	p0 =	sne.s32 s1, s26  }
.Ltmp1:
0x26b: {  	_ = 	snop;
	(pc) =	sbr.rel @p0 .LBB2_1-.Ltmp1, $4  }
0x26c: {  	_ = 	snop  }
0x26d: {  	s28 =	simm.s32 $0x2A00  }
0x26e: {  	s13 =	simm.s32 $0x2200;
	s14 =	simm.s32 $0xA00;
	[sflag:s8] =	ssyncset.done $0x0  }
0x26f: {  	s20 =	simm.s32 $0x1200;
	[sflag:s8] =	ssyncadd.s32 $0xFFFFE800;
	s26 =	simm.s32 $0x1A00  }
0x270: {  	_ =	sfence.sel $0x180000  }
0x271: {  	[bflag:$0x0] =	sbarrier.arrive $0xFFFF  }
0x272: {  	_ =	strace $0x90000047  }
0x273: {  	s0 =	stileid.u32;
	[bflag:$0x2] =	sbarrier.arrive $0xFFFF  }
0x274: {  	p0 =	sne.s32 s0, $0x0;
	s0 =	rddreg [dreg:$0x3]  }
0x275: {  	s0 =	sadd.s32 @!p0 $0x100000, s0  }
0x276: {  	[sflag:s0] =	ssyncadd.tile.s32 @!p0 $0x1;
	_ =	shalt  }
.Lfunc_end2:
_tile_overlayer_lowered:
.L_overlay_start_2:
0x277: {  	(tag) =	ssettag $0x2  }
0x278: {  	s0 =	rddreg [dreg:$0x0];
	s2 =	stileid.u32  }
0x279: {  	s1 =	rddreg [dreg:$0x1];
	p0 =	sne.s32 s2, $0x0  }
0x27a: {  	s3 =	rddreg [dreg:$0x2];
	[bflag:$0x3] =	sbarrier.arrive $0xFFFF;
	s2 =	simm.s32 @!p0 $0x1C1D  }
0x27b: {  	[timem:s3], [sflag:s2] =	dma.local @!p0 [hbm:s0], s1  }
0x27c: {  	s0 =	simm.s32 @!p0 $0x1D  }
0x27d: {  	_ =	swait.ge @!p0 [sflag:s0], s1  }
0x27e: {  	s1 =	ssub.s32 @!p0 $0x0, s1;
	[sflag:s0] =	ssyncset.done @!p0 $0x0  }
0x27f: {  	[sflag:s0] =	ssyncadd.s32 @!p0 s1  }
0x280: {  	[bflag:$0x3] =	sbarrier.arrive $0xFFFF  }
0x281: {  	_ =	shalt  }

</sc_bundles>
